<compile_context>
chip_gen: v7x
topology: tpu7x:2x2x1
jax: 0.10.2.dev20260603
libtpu: 0.0.44.dev20260713+nightly
codegen_flags: <defaults>
</compile_context>

<pallas_src>
import functools

import jax
import jax.numpy as jnp
from jax import lax
from jax.experimental import pallas as pl
from jax.experimental.pallas import tpu as pltpu
from jax.experimental.pallas import tpu_sc as plsc

NC, NS = 2, 16
NW = NC * NS
CH = 128
Q = 4
NB = 2


def _cdiv(a, b):
    return -(-a // b)


@functools.lru_cache(maxsize=None)
def _make_seg_sum(width, groups, npad, with_counts):
    assert groups % NB == 0
    zr = npad // NS
    outs = [jax.ShapeDtypeStruct((NC, npad, width), jnp.float32)]
    scratch = [
        pltpu.VMEM((NB, Q, CH), jnp.int32),
        pltpu.VMEM((NB, Q, CH), jnp.int32),
        pltpu.VMEM((NB, Q, CH, width), jnp.float32),
        pltpu.VMEM_SHARED((npad, width), jnp.float32),
    ] + [pltpu.SemaphoreType.DMA] * (3 * NB)
    if with_counts:
        outs.append(jax.ShapeDtypeStruct((NC, npad, 16), jnp.float32))
        scratch += [
            pltpu.VMEM((CH, 16), jnp.float32),
            pltpu.VMEM_SHARED((npad, 16), jnp.float32),
        ]
    mesh = plsc.VectorSubcoreMesh(core_axis_name="c", subcore_axis_name="s")

    def body(*refs):
        if with_counts:
            (table, srcp, dstp, zrow, zcnt, ones, part, cpart,
             sidx, didx, rows, acc, *rest) = refs
            gsem, ssem, isem = (rest[:NB], rest[NB:2 * NB],
                                rest[2 * NB:3 * NB])
            onesv, cacc = rest[3 * NB], rest[3 * NB + 1]
        else:
            (table, srcp, dstp, zrow, part,
             sidx, didx, rows, acc, *rest) = refs
            gsem, ssem, isem = (rest[:NB], rest[NB:2 * NB],
                                rest[2 * NB:3 * NB])
        c = lax.axis_index("c")
        s = lax.axis_index("s")
        w = s * NC + c

        pltpu.sync_copy(zrow, acc.at[pl.ds(s * zr, zr)])
        if with_counts:
            pltpu.sync_copy(zcnt, cacc.at[pl.ds(s * zr, zr)])
            pltpu.sync_copy(ones, onesv)
        plsc.subcore_barrier()

        def fire_scatters(k):
            descs = []
            for q in range(Q):
                descs.append(pltpu.async_copy(
                    rows.at[k, q], acc.at[didx.at[k, q]], ssem[k], add=True))
                if with_counts:
                    descs.append(pltpu.async_copy(
                        onesv, cacc.at[didx.at[k, q]], ssem[k], add=True))
            return descs

        def iteration(i, carry):
            g0 = i * NB
            pltpu.sync_copy(srcp.at[w, g0], sidx.at[0])
            pltpu.sync_copy(dstp.at[w, g0], didx.at[0])
            gds = [pltpu.async_copy(table.at[sidx.at[0, q]], rows.at[0, q],
                                    gsem[0]) for q in range(Q)]
            idxds = [
                (pltpu.async_copy(srcp.at[w, g0 + k], sidx.at[k], isem[k]),
                 pltpu.async_copy(dstp.at[w, g0 + k], didx.at[k], isem[k]))
                for k in range(1, NB)
            ]
            sds = []
            for k in range(NB):
                for d in gds:
                    d.wait()
                sds += fire_scatters(k)
                if k + 1 < NB:
                    for d in idxds[k]:
                        d.wait()
                    gds = [pltpu.async_copy(table.at[sidx.at[k + 1, q]],
                                            rows.at[k + 1, q], gsem[k + 1])
                           for q in range(Q)]
            for d in sds:
                d.wait()
            return carry

        lax.fori_loop(0, groups // NB, iteration, 0)
        plsc.subcore_barrier()

        pltpu.sync_copy(acc.at[pl.ds(s * zr, zr)],
                        part.at[c, pl.ds(s * zr, zr)])
        if with_counts:
            pltpu.sync_copy(cacc.at[pl.ds(s * zr, zr)],
                            cpart.at[c, pl.ds(s * zr, zr)])

    return pl.kernel(
        body, out_type=outs, mesh=mesh, scratch_types=scratch,
        compiler_params=pltpu.CompilerParams(use_tc_tiling_on_sc=False))


def _mm2_body(x_ref, wl_ref, wr_ref, yl_ref, yr_ref):
    xv = x_ref[...]
    yl_ref[...] = jnp.dot(xv, wl_ref[...], preferred_element_type=jnp.float32)
    yr_ref[...] = jnp.dot(xv, wr_ref[...], preferred_element_type=jnp.float32)


def _mid_body(n, part_ref, cpart_ref, b_ref, xr_ref, wl_ref, wr_ref,
              y2_ref, hr_ref, cnt_ref):
    p = part_ref[0, :n, :] + part_ref[1, :n, :]
    cnt = jnp.maximum(cpart_ref[0, :n, 0:1] + cpart_ref[1, :n, 0:1], 1.0)
    hh = jnp.maximum(p / cnt + b_ref[...] + xr_ref[...], 0.0)
    y2_ref[...] = jnp.dot(hh, wl_ref[...], preferred_element_type=jnp.float32)
    hr_ref[...] = jnp.dot(hh, wr_ref[...], preferred_element_type=jnp.float32)
    cnt_ref[...] = jnp.broadcast_to(cnt, (n, 16))


def _fin_body(n, part_ref, cnt_ref, b_ref, hr_ref, wf_ref, bf_ref, out_ref):
    p = part_ref[0, :n, :] + part_ref[1, :n, :]
    h = jnp.maximum(p / cnt_ref[:, 0:1] + b_ref[...] + hr_ref[...], 0.0)
    out_ref[...] = (jnp.dot(h, wf_ref[...], preferred_element_type=jnp.float32)
                    + bf_ref[...])


def kernel(x, edge_index, W1l, b1, W1r, W2l, b2, W2r, Wf, bf):
    n, d = x.shape
    h = W1l.shape[1]
    e = edge_index.shape[1]

    grp = NW * Q * CH
    groups = _cdiv(_cdiv(e, grp), NB) * NB
    epad = groups * grp
    npad = (_cdiv(n + 1, NS * 8) + 1) * (NS * 8)
    zr = npad // NS

    src = edge_index[0].astype(jnp.int32)
    dst = edge_index[1].astype(jnp.int32)
    pad = epad - e
    padd = n + (jnp.arange(pad, dtype=jnp.int32) % (npad - n))
    srcp = (jnp.concatenate([src, jnp.zeros((pad,), jnp.int32)])
            .reshape(-1, NW).T.reshape(NW, groups, Q, CH))
    dstp = (jnp.concatenate([dst, padd])
            .reshape(-1, NW).T.reshape(NW, groups, Q, CH))
    z64 = jnp.zeros((zr, h), jnp.float32)
    zcnt = jnp.zeros((zr, 16), jnp.float32)
    ones = jnp.ones((CH, 16), jnp.float32)

    f32 = jnp.float32

    y1, xr = pl.pallas_call(
        _mm2_body,
        out_shape=[jax.ShapeDtypeStruct((n, h), f32),
                   jax.ShapeDtypeStruct((n, h), f32)],
    )(x, W1l, W1r)

    part1, cpart = _make_seg_sum(h, groups, npad, True)(
        y1, srcp, dstp, z64, zcnt, ones)

    y2, hr, cnt = pl.pallas_call(
        functools.partial(_mid_body, n),
        out_shape=[jax.ShapeDtypeStruct((n, h), f32),
                   jax.ShapeDtypeStruct((n, h), f32),
                   jax.ShapeDtypeStruct((n, 16), f32)],
    )(part1, cpart, b1.reshape(1, h), xr, W2l, W2r)

    (part2,) = _make_seg_sum(h, groups, npad, False)(y2, srcp, dstp, z64)

    wfp = jnp.pad(Wf, ((0, 0), (0, 128 - Wf.shape[1])))
    bfp = jnp.broadcast_to(bf.reshape(1, 1), (1, 128))
    out_pad = pl.pallas_call(
        functools.partial(_fin_body, n),
        out_shape=jax.ShapeDtypeStruct((n, 128), f32),
    )(part2, cnt, b2.reshape(1, h), hr, wfp, bfp)

    return out_pad[:, :Wf.shape[1]]

# --- scband reference (transcript-rebuilt; emitter-appended) ---
"""Pipeline reference for scband-emb-model-59854664237698 (READ-ONLY COPY).

The authoritative reference and input builder live on the scoring server;
editing this copy changes nothing except your own understanding.
"""

import jax, jax.numpy as jnp
import numpy as np


def sage_conv(x, edge_index, Wl, bl, Wr):
    # PyG SAGEConv (aggr='mean', root_weight=True): out = lin_l(mean_j x_j) + lin_r(x_i)
    n_nodes = x.shape[0]
    src = edge_index[0]
    dst = edge_index[1]
    msgs = jnp.take(x, src, axis=0)                                   # gather   [E, d]
    agg = jax.ops.segment_sum(msgs, dst, num_segments=n_nodes)        # scatter-add [N, d]
    cnt = jax.ops.segment_sum(jnp.ones((src.shape[0],), x.dtype), dst, num_segments=n_nodes)
    agg = agg / jnp.maximum(cnt, 1.0)[:, None]                        # mean aggregation
    return agg @ Wl + bl + x @ Wr


def setup_inputs(seed: int = 0) -> dict:
    key = jax.random.key(seed)
    ks = jax.random.split(key, 12)
    N, E, D, H = 10000, 320000, 128, 64
    x = jax.random.normal(ks[0], (N, D), dtype=jnp.float32)
    edge_index = jax.random.randint(ks[1], (2, E), 0, N)
    s1 = 1.0 / np.sqrt(D)
    s2 = 1.0 / np.sqrt(H)
    return {
        "x": x,
        "edge_index": edge_index,
        "W1l": jax.random.uniform(ks[2], (D, H), jnp.float32, -s1, s1),
        "b1":  jax.random.uniform(ks[3], (H,),   jnp.float32, -s1, s1),
        "W1r": jax.random.uniform(ks[4], (D, H), jnp.float32, -s1, s1),
        "W2l": jax.random.uniform(ks[5], (H, H), jnp.float32, -s2, s2),
        "b2":  jax.random.uniform(ks[6], (H,),   jnp.float32, -s2, s2),
        "W2r": jax.random.uniform(ks[7], (H, H), jnp.float32, -s2, s2),
        "Wf":  jax.random.uniform(ks[8], (H, 1), jnp.float32, -s2, s2),
        "bf":  jax.random.uniform(ks[9], (1,),   jnp.float32, -s2, s2),
    }


def reference(x, edge_index, W1l, b1, W1r, W2l, b2, W2r, Wf, bf):
    h = jax.nn.relu(sage_conv(x, edge_index, W1l, b1, W1r))
    h = jax.nn.relu(sage_conv(h, edge_index, W2l, b2, W2r))
    out = h @ Wf + bf
    return out

if __name__ == "__main__":
    import jax
    _d = setup_inputs()
    print(jax.jit(kernel)(*tuple(_d.values())))

</pallas_src>

<mosaic_0001>
#map = affine_map<(d0, d1) -> (0, 0)>
#map1 = affine_map<(d0, d1) -> (0, 0, 0, 0)>
#map2 = affine_map<(d0, d1) -> (0, 0, 0)>
module attributes {stable_mosaic.version = 14 : i64} {
  func.func @body(%arg0: i32, %arg1: i32, %arg2: memref<10000x64xf32, #tpu.memory_space<hbm>>, %arg3: memref<32x20x4x128xi32, #tpu.memory_space<hbm>>, %arg4: memref<32x20x4x128xi32, #tpu.memory_space<hbm>>, %arg5: memref<640x64xf32, #tpu.memory_space<hbm>>, %arg6: memref<640x16xf32, #tpu.memory_space<hbm>>, %arg7: memref<128x16xf32, #tpu.memory_space<hbm>>, %arg8: memref<2x10240x64xf32, #tpu.memory_space<hbm>>, %arg9: memref<2x10240x16xf32, #tpu.memory_space<hbm>>, %arg10: memref<2x4x128xi32, #tpu.memory_space<vmem>>, %arg11: memref<2x4x128xi32, #tpu.memory_space<vmem>>, %arg12: memref<2x4x128x64xf32, #tpu.memory_space<vmem>>, %arg13: memref<10240x64xf32, #tpu.memory_space<vmem_shared>>, %arg14: memref<!tpu.dma_semaphore, #tpu.memory_space<semaphore_mem>>, %arg15: memref<!tpu.dma_semaphore, #tpu.memory_space<semaphore_mem>>, %arg16: memref<!tpu.dma_semaphore, #tpu.memory_space<semaphore_mem>>, %arg17: memref<!tpu.dma_semaphore, #tpu.memory_space<semaphore_mem>>, %arg18: memref<!tpu.dma_semaphore, #tpu.memory_space<semaphore_mem>>, %arg19: memref<!tpu.dma_semaphore, #tpu.memory_space<semaphore_mem>>, %arg20: memref<128x16xf32, #tpu.memory_space<vmem>>, %arg21: memref<10240x16xf32, #tpu.memory_space<vmem_shared>>) attributes {dimension_semantics = [#tpu.dimension_semantics<core_parallel>, #tpu.dimension_semantics<subcore_parallel>], iteration_bounds = array<i64: 2, 16>, scalar_prefetch = 0 : i64, scratch_operands = 12 : i64, tpu.core_type = #tpu.core_type<sc_vector_subcore>, window_params = [{transform_indices = #map}, {transform_indices = #map1}, {transform_indices = #map1}, {transform_indices = #map}, {transform_indices = #map}, {transform_indices = #map}, {transform_indices = #map2}, {transform_indices = #map2}]} {
    %mul3A = arith.constant 2 : i32
    %mul3A_0 = arith.muli %arg1, %mul3A : i32
    %add3A = arith.addi %mul3A_0, %arg0 : i32
    %mul3A_1 = arith.constant 640 : i32
    %mul3A_2 = arith.muli %arg1, %mul3A_1 : i32
    "tpu.region"() ({
      %run_scoped3A = tpu.sem_alloc : memref<!tpu.dma_semaphore, #tpu.memory_space<semaphore_mem>>
      %dma_start3A = arith.constant 0 : i32
      %dma_start3A_19 = tpu.memref_slice %arg13[%mul3A_2, %dma_start3A] : memref<10240x64xf32, #tpu.memory_space<vmem_shared>> -> memref<640x64xf32, #tpu.memory_space<vmem_shared>>
      tpu.enqueue_dma source(%arg5 : memref<640x64xf32, #tpu.memory_space<hbm>>) target(%dma_start3A_19 : memref<640x64xf32, #tpu.memory_space<vmem_shared>>) target_semaphore(%run_scoped3A : memref<!tpu.dma_semaphore, #tpu.memory_space<semaphore_mem>>)
      %dma_wait3A = arith.constant 0 : i32
      %dma_wait3A_20 = tpu.memref_slice %arg13[%mul3A_2, %dma_wait3A] : memref<10240x64xf32, #tpu.memory_space<vmem_shared>> -> memref<640x64xf32, #tpu.memory_space<vmem_shared>>
      tpu.wait_dma2 semaphore(%run_scoped3A : memref<!tpu.dma_semaphore, #tpu.memory_space<semaphore_mem>>) src(%arg5 : memref<640x64xf32, #tpu.memory_space<hbm>>) dst(%dma_wait3A_20 : memref<640x64xf32, #tpu.memory_space<vmem_shared>>)
      tpu.yield
    }) : () -> ()
    %mul3A_3 = arith.constant 640 : i32
    %mul3A_4 = arith.muli %arg1, %mul3A_3 : i32
    "tpu.region"() ({
      %run_scoped3A = tpu.sem_alloc : memref<!tpu.dma_semaphore, #tpu.memory_space<semaphore_mem>>
      %dma_start3A = arith.constant 0 : i32
      %dma_start3A_19 = tpu.memref_slice %arg21[%mul3A_4, %dma_start3A] : memref<10240x16xf32, #tpu.memory_space<vmem_shared>> -> memref<640x16xf32, #tpu.memory_space<vmem_shared>>
      tpu.enqueue_dma source(%arg6 : memref<640x16xf32, #tpu.memory_space<hbm>>) target(%dma_start3A_19 : memref<640x16xf32, #tpu.memory_space<vmem_shared>>) target_semaphore(%run_scoped3A : memref<!tpu.dma_semaphore, #tpu.memory_space<semaphore_mem>>)
      %dma_wait3A = arith.constant 0 : i32
      %dma_wait3A_20 = tpu.memref_slice %arg21[%mul3A_4, %dma_wait3A] : memref<10240x16xf32, #tpu.memory_space<vmem_shared>> -> memref<640x16xf32, #tpu.memory_space<vmem_shared>>
      tpu.wait_dma2 semaphore(%run_scoped3A : memref<!tpu.dma_semaphore, #tpu.memory_space<semaphore_mem>>) src(%arg6 : memref<640x16xf32, #tpu.memory_space<hbm>>) dst(%dma_wait3A_20 : memref<640x16xf32, #tpu.memory_space<vmem_shared>>)
      tpu.yield
    }) : () -> ()
    "tpu.region"() ({
      %run_scoped3A = tpu.sem_alloc : memref<!tpu.dma_semaphore, #tpu.memory_space<semaphore_mem>>
      tpu.enqueue_dma source(%arg7 : memref<128x16xf32, #tpu.memory_space<hbm>>) target(%arg20 : memref<128x16xf32, #tpu.memory_space<vmem>>) target_semaphore(%run_scoped3A : memref<!tpu.dma_semaphore, #tpu.memory_space<semaphore_mem>>)
      tpu.wait_dma2 semaphore(%run_scoped3A : memref<!tpu.dma_semaphore, #tpu.memory_space<semaphore_mem>>) src(%arg7 : memref<128x16xf32, #tpu.memory_space<hbm>>) dst(%arg20 : memref<128x16xf32, #tpu.memory_space<vmem>>)
      tpu.yield
    }) : () -> ()
    %barrier3A = arith.constant 0 : index
    tpu.barrier barrier_id(%barrier3A)
    %scan3A = arith.constant 0 : i32
    %scan3A_5 = arith.constant 0 : i32
    %scan3A_6 = arith.constant 10 : i32
    %scan3A_7 = arith.addi %scan3A_5, %scan3A_6 : i32
    %scan3A_8 = arith.constant 1 : i32
    scf.for %scan3A_19 = %scan3A_5 to %scan3A_7 step %scan3A_8  : i32 {
      %mul3A_20 = arith.constant 2 : i32
      %mul3A_21 = arith.muli %scan3A_19, %mul3A_20 : i32
      %run_scoped3A = arith.constant 0 : i32
      "tpu.region"() ({
        %run_scoped3A_669 = tpu.sem_alloc : memref<!tpu.dma_semaphore, #tpu.memory_space<semaphore_mem>>
        %dma_start3A_670 = arith.constant 0 : i32
        %dma_start3A_671 = arith.constant 0 : i32
        %dma_start3A_672 = tpu.memref_slice %arg10[%run_scoped3A, %dma_start3A_670, %dma_start3A_671] : memref<2x4x128xi32, #tpu.memory_space<vmem>> -> memref<1x4x128xi32, #tpu.memory_space<vmem>>
        %dma_start3A_673 = tpu.memref_squeeze %dma_start3A_672 : memref<1x4x128xi32, #tpu.memory_space<vmem>> -> memref<4x128xi32, #tpu.memory_space<vmem>>
        %dma_start3A_674 = arith.constant 0 : i32
        %dma_start3A_675 = arith.constant 0 : i32
        %dma_start3A_676 = tpu.memref_slice %arg3[%add3A, %mul3A_21, %dma_start3A_674, %dma_start3A_675] : memref<32x20x4x128xi32, #tpu.memory_space<hbm>> -> memref<1x1x4x128xi32, #tpu.memory_space<hbm>>
        %dma_start3A_677 = tpu.memref_squeeze %dma_start3A_676 : memref<1x1x4x128xi32, #tpu.memory_space<hbm>> -> memref<4x128xi32, #tpu.memory_space<hbm>>
        %dma_start3A_678 = arith.constant 0 : i32
        %dma_start3A_679 = arith.constant 0 : i32
        %dma_start3A_680 = tpu.memref_slice %arg10[%run_scoped3A, %dma_start3A_678, %dma_start3A_679] : memref<2x4x128xi32, #tpu.memory_space<vmem>> -> memref<1x4x128xi32, #tpu.memory_space<vmem>>
        %dma_start3A_681 = tpu.memref_squeeze %dma_start3A_680 : memref<1x4x128xi32, #tpu.memory_space<vmem>> -> memref<4x128xi32, #tpu.memory_space<vmem>>
        %dma_start3A_682 = arith.constant 0 : i32
        %dma_start3A_683 = arith.constant 0 : i32
        %dma_start3A_684 = tpu.memref_slice %arg3[%add3A, %mul3A_21, %dma_start3A_682, %dma_start3A_683] : memref<32x20x4x128xi32, #tpu.memory_space<hbm>> -> memref<1x1x4x128xi32, #tpu.memory_space<hbm>>
        %dma_start3A_685 = tpu.memref_squeeze %dma_start3A_684 : memref<1x1x4x128xi32, #tpu.memory_space<hbm>> -> memref<4x128xi32, #tpu.memory_space<hbm>>
        tpu.enqueue_dma source(%dma_start3A_685 : memref<4x128xi32, #tpu.memory_space<hbm>>) target(%dma_start3A_681 : memref<4x128xi32, #tpu.memory_space<vmem>>) target_semaphore(%run_scoped3A_669 : memref<!tpu.dma_semaphore, #tpu.memory_space<semaphore_mem>>)
        %dma_wait3A_686 = arith.constant 0 : i32
        %dma_wait3A_687 = arith.constant 0 : i32
        %dma_wait3A_688 = tpu.memref_slice %arg10[%run_scoped3A, %dma_wait3A_686, %dma_wait3A_687] : memref<2x4x128xi32, #tpu.memory_space<vmem>> -> memref<1x4x128xi32, #tpu.memory_space<vmem>>
        %dma_wait3A_689 = tpu.memref_squeeze %dma_wait3A_688 : memref<1x4x128xi32, #tpu.memory_space<vmem>> -> memref<4x128xi32, #tpu.memory_space<vmem>>
        %dma_wait3A_690 = arith.constant 0 : i32
        %dma_wait3A_691 = arith.constant 0 : i32
        %dma_wait3A_692 = tpu.memref_slice %arg3[%add3A, %mul3A_21, %dma_wait3A_690, %dma_wait3A_691] : memref<32x20x4x128xi32, #tpu.memory_space<hbm>> -> memref<1x1x4x128xi32, #tpu.memory_space<hbm>>
        %dma_wait3A_693 = tpu.memref_squeeze %dma_wait3A_692 : memref<1x1x4x128xi32, #tpu.memory_space<hbm>> -> memref<4x128xi32, #tpu.memory_space<hbm>>
        %dma_wait3A_694 = arith.constant 0 : i32
        %dma_wait3A_695 = arith.constant 0 : i32
        %dma_wait3A_696 = tpu.memref_slice %arg10[%run_scoped3A, %dma_wait3A_694, %dma_wait3A_695] : memref<2x4x128xi32, #tpu.memory_space<vmem>> -> memref<1x4x128xi32, #tpu.memory_space<vmem>>
        %dma_wait3A_697 = tpu.memref_squeeze %dma_wait3A_696 : memref<1x4x128xi32, #tpu.memory_space<vmem>> -> memref<4x128xi32, #tpu.memory_space<vmem>>
        %dma_wait3A_698 = arith.constant 0 : i32
        %dma_wait3A_699 = arith.constant 0 : i32
        %dma_wait3A_700 = tpu.memref_slice %arg3[%add3A, %mul3A_21, %dma_wait3A_698, %dma_wait3A_699] : memref<32x20x4x128xi32, #tpu.memory_space<hbm>> -> memref<1x1x4x128xi32, #tpu.memory_space<hbm>>
        %dma_wait3A_701 = tpu.memref_squeeze %dma_wait3A_700 : memref<1x1x4x128xi32, #tpu.memory_space<hbm>> -> memref<4x128xi32, #tpu.memory_space<hbm>>
        tpu.wait_dma2 semaphore(%run_scoped3A_669 : memref<!tpu.dma_semaphore, #tpu.memory_space<semaphore_mem>>) src(%dma_wait3A_701 : memref<4x128xi32, #tpu.memory_space<hbm>>) dst(%dma_wait3A_697 : memref<4x128xi32, #tpu.memory_space<vmem>>)
        tpu.yield
      }) : () -> ()
      %run_scoped3A_22 = arith.constant 0 : i32
      "tpu.region"() ({
        %run_scoped3A_669 = tpu.sem_alloc : memref<!tpu.dma_semaphore, #tpu.memory_space<semaphore_mem>>
        %dma_start3A_670 = arith.constant 0 : i32
        %dma_start3A_671 = arith.constant 0 : i32
        %dma_start3A_672 = tpu.memref_slice %arg11[%run_scoped3A_22, %dma_start3A_670, %dma_start3A_671] : memref<2x4x128xi32, #tpu.memory_space<vmem>> -> memref<1x4x128xi32, #tpu.memory_space<vmem>>
        %dma_start3A_673 = tpu.memref_squeeze %dma_start3A_672 : memref<1x4x128xi32, #tpu.memory_space<vmem>> -> memref<4x128xi32, #tpu.memory_space<vmem>>
        %dma_start3A_674 = arith.constant 0 : i32
        %dma_start3A_675 = arith.constant 0 : i32
        %dma_start3A_676 = tpu.memref_slice %arg4[%add3A, %mul3A_21, %dma_start3A_674, %dma_start3A_675] : memref<32x20x4x128xi32, #tpu.memory_space<hbm>> -> memref<1x1x4x128xi32, #tpu.memory_space<hbm>>
        %dma_start3A_677 = tpu.memref_squeeze %dma_start3A_676 : memref<1x1x4x128xi32, #tpu.memory_space<hbm>> -> memref<4x128xi32, #tpu.memory_space<hbm>>
        %dma_start3A_678 = arith.constant 0 : i32
        %dma_start3A_679 = arith.constant 0 : i32
        %dma_start3A_680 = tpu.memref_slice %arg11[%run_scoped3A_22, %dma_start3A_678, %dma_start3A_679] : memref<2x4x128xi32, #tpu.memory_space<vmem>> -> memref<1x4x128xi32, #tpu.memory_space<vmem>>
        %dma_start3A_681 = tpu.memref_squeeze %dma_start3A_680 : memref<1x4x128xi32, #tpu.memory_space<vmem>> -> memref<4x128xi32, #tpu.memory_space<vmem>>
        %dma_start3A_682 = arith.constant 0 : i32
        %dma_start3A_683 = arith.constant 0 : i32
        %dma_start3A_684 = tpu.memref_slice %arg4[%add3A, %mul3A_21, %dma_start3A_682, %dma_start3A_683] : memref<32x20x4x128xi32, #tpu.memory_space<hbm>> -> memref<1x1x4x128xi32, #tpu.memory_space<hbm>>
        %dma_start3A_685 = tpu.memref_squeeze %dma_start3A_684 : memref<1x1x4x128xi32, #tpu.memory_space<hbm>> -> memref<4x128xi32, #tpu.memory_space<hbm>>
        tpu.enqueue_dma source(%dma_start3A_685 : memref<4x128xi32, #tpu.memory_space<hbm>>) target(%dma_start3A_681 : memref<4x128xi32, #tpu.memory_space<vmem>>) target_semaphore(%run_scoped3A_669 : memref<!tpu.dma_semaphore, #tpu.memory_space<semaphore_mem>>)
        %dma_wait3A_686 = arith.constant 0 : i32
        %dma_wait3A_687 = arith.constant 0 : i32
        %dma_wait3A_688 = tpu.memref_slice %arg11[%run_scoped3A_22, %dma_wait3A_686, %dma_wait3A_687] : memref<2x4x128xi32, #tpu.memory_space<vmem>> -> memref<1x4x128xi32, #tpu.memory_space<vmem>>
        %dma_wait3A_689 = tpu.memref_squeeze %dma_wait3A_688 : memref<1x4x128xi32, #tpu.memory_space<vmem>> -> memref<4x128xi32, #tpu.memory_space<vmem>>
        %dma_wait3A_690 = arith.constant 0 : i32
        %dma_wait3A_691 = arith.constant 0 : i32
        %dma_wait3A_692 = tpu.memref_slice %arg4[%add3A, %mul3A_21, %dma_wait3A_690, %dma_wait3A_691] : memref<32x20x4x128xi32, #tpu.memory_space<hbm>> -> memref<1x1x4x128xi32, #tpu.memory_space<hbm>>
        %dma_wait3A_693 = tpu.memref_squeeze %dma_wait3A_692 : memref<1x1x4x128xi32, #tpu.memory_space<hbm>> -> memref<4x128xi32, #tpu.memory_space<hbm>>
        %dma_wait3A_694 = arith.constant 0 : i32
        %dma_wait3A_695 = arith.constant 0 : i32
        %dma_wait3A_696 = tpu.memref_slice %arg11[%run_scoped3A_22, %dma_wait3A_694, %dma_wait3A_695] : memref<2x4x128xi32, #tpu.memory_space<vmem>> -> memref<1x4x128xi32, #tpu.memory_space<vmem>>
        %dma_wait3A_697 = tpu.memref_squeeze %dma_wait3A_696 : memref<1x4x128xi32, #tpu.memory_space<vmem>> -> memref<4x128xi32, #tpu.memory_space<vmem>>
        %dma_wait3A_698 = arith.constant 0 : i32
        %dma_wait3A_699 = arith.constant 0 : i32
        %dma_wait3A_700 = tpu.memref_slice %arg4[%add3A, %mul3A_21, %dma_wait3A_698, %dma_wait3A_699] : memref<32x20x4x128xi32, #tpu.memory_space<hbm>> -> memref<1x1x4x128xi32, #tpu.memory_space<hbm>>
        %dma_wait3A_701 = tpu.memref_squeeze %dma_wait3A_700 : memref<1x1x4x128xi32, #tpu.memory_space<hbm>> -> memref<4x128xi32, #tpu.memory_space<hbm>>
        tpu.wait_dma2 semaphore(%run_scoped3A_669 : memref<!tpu.dma_semaphore, #tpu.memory_space<semaphore_mem>>) src(%dma_wait3A_701 : memref<4x128xi32, #tpu.memory_space<hbm>>) dst(%dma_wait3A_697 : memref<4x128xi32, #tpu.memory_space<vmem>>)
        tpu.yield
      }) : () -> ()
      %dma_start3A = arith.constant 0 : i32
      %dma_start3A_23 = arith.constant 0 : i32
      %dma_start3A_24 = arith.constant 0 : i32
      %dma_start3A_25 = arith.constant 0 : i32
      %dma_start3A_26 = arith.constant 0 : i32
      %dma_start3A_27 = arith.constant 0 : i32
      %dma_start3A_28 = tpu.memref_slice %arg12[%dma_start3A_24, %dma_start3A_25, %dma_start3A_26, %dma_start3A_27] : memref<2x4x128x64xf32, #tpu.memory_space<vmem>> -> memref<1x1x128x64xf32, #tpu.memory_space<vmem>>
      %dma_start3A_29 = tpu.memref_squeeze %dma_start3A_28 : memref<1x1x128x64xf32, #tpu.memory_space<vmem>> -> memref<128x64xf32, #tpu.memory_space<vmem>>
      %dma_start3A_30 = arith.constant 0 : i32
      %dma_start3A_31 = tpu.memref_slice %arg10[%dma_start3A, %dma_start3A_23, %dma_start3A_30] : memref<2x4x128xi32, #tpu.memory_space<vmem>> -> memref<1x1x128xi32, #tpu.memory_space<vmem>>
      %dma_start3A_32 = tpu.memref_squeeze %dma_start3A_31 : memref<1x1x128xi32, #tpu.memory_space<vmem>> -> memref<128xi32, #tpu.memory_space<vmem>>
      %dma_start3A_33 = arith.constant 0 : i32
      %dma_start3A_34 = arith.constant 0 : i32
      %dma_start3A_35 = tpu.memref_slice %arg2[%dma_start3A_33, %dma_start3A_34] : memref<10000x64xf32, #tpu.memory_space<hbm>> -> memref<10000x64xf32, #tpu.memory_space<hbm>>
      tpu.enqueue_indirect_dma source(%dma_start3A_35 : memref<10000x64xf32, #tpu.memory_space<hbm>>) target(%dma_start3A_29 : memref<128x64xf32, #tpu.memory_space<vmem>>) offsets(%dma_start3A_32 : memref<128xi32, #tpu.memory_space<vmem>>) semaphore(%arg14 : memref<!tpu.dma_semaphore, #tpu.memory_space<semaphore_mem>>)
      %dma_start3A_36 = arith.constant 0 : i32
      %dma_start3A_37 = arith.constant 1 : i32
      %dma_start3A_38 = arith.constant 0 : i32
      %dma_start3A_39 = arith.constant 1 : i32
      %dma_start3A_40 = arith.constant 0 : i32
      %dma_start3A_41 = arith.constant 0 : i32
      %dma_start3A_42 = tpu.memref_slice %arg12[%dma_start3A_38, %dma_start3A_39, %dma_start3A_40, %dma_start3A_41] : memref<2x4x128x64xf32, #tpu.memory_space<vmem>> -> memref<1x1x128x64xf32, #tpu.memory_space<vmem>>
      %dma_start3A_43 = tpu.memref_squeeze %dma_start3A_42 : memref<1x1x128x64xf32, #tpu.memory_space<vmem>> -> memref<128x64xf32, #tpu.memory_space<vmem>>
      %dma_start3A_44 = arith.constant 0 : i32
      %dma_start3A_45 = tpu.memref_slice %arg10[%dma_start3A_36, %dma_start3A_37, %dma_start3A_44] : memref<2x4x128xi32, #tpu.memory_space<vmem>> -> memref<1x1x128xi32, #tpu.memory_space<vmem>>
      %dma_start3A_46 = tpu.memref_squeeze %dma_start3A_45 : memref<1x1x128xi32, #tpu.memory_space<vmem>> -> memref<128xi32, #tpu.memory_space<vmem>>
      %dma_start3A_47 = arith.constant 0 : i32
      %dma_start3A_48 = arith.constant 0 : i32
      %dma_start3A_49 = tpu.memref_slice %arg2[%dma_start3A_47, %dma_start3A_48] : memref<10000x64xf32, #tpu.memory_space<hbm>> -> memref<10000x64xf32, #tpu.memory_space<hbm>>
      tpu.enqueue_indirect_dma source(%dma_start3A_49 : memref<10000x64xf32, #tpu.memory_space<hbm>>) target(%dma_start3A_43 : memref<128x64xf32, #tpu.memory_space<vmem>>) offsets(%dma_start3A_46 : memref<128xi32, #tpu.memory_space<vmem>>) semaphore(%arg14 : memref<!tpu.dma_semaphore, #tpu.memory_space<semaphore_mem>>)
      %dma_start3A_50 = arith.constant 0 : i32
      %dma_start3A_51 = arith.constant 2 : i32
      %dma_start3A_52 = arith.constant 0 : i32
      %dma_start3A_53 = arith.constant 2 : i32
      %dma_start3A_54 = arith.constant 0 : i32
      %dma_start3A_55 = arith.constant 0 : i32
      %dma_start3A_56 = tpu.memref_slice %arg12[%dma_start3A_52, %dma_start3A_53, %dma_start3A_54, %dma_start3A_55] : memref<2x4x128x64xf32, #tpu.memory_space<vmem>> -> memref<1x1x128x64xf32, #tpu.memory_space<vmem>>
      %dma_start3A_57 = tpu.memref_squeeze %dma_start3A_56 : memref<1x1x128x64xf32, #tpu.memory_space<vmem>> -> memref<128x64xf32, #tpu.memory_space<vmem>>
      %dma_start3A_58 = arith.constant 0 : i32
      %dma_start3A_59 = tpu.memref_slice %arg10[%dma_start3A_50, %dma_start3A_51, %dma_start3A_58] : memref<2x4x128xi32, #tpu.memory_space<vmem>> -> memref<1x1x128xi32, #tpu.memory_space<vmem>>
      %dma_start3A_60 = tpu.memref_squeeze %dma_start3A_59 : memref<1x1x128xi32, #tpu.memory_space<vmem>> -> memref<128xi32, #tpu.memory_space<vmem>>
      %dma_start3A_61 = arith.constant 0 : i32
      %dma_start3A_62 = arith.constant 0 : i32
      %dma_start3A_63 = tpu.memref_slice %arg2[%dma_start3A_61, %dma_start3A_62] : memref<10000x64xf32, #tpu.memory_space<hbm>> -> memref<10000x64xf32, #tpu.memory_space<hbm>>
      tpu.enqueue_indirect_dma source(%dma_start3A_63 : memref<10000x64xf32, #tpu.memory_space<hbm>>) target(%dma_start3A_57 : memref<128x64xf32, #tpu.memory_space<vmem>>) offsets(%dma_start3A_60 : memref<128xi32, #tpu.memory_space<vmem>>) semaphore(%arg14 : memref<!tpu.dma_semaphore, #tpu.memory_space<semaphore_mem>>)
      %dma_start3A_64 = arith.constant 0 : i32
      %dma_start3A_65 = arith.constant 3 : i32
      %dma_start3A_66 = arith.constant 0 : i32
      %dma_start3A_67 = arith.constant 3 : i32
      %dma_start3A_68 = arith.constant 0 : i32
      %dma_start3A_69 = arith.constant 0 : i32
      %dma_start3A_70 = tpu.memref_slice %arg12[%dma_start3A_66, %dma_start3A_67, %dma_start3A_68, %dma_start3A_69] : memref<2x4x128x64xf32, #tpu.memory_space<vmem>> -> memref<1x1x128x64xf32, #tpu.memory_space<vmem>>
      %dma_start3A_71 = tpu.memref_squeeze %dma_start3A_70 : memref<1x1x128x64xf32, #tpu.memory_space<vmem>> -> memref<128x64xf32, #tpu.memory_space<vmem>>
      %dma_start3A_72 = arith.constant 0 : i32
      %dma_start3A_73 = tpu.memref_slice %arg10[%dma_start3A_64, %dma_start3A_65, %dma_start3A_72] : memref<2x4x128xi32, #tpu.memory_space<vmem>> -> memref<1x1x128xi32, #tpu.memory_space<vmem>>
      %dma_start3A_74 = tpu.memref_squeeze %dma_start3A_73 : memref<1x1x128xi32, #tpu.memory_space<vmem>> -> memref<128xi32, #tpu.memory_space<vmem>>
      %dma_start3A_75 = arith.constant 0 : i32
      %dma_start3A_76 = arith.constant 0 : i32
      %dma_start3A_77 = tpu.memref_slice %arg2[%dma_start3A_75, %dma_start3A_76] : memref<10000x64xf32, #tpu.memory_space<hbm>> -> memref<10000x64xf32, #tpu.memory_space<hbm>>
      tpu.enqueue_indirect_dma source(%dma_start3A_77 : memref<10000x64xf32, #tpu.memory_space<hbm>>) target(%dma_start3A_71 : memref<128x64xf32, #tpu.memory_space<vmem>>) offsets(%dma_start3A_74 : memref<128xi32, #tpu.memory_space<vmem>>) semaphore(%arg14 : memref<!tpu.dma_semaphore, #tpu.memory_space<semaphore_mem>>)
      %add3A_78 = arith.constant 1 : i32
      %add3A_79 = arith.addi %mul3A_21, %add3A_78 : i32
      %dma_start3A_80 = arith.constant 1 : i32
      %dma_start3A_81 = arith.constant 0 : i32
      %dma_start3A_82 = arith.constant 0 : i32
      %dma_start3A_83 = tpu.memref_slice %arg10[%dma_start3A_80, %dma_start3A_81, %dma_start3A_82] : memref<2x4x128xi32, #tpu.memory_space<vmem>> -> memref<1x4x128xi32, #tpu.memory_space<vmem>>
      %dma_start3A_84 = tpu.memref_squeeze %dma_start3A_83 : memref<1x4x128xi32, #tpu.memory_space<vmem>> -> memref<4x128xi32, #tpu.memory_space<vmem>>
      %dma_start3A_85 = arith.constant 0 : i32
      %dma_start3A_86 = arith.constant 0 : i32
      %dma_start3A_87 = tpu.memref_slice %arg3[%add3A, %add3A_79, %dma_start3A_85, %dma_start3A_86] : memref<32x20x4x128xi32, #tpu.memory_space<hbm>> -> memref<1x1x4x128xi32, #tpu.memory_space<hbm>>
      %dma_start3A_88 = tpu.memref_squeeze %dma_start3A_87 : memref<1x1x4x128xi32, #tpu.memory_space<hbm>> -> memref<4x128xi32, #tpu.memory_space<hbm>>
      %dma_start3A_89 = arith.constant 0 : i32
      %dma_start3A_90 = arith.constant 0 : i32
      %dma_start3A_91 = tpu.memref_slice %arg10[%dma_start3A_80, %dma_start3A_89, %dma_start3A_90] : memref<2x4x128xi32, #tpu.memory_space<vmem>> -> memref<1x4x128xi32, #tpu.memory_space<vmem>>
      %dma_start3A_92 = tpu.memref_squeeze %dma_start3A_91 : memref<1x4x128xi32, #tpu.memory_space<vmem>> -> memref<4x128xi32, #tpu.memory_space<vmem>>
      %dma_start3A_93 = arith.constant 0 : i32
      %dma_start3A_94 = arith.constant 0 : i32
      %dma_start3A_95 = tpu.memref_slice %arg3[%add3A, %add3A_79, %dma_start3A_93, %dma_start3A_94] : memref<32x20x4x128xi32, #tpu.memory_space<hbm>> -> memref<1x1x4x128xi32, #tpu.memory_space<hbm>>
      %dma_start3A_96 = tpu.memref_squeeze %dma_start3A_95 : memref<1x1x4x128xi32, #tpu.memory_space<hbm>> -> memref<4x128xi32, #tpu.memory_space<hbm>>
      tpu.enqueue_dma source(%dma_start3A_96 : memref<4x128xi32, #tpu.memory_space<hbm>>) target(%dma_start3A_92 : memref<4x128xi32, #tpu.memory_space<vmem>>) target_semaphore(%arg19 : memref<!tpu.dma_semaphore, #tpu.memory_space<semaphore_mem>>)
      %add3A_97 = arith.constant 1 : i32
      %add3A_98 = arith.addi %mul3A_21, %add3A_97 : i32
      %dma_start3A_99 = arith.constant 1 : i32
      %dma_start3A_100 = arith.constant 0 : i32
      %dma_start3A_101 = arith.constant 0 : i32
      %dma_start3A_102 = tpu.memref_slice %arg11[%dma_start3A_99, %dma_start3A_100, %dma_start3A_101] : memref<2x4x128xi32, #tpu.memory_space<vmem>> -> memref<1x4x128xi32, #tpu.memory_space<vmem>>
      %dma_start3A_103 = tpu.memref_squeeze %dma_start3A_102 : memref<1x4x128xi32, #tpu.memory_space<vmem>> -> memref<4x128xi32, #tpu.memory_space<vmem>>
      %dma_start3A_104 = arith.constant 0 : i32
      %dma_start3A_105 = arith.constant 0 : i32
      %dma_start3A_106 = tpu.memref_slice %arg4[%add3A, %add3A_98, %dma_start3A_104, %dma_start3A_105] : memref<32x20x4x128xi32, #tpu.memory_space<hbm>> -> memref<1x1x4x128xi32, #tpu.memory_space<hbm>>
      %dma_start3A_107 = tpu.memref_squeeze %dma_start3A_106 : memref<1x1x4x128xi32, #tpu.memory_space<hbm>> -> memref<4x128xi32, #tpu.memory_space<hbm>>
      %dma_start3A_108 = arith.constant 0 : i32
      %dma_start3A_109 = arith.constant 0 : i32
      %dma_start3A_110 = tpu.memref_slice %arg11[%dma_start3A_99, %dma_start3A_108, %dma_start3A_109] : memref<2x4x128xi32, #tpu.memory_space<vmem>> -> memref<1x4x128xi32, #tpu.memory_space<vmem>>
      %dma_start3A_111 = tpu.memref_squeeze %dma_start3A_110 : memref<1x4x128xi32, #tpu.memory_space<vmem>> -> memref<4x128xi32, #tpu.memory_space<vmem>>
      %dma_start3A_112 = arith.constant 0 : i32
      %dma_start3A_113 = arith.constant 0 : i32
      %dma_start3A_114 = tpu.memref_slice %arg4[%add3A, %add3A_98, %dma_start3A_112, %dma_start3A_113] : memref<32x20x4x128xi32, #tpu.memory_space<hbm>> -> memref<1x1x4x128xi32, #tpu.memory_space<hbm>>
      %dma_start3A_115 = tpu.memref_squeeze %dma_start3A_114 : memref<1x1x4x128xi32, #tpu.memory_space<hbm>> -> memref<4x128xi32, #tpu.memory_space<hbm>>
      tpu.enqueue_dma source(%dma_start3A_115 : memref<4x128xi32, #tpu.memory_space<hbm>>) target(%dma_start3A_111 : memref<4x128xi32, #tpu.memory_space<vmem>>) target_semaphore(%arg19 : memref<!tpu.dma_semaphore, #tpu.memory_space<semaphore_mem>>)
      %dma_wait3A = arith.constant 0 : i32
      %dma_wait3A_116 = arith.constant 0 : i32
      %dma_wait3A_117 = arith.constant 0 : i32
      %dma_wait3A_118 = arith.constant 0 : i32
      %dma_wait3A_119 = arith.constant 0 : i32
      %dma_wait3A_120 = arith.constant 0 : i32
      %dma_wait3A_121 = tpu.memref_slice %arg12[%dma_wait3A_117, %dma_wait3A_118, %dma_wait3A_119, %dma_wait3A_120] : memref<2x4x128x64xf32, #tpu.memory_space<vmem>> -> memref<1x1x128x64xf32, #tpu.memory_space<vmem>>
      %dma_wait3A_122 = tpu.memref_squeeze %dma_wait3A_121 : memref<1x1x128x64xf32, #tpu.memory_space<vmem>> -> memref<128x64xf32, #tpu.memory_space<vmem>>
      %dma_wait3A_123 = arith.constant 0 : i32
      %dma_wait3A_124 = tpu.memref_slice %arg10[%dma_wait3A, %dma_wait3A_116, %dma_wait3A_123] : memref<2x4x128xi32, #tpu.memory_space<vmem>> -> memref<1x1x128xi32, #tpu.memory_space<vmem>>
      %dma_wait3A_125 = tpu.memref_squeeze %dma_wait3A_124 : memref<1x1x128xi32, #tpu.memory_space<vmem>> -> memref<128xi32, #tpu.memory_space<vmem>>
      %dma_wait3A_126 = arith.constant 0 : i32
      %dma_wait3A_127 = arith.constant 0 : i32
      %dma_wait3A_128 = tpu.memref_slice %arg2[%dma_wait3A_126, %dma_wait3A_127] : memref<10000x64xf32, #tpu.memory_space<hbm>> -> memref<10000x64xf32, #tpu.memory_space<hbm>>
      tpu.wait_indirect_dma semaphore(%arg14 : memref<!tpu.dma_semaphore, #tpu.memory_space<semaphore_mem>>) src(%dma_wait3A_128 : memref<10000x64xf32, #tpu.memory_space<hbm>>) dst(%dma_wait3A_122 : memref<128x64xf32, #tpu.memory_space<vmem>>)
      %dma_wait3A_129 = arith.constant 0 : i32
      %dma_wait3A_130 = arith.constant 1 : i32
      %dma_wait3A_131 = arith.constant 0 : i32
      %dma_wait3A_132 = arith.constant 1 : i32
      %dma_wait3A_133 = arith.constant 0 : i32
      %dma_wait3A_134 = arith.constant 0 : i32
      %dma_wait3A_135 = tpu.memref_slice %arg12[%dma_wait3A_131, %dma_wait3A_132, %dma_wait3A_133, %dma_wait3A_134] : memref<2x4x128x64xf32, #tpu.memory_space<vmem>> -> memref<1x1x128x64xf32, #tpu.memory_space<vmem>>
      %dma_wait3A_136 = tpu.memref_squeeze %dma_wait3A_135 : memref<1x1x128x64xf32, #tpu.memory_space<vmem>> -> memref<128x64xf32, #tpu.memory_space<vmem>>
      %dma_wait3A_137 = arith.constant 0 : i32
      %dma_wait3A_138 = tpu.memref_slice %arg10[%dma_wait3A_129, %dma_wait3A_130, %dma_wait3A_137] : memref<2x4x128xi32, #tpu.memory_space<vmem>> -> memref<1x1x128xi32, #tpu.memory_space<vmem>>
      %dma_wait3A_139 = tpu.memref_squeeze %dma_wait3A_138 : memref<1x1x128xi32, #tpu.memory_space<vmem>> -> memref<128xi32, #tpu.memory_space<vmem>>
      %dma_wait3A_140 = arith.constant 0 : i32
      %dma_wait3A_141 = arith.constant 0 : i32
      %dma_wait3A_142 = tpu.memref_slice %arg2[%dma_wait3A_140, %dma_wait3A_141] : memref<10000x64xf32, #tpu.memory_space<hbm>> -> memref<10000x64xf32, #tpu.memory_space<hbm>>
      tpu.wait_indirect_dma semaphore(%arg14 : memref<!tpu.dma_semaphore, #tpu.memory_space<semaphore_mem>>) src(%dma_wait3A_142 : memref<10000x64xf32, #tpu.memory_space<hbm>>) dst(%dma_wait3A_136 : memref<128x64xf32, #tpu.memory_space<vmem>>)
      %dma_wait3A_143 = arith.constant 0 : i32
      %dma_wait3A_144 = arith.constant 2 : i32
      %dma_wait3A_145 = arith.constant 0 : i32
      %dma_wait3A_146 = arith.constant 2 : i32
      %dma_wait3A_147 = arith.constant 0 : i32
      %dma_wait3A_148 = arith.constant 0 : i32
      %dma_wait3A_149 = tpu.memref_slice %arg12[%dma_wait3A_145, %dma_wait3A_146, %dma_wait3A_147, %dma_wait3A_148] : memref<2x4x128x64xf32, #tpu.memory_space<vmem>> -> memref<1x1x128x64xf32, #tpu.memory_space<vmem>>
      %dma_wait3A_150 = tpu.memref_squeeze %dma_wait3A_149 : memref<1x1x128x64xf32, #tpu.memory_space<vmem>> -> memref<128x64xf32, #tpu.memory_space<vmem>>
      %dma_wait3A_151 = arith.constant 0 : i32
      %dma_wait3A_152 = tpu.memref_slice %arg10[%dma_wait3A_143, %dma_wait3A_144, %dma_wait3A_151] : memref<2x4x128xi32, #tpu.memory_space<vmem>> -> memref<1x1x128xi32, #tpu.memory_space<vmem>>
      %dma_wait3A_153 = tpu.memref_squeeze %dma_wait3A_152 : memref<1x1x128xi32, #tpu.memory_space<vmem>> -> memref<128xi32, #tpu.memory_space<vmem>>
      %dma_wait3A_154 = arith.constant 0 : i32
      %dma_wait3A_155 = arith.constant 0 : i32
      %dma_wait3A_156 = tpu.memref_slice %arg2[%dma_wait3A_154, %dma_wait3A_155] : memref<10000x64xf32, #tpu.memory_space<hbm>> -> memref<10000x64xf32, #tpu.memory_space<hbm>>
      tpu.wait_indirect_dma semaphore(%arg14 : memref<!tpu.dma_semaphore, #tpu.memory_space<semaphore_mem>>) src(%dma_wait3A_156 : memref<10000x64xf32, #tpu.memory_space<hbm>>) dst(%dma_wait3A_150 : memref<128x64xf32, #tpu.memory_space<vmem>>)
      %dma_wait3A_157 = arith.constant 0 : i32
      %dma_wait3A_158 = arith.constant 3 : i32
      %dma_wait3A_159 = arith.constant 0 : i32
      %dma_wait3A_160 = arith.constant 3 : i32
      %dma_wait3A_161 = arith.constant 0 : i32
      %dma_wait3A_162 = arith.constant 0 : i32
      %dma_wait3A_163 = tpu.memref_slice %arg12[%dma_wait3A_159, %dma_wait3A_160, %dma_wait3A_161, %dma_wait3A_162] : memref<2x4x128x64xf32, #tpu.memory_space<vmem>> -> memref<1x1x128x64xf32, #tpu.memory_space<vmem>>
      %dma_wait3A_164 = tpu.memref_squeeze %dma_wait3A_163 : memref<1x1x128x64xf32, #tpu.memory_space<vmem>> -> memref<128x64xf32, #tpu.memory_space<vmem>>
      %dma_wait3A_165 = arith.constant 0 : i32
      %dma_wait3A_166 = tpu.memref_slice %arg10[%dma_wait3A_157, %dma_wait3A_158, %dma_wait3A_165] : memref<2x4x128xi32, #tpu.memory_space<vmem>> -> memref<1x1x128xi32, #tpu.memory_space<vmem>>
      %dma_wait3A_167 = tpu.memref_squeeze %dma_wait3A_166 : memref<1x1x128xi32, #tpu.memory_space<vmem>> -> memref<128xi32, #tpu.memory_space<vmem>>
      %dma_wait3A_168 = arith.constant 0 : i32
      %dma_wait3A_169 = arith.constant 0 : i32
      %dma_wait3A_170 = tpu.memref_slice %arg2[%dma_wait3A_168, %dma_wait3A_169] : memref<10000x64xf32, #tpu.memory_space<hbm>> -> memref<10000x64xf32, #tpu.memory_space<hbm>>
      tpu.wait_indirect_dma semaphore(%arg14 : memref<!tpu.dma_semaphore, #tpu.memory_space<semaphore_mem>>) src(%dma_wait3A_170 : memref<10000x64xf32, #tpu.memory_space<hbm>>) dst(%dma_wait3A_164 : memref<128x64xf32, #tpu.memory_space<vmem>>)
      %dma_start3A_171 = arith.constant 0 : i32
      %dma_start3A_172 = arith.constant 0 : i32
      %dma_start3A_173 = arith.constant 0 : i32
      %dma_start3A_174 = arith.constant 0 : i32
      %dma_start3A_175 = arith.constant 0 : i32
      %dma_start3A_176 = arith.constant 0 : i32
      %dma_start3A_177 = tpu.memref_slice %arg12[%dma_start3A_171, %dma_start3A_172, %dma_start3A_175, %dma_start3A_176] : memref<2x4x128x64xf32, #tpu.memory_space<vmem>> -> memref<1x1x128x64xf32, #tpu.memory_space<vmem>>
      %dma_start3A_178 = tpu.memref_squeeze %dma_start3A_177 : memref<1x1x128x64xf32, #tpu.memory_space<vmem>> -> memref<128x64xf32, #tpu.memory_space<vmem>>
      %dma_start3A_179 = arith.constant 0 : i32
      %dma_start3A_180 = tpu.memref_slice %arg11[%dma_start3A_173, %dma_start3A_174, %dma_start3A_179] : memref<2x4x128xi32, #tpu.memory_space<vmem>> -> memref<1x1x128xi32, #tpu.memory_space<vmem>>
      %dma_start3A_181 = tpu.memref_squeeze %dma_start3A_180 : memref<1x1x128xi32, #tpu.memory_space<vmem>> -> memref<128xi32, #tpu.memory_space<vmem>>
      %dma_start3A_182 = arith.constant 0 : i32
      %dma_start3A_183 = arith.constant 0 : i32
      %dma_start3A_184 = tpu.memref_slice %arg13[%dma_start3A_182, %dma_start3A_183] : memref<10240x64xf32, #tpu.memory_space<vmem_shared>> -> memref<10240x64xf32, #tpu.memory_space<vmem_shared>>
      tpu.enqueue_indirect_dma source(%dma_start3A_178 : memref<128x64xf32, #tpu.memory_space<vmem>>) target(%dma_start3A_184 : memref<10240x64xf32, #tpu.memory_space<vmem_shared>>) offsets(%dma_start3A_181 : memref<128xi32, #tpu.memory_space<vmem>>) semaphore(%arg16 : memref<!tpu.dma_semaphore, #tpu.memory_space<semaphore_mem>>) {add = true}
      %dma_start3A_185 = arith.constant 0 : i32
      %dma_start3A_186 = arith.constant 0 : i32
      %dma_start3A_187 = arith.constant 0 : i32
      %dma_start3A_188 = tpu.memref_slice %arg11[%dma_start3A_185, %dma_start3A_186, %dma_start3A_187] : memref<2x4x128xi32, #tpu.memory_space<vmem>> -> memref<1x1x128xi32, #tpu.memory_space<vmem>>
      %dma_start3A_189 = tpu.memref_squeeze %dma_start3A_188 : memref<1x1x128xi32, #tpu.memory_space<vmem>> -> memref<128xi32, #tpu.memory_space<vmem>>
      %dma_start3A_190 = arith.constant 0 : i32
      %dma_start3A_191 = arith.constant 0 : i32
      %dma_start3A_192 = tpu.memref_slice %arg21[%dma_start3A_190, %dma_start3A_191] : memref<10240x16xf32, #tpu.memory_space<vmem_shared>> -> memref<10240x16xf32, #tpu.memory_space<vmem_shared>>
      tpu.enqueue_indirect_dma source(%arg20 : memref<128x16xf32, #tpu.memory_space<vmem>>) target(%dma_start3A_192 : memref<10240x16xf32, #tpu.memory_space<vmem_shared>>) offsets(%dma_start3A_189 : memref<128xi32, #tpu.memory_space<vmem>>) semaphore(%arg16 : memref<!tpu.dma_semaphore, #tpu.memory_space<semaphore_mem>>) {add = true}
      %dma_start3A_193 = arith.constant 0 : i32
      %dma_start3A_194 = arith.constant 1 : i32
      %dma_start3A_195 = arith.constant 0 : i32
      %dma_start3A_196 = arith.constant 1 : i32
      %dma_start3A_197 = arith.constant 0 : i32
      %dma_start3A_198 = arith.constant 0 : i32
      %dma_start3A_199 = tpu.memref_slice %arg12[%dma_start3A_193, %dma_start3A_194, %dma_start3A_197, %dma_start3A_198] : memref<2x4x128x64xf32, #tpu.memory_space<vmem>> -> memref<1x1x128x64xf32, #tpu.memory_space<vmem>>
      %dma_start3A_200 = tpu.memref_squeeze %dma_start3A_199 : memref<1x1x128x64xf32, #tpu.memory_space<vmem>> -> memref<128x64xf32, #tpu.memory_space<vmem>>
      %dma_start3A_201 = arith.constant 0 : i32
      %dma_start3A_202 = tpu.memref_slice %arg11[%dma_start3A_195, %dma_start3A_196, %dma_start3A_201] : memref<2x4x128xi32, #tpu.memory_space<vmem>> -> memref<1x1x128xi32, #tpu.memory_space<vmem>>
      %dma_start3A_203 = tpu.memref_squeeze %dma_start3A_202 : memref<1x1x128xi32, #tpu.memory_space<vmem>> -> memref<128xi32, #tpu.memory_space<vmem>>
      %dma_start3A_204 = arith.constant 0 : i32
      %dma_start3A_205 = arith.constant 0 : i32
      %dma_start3A_206 = tpu.memref_slice %arg13[%dma_start3A_204, %dma_start3A_205] : memref<10240x64xf32, #tpu.memory_space<vmem_shared>> -> memref<10240x64xf32, #tpu.memory_space<vmem_shared>>
      tpu.enqueue_indirect_dma source(%dma_start3A_200 : memref<128x64xf32, #tpu.memory_space<vmem>>) target(%dma_start3A_206 : memref<10240x64xf32, #tpu.memory_space<vmem_shared>>) offsets(%dma_start3A_203 : memref<128xi32, #tpu.memory_space<vmem>>) semaphore(%arg16 : memref<!tpu.dma_semaphore, #tpu.memory_space<semaphore_mem>>) {add = true}
      %dma_start3A_207 = arith.constant 0 : i32
      %dma_start3A_208 = arith.constant 1 : i32
      %dma_start3A_209 = arith.constant 0 : i32
      %dma_start3A_210 = tpu.memref_slice %arg11[%dma_start3A_207, %dma_start3A_208, %dma_start3A_209] : memref<2x4x128xi32, #tpu.memory_space<vmem>> -> memref<1x1x128xi32, #tpu.memory_space<vmem>>
      %dma_start3A_211 = tpu.memref_squeeze %dma_start3A_210 : memref<1x1x128xi32, #tpu.memory_space<vmem>> -> memref<128xi32, #tpu.memory_space<vmem>>
      %dma_start3A_212 = arith.constant 0 : i32
      %dma_start3A_213 = arith.constant 0 : i32
      %dma_start3A_214 = tpu.memref_slice %arg21[%dma_start3A_212, %dma_start3A_213] : memref<10240x16xf32, #tpu.memory_space<vmem_shared>> -> memref<10240x16xf32, #tpu.memory_space<vmem_shared>>
      tpu.enqueue_indirect_dma source(%arg20 : memref<128x16xf32, #tpu.memory_space<vmem>>) target(%dma_start3A_214 : memref<10240x16xf32, #tpu.memory_space<vmem_shared>>) offsets(%dma_start3A_211 : memref<128xi32, #tpu.memory_space<vmem>>) semaphore(%arg16 : memref<!tpu.dma_semaphore, #tpu.memory_space<semaphore_mem>>) {add = true}
      %dma_start3A_215 = arith.constant 0 : i32
      %dma_start3A_216 = arith.constant 2 : i32
      %dma_start3A_217 = arith.constant 0 : i32
      %dma_start3A_218 = arith.constant 2 : i32
      %dma_start3A_219 = arith.constant 0 : i32
      %dma_start3A_220 = arith.constant 0 : i32
      %dma_start3A_221 = tpu.memref_slice %arg12[%dma_start3A_215, %dma_start3A_216, %dma_start3A_219, %dma_start3A_220] : memref<2x4x128x64xf32, #tpu.memory_space<vmem>> -> memref<1x1x128x64xf32, #tpu.memory_space<vmem>>
      %dma_start3A_222 = tpu.memref_squeeze %dma_start3A_221 : memref<1x1x128x64xf32, #tpu.memory_space<vmem>> -> memref<128x64xf32, #tpu.memory_space<vmem>>
      %dma_start3A_223 = arith.constant 0 : i32
      %dma_start3A_224 = tpu.memref_slice %arg11[%dma_start3A_217, %dma_start3A_218, %dma_start3A_223] : memref<2x4x128xi32, #tpu.memory_space<vmem>> -> memref<1x1x128xi32, #tpu.memory_space<vmem>>
      %dma_start3A_225 = tpu.memref_squeeze %dma_start3A_224 : memref<1x1x128xi32, #tpu.memory_space<vmem>> -> memref<128xi32, #tpu.memory_space<vmem>>
      %dma_start3A_226 = arith.constant 0 : i32
      %dma_start3A_227 = arith.constant 0 : i32
      %dma_start3A_228 = tpu.memref_slice %arg13[%dma_start3A_226, %dma_start3A_227] : memref<10240x64xf32, #tpu.memory_space<vmem_shared>> -> memref<10240x64xf32, #tpu.memory_space<vmem_shared>>
      tpu.enqueue_indirect_dma source(%dma_start3A_222 : memref<128x64xf32, #tpu.memory_space<vmem>>) target(%dma_start3A_228 : memref<10240x64xf32, #tpu.memory_space<vmem_shared>>) offsets(%dma_start3A_225 : memref<128xi32, #tpu.memory_space<vmem>>) semaphore(%arg16 : memref<!tpu.dma_semaphore, #tpu.memory_space<semaphore_mem>>) {add = true}
      %dma_start3A_229 = arith.constant 0 : i32
      %dma_start3A_230 = arith.constant 2 : i32
      %dma_start3A_231 = arith.constant 0 : i32
      %dma_start3A_232 = tpu.memref_slice %arg11[%dma_start3A_229, %dma_start3A_230, %dma_start3A_231] : memref<2x4x128xi32, #tpu.memory_space<vmem>> -> memref<1x1x128xi32, #tpu.memory_space<vmem>>
      %dma_start3A_233 = tpu.memref_squeeze %dma_start3A_232 : memref<1x1x128xi32, #tpu.memory_space<vmem>> -> memref<128xi32, #tpu.memory_space<vmem>>
      %dma_start3A_234 = arith.constant 0 : i32
      %dma_start3A_235 = arith.constant 0 : i32
      %dma_start3A_236 = tpu.memref_slice %arg21[%dma_start3A_234, %dma_start3A_235] : memref<10240x16xf32, #tpu.memory_space<vmem_shared>> -> memref<10240x16xf32, #tpu.memory_space<vmem_shared>>
      tpu.enqueue_indirect_dma source(%arg20 : memref<128x16xf32, #tpu.memory_space<vmem>>) target(%dma_start3A_236 : memref<10240x16xf32, #tpu.memory_space<vmem_shared>>) offsets(%dma_start3A_233 : memref<128xi32, #tpu.memory_space<vmem>>) semaphore(%arg16 : memref<!tpu.dma_semaphore, #tpu.memory_space<semaphore_mem>>) {add = true}
      %dma_start3A_237 = arith.constant 0 : i32
      %dma_start3A_238 = arith.constant 3 : i32
      %dma_start3A_239 = arith.constant 0 : i32
      %dma_start3A_240 = arith.constant 3 : i32
      %dma_start3A_241 = arith.constant 0 : i32
      %dma_start3A_242 = arith.constant 0 : i32
      %dma_start3A_243 = tpu.memref_slice %arg12[%dma_start3A_237, %dma_start3A_238, %dma_start3A_241, %dma_start3A_242] : memref<2x4x128x64xf32, #tpu.memory_space<vmem>> -> memref<1x1x128x64xf32, #tpu.memory_space<vmem>>
      %dma_start3A_244 = tpu.memref_squeeze %dma_start3A_243 : memref<1x1x128x64xf32, #tpu.memory_space<vmem>> -> memref<128x64xf32, #tpu.memory_space<vmem>>
      %dma_start3A_245 = arith.constant 0 : i32
      %dma_start3A_246 = tpu.memref_slice %arg11[%dma_start3A_239, %dma_start3A_240, %dma_start3A_245] : memref<2x4x128xi32, #tpu.memory_space<vmem>> -> memref<1x1x128xi32, #tpu.memory_space<vmem>>
      %dma_start3A_247 = tpu.memref_squeeze %dma_start3A_246 : memref<1x1x128xi32, #tpu.memory_space<vmem>> -> memref<128xi32, #tpu.memory_space<vmem>>
      %dma_start3A_248 = arith.constant 0 : i32
      %dma_start3A_249 = arith.constant 0 : i32
      %dma_start3A_250 = tpu.memref_slice %arg13[%dma_start3A_248, %dma_start3A_249] : memref<10240x64xf32, #tpu.memory_space<vmem_shared>> -> memref<10240x64xf32, #tpu.memory_space<vmem_shared>>
      tpu.enqueue_indirect_dma source(%dma_start3A_244 : memref<128x64xf32, #tpu.memory_space<vmem>>) target(%dma_start3A_250 : memref<10240x64xf32, #tpu.memory_space<vmem_shared>>) offsets(%dma_start3A_247 : memref<128xi32, #tpu.memory_space<vmem>>) semaphore(%arg16 : memref<!tpu.dma_semaphore, #tpu.memory_space<semaphore_mem>>) {add = true}
      %dma_start3A_251 = arith.constant 0 : i32
      %dma_start3A_252 = arith.constant 3 : i32
      %dma_start3A_253 = arith.constant 0 : i32
      %dma_start3A_254 = tpu.memref_slice %arg11[%dma_start3A_251, %dma_start3A_252, %dma_start3A_253] : memref<2x4x128xi32, #tpu.memory_space<vmem>> -> memref<1x1x128xi32, #tpu.memory_space<vmem>>
      %dma_start3A_255 = tpu.memref_squeeze %dma_start3A_254 : memref<1x1x128xi32, #tpu.memory_space<vmem>> -> memref<128xi32, #tpu.memory_space<vmem>>
      %dma_start3A_256 = arith.constant 0 : i32
      %dma_start3A_257 = arith.constant 0 : i32
      %dma_start3A_258 = tpu.memref_slice %arg21[%dma_start3A_256, %dma_start3A_257] : memref<10240x16xf32, #tpu.memory_space<vmem_shared>> -> memref<10240x16xf32, #tpu.memory_space<vmem_shared>>
      tpu.enqueue_indirect_dma source(%arg20 : memref<128x16xf32, #tpu.memory_space<vmem>>) target(%dma_start3A_258 : memref<10240x16xf32, #tpu.memory_space<vmem_shared>>) offsets(%dma_start3A_255 : memref<128xi32, #tpu.memory_space<vmem>>) semaphore(%arg16 : memref<!tpu.dma_semaphore, #tpu.memory_space<semaphore_mem>>) {add = true}
      %dma_wait3A_259 = arith.constant 1 : i32
      %dma_wait3A_260 = arith.constant 0 : i32
      %dma_wait3A_261 = arith.constant 0 : i32
      %dma_wait3A_262 = tpu.memref_slice %arg10[%dma_wait3A_259, %dma_wait3A_260, %dma_wait3A_261] : memref<2x4x128xi32, #tpu.memory_space<vmem>> -> memref<1x4x128xi32, #tpu.memory_space<vmem>>
      %dma_wait3A_263 = tpu.memref_squeeze %dma_wait3A_262 : memref<1x4x128xi32, #tpu.memory_space<vmem>> -> memref<4x128xi32, #tpu.memory_space<vmem>>
      %dma_wait3A_264 = arith.constant 0 : i32
      %dma_wait3A_265 = arith.constant 0 : i32
      %dma_wait3A_266 = tpu.memref_slice %arg3[%add3A, %add3A_79, %dma_wait3A_264, %dma_wait3A_265] : memref<32x20x4x128xi32, #tpu.memory_space<hbm>> -> memref<1x1x4x128xi32, #tpu.memory_space<hbm>>
      %dma_wait3A_267 = tpu.memref_squeeze %dma_wait3A_266 : memref<1x1x4x128xi32, #tpu.memory_space<hbm>> -> memref<4x128xi32, #tpu.memory_space<hbm>>
      %dma_wait3A_268 = arith.constant 0 : i32
      %dma_wait3A_269 = arith.constant 0 : i32
      %dma_wait3A_270 = tpu.memref_slice %arg10[%dma_wait3A_259, %dma_wait3A_268, %dma_wait3A_269] : memref<2x4x128xi32, #tpu.memory_space<vmem>> -> memref<1x4x128xi32, #tpu.memory_space<vmem>>
      %dma_wait3A_271 = tpu.memref_squeeze %dma_wait3A_270 : memref<1x4x128xi32, #tpu.memory_space<vmem>> -> memref<4x128xi32, #tpu.memory_space<vmem>>
      %dma_wait3A_272 = arith.constant 0 : i32
      %dma_wait3A_273 = arith.constant 0 : i32
      %dma_wait3A_274 = tpu.memref_slice %arg3[%add3A, %add3A_79, %dma_wait3A_272, %dma_wait3A_273] : memref<32x20x4x128xi32, #tpu.memory_space<hbm>> -> memref<1x1x4x128xi32, #tpu.memory_space<hbm>>
      %dma_wait3A_275 = tpu.memref_squeeze %dma_wait3A_274 : memref<1x1x4x128xi32, #tpu.memory_space<hbm>> -> memref<4x128xi32, #tpu.memory_space<hbm>>
      tpu.wait_dma2 semaphore(%arg19 : memref<!tpu.dma_semaphore, #tpu.memory_space<semaphore_mem>>) src(%dma_wait3A_275 : memref<4x128xi32, #tpu.memory_space<hbm>>) dst(%dma_wait3A_271 : memref<4x128xi32, #tpu.memory_space<vmem>>)
      %dma_wait3A_276 = arith.constant 1 : i32
      %dma_wait3A_277 = arith.constant 0 : i32
      %dma_wait3A_278 = arith.constant 0 : i32
      %dma_wait3A_279 = tpu.memref_slice %arg11[%dma_wait3A_276, %dma_wait3A_277, %dma_wait3A_278] : memref<2x4x128xi32, #tpu.memory_space<vmem>> -> memref<1x4x128xi32, #tpu.memory_space<vmem>>
      %dma_wait3A_280 = tpu.memref_squeeze %dma_wait3A_279 : memref<1x4x128xi32, #tpu.memory_space<vmem>> -> memref<4x128xi32, #tpu.memory_space<vmem>>
      %dma_wait3A_281 = arith.constant 0 : i32
      %dma_wait3A_282 = arith.constant 0 : i32
      %dma_wait3A_283 = tpu.memref_slice %arg4[%add3A, %add3A_98, %dma_wait3A_281, %dma_wait3A_282] : memref<32x20x4x128xi32, #tpu.memory_space<hbm>> -> memref<1x1x4x128xi32, #tpu.memory_space<hbm>>
      %dma_wait3A_284 = tpu.memref_squeeze %dma_wait3A_283 : memref<1x1x4x128xi32, #tpu.memory_space<hbm>> -> memref<4x128xi32, #tpu.memory_space<hbm>>
      %dma_wait3A_285 = arith.constant 0 : i32
      %dma_wait3A_286 = arith.constant 0 : i32
      %dma_wait3A_287 = tpu.memref_slice %arg11[%dma_wait3A_276, %dma_wait3A_285, %dma_wait3A_286] : memref<2x4x128xi32, #tpu.memory_space<vmem>> -> memref<1x4x128xi32, #tpu.memory_space<vmem>>
      %dma_wait3A_288 = tpu.memref_squeeze %dma_wait3A_287 : memref<1x4x128xi32, #tpu.memory_space<vmem>> -> memref<4x128xi32, #tpu.memory_space<vmem>>
      %dma_wait3A_289 = arith.constant 0 : i32
      %dma_wait3A_290 = arith.constant 0 : i32
      %dma_wait3A_291 = tpu.memref_slice %arg4[%add3A, %add3A_98, %dma_wait3A_289, %dma_wait3A_290] : memref<32x20x4x128xi32, #tpu.memory_space<hbm>> -> memref<1x1x4x128xi32, #tpu.memory_space<hbm>>
      %dma_wait3A_292 = tpu.memref_squeeze %dma_wait3A_291 : memref<1x1x4x128xi32, #tpu.memory_space<hbm>> -> memref<4x128xi32, #tpu.memory_space<hbm>>
      tpu.wait_dma2 semaphore(%arg19 : memref<!tpu.dma_semaphore, #tpu.memory_space<semaphore_mem>>) src(%dma_wait3A_292 : memref<4x128xi32, #tpu.memory_space<hbm>>) dst(%dma_wait3A_288 : memref<4x128xi32, #tpu.memory_space<vmem>>)
      %dma_start3A_293 = arith.constant 1 : i32
      %dma_start3A_294 = arith.constant 0 : i32
      %dma_start3A_295 = arith.constant 1 : i32
      %dma_start3A_296 = arith.constant 0 : i32
      %dma_start3A_297 = arith.constant 0 : i32
      %dma_start3A_298 = arith.constant 0 : i32
      %dma_start3A_299 = tpu.memref_slice %arg12[%dma_start3A_295, %dma_start3A_296, %dma_start3A_297, %dma_start3A_298] : memref<2x4x128x64xf32, #tpu.memory_space<vmem>> -> memref<1x1x128x64xf32, #tpu.memory_space<vmem>>
      %dma_start3A_300 = tpu.memref_squeeze %dma_start3A_299 : memref<1x1x128x64xf32, #tpu.memory_space<vmem>> -> memref<128x64xf32, #tpu.memory_space<vmem>>
      %dma_start3A_301 = arith.constant 0 : i32
      %dma_start3A_302 = tpu.memref_slice %arg10[%dma_start3A_293, %dma_start3A_294, %dma_start3A_301] : memref<2x4x128xi32, #tpu.memory_space<vmem>> -> memref<1x1x128xi32, #tpu.memory_space<vmem>>
      %dma_start3A_303 = tpu.memref_squeeze %dma_start3A_302 : memref<1x1x128xi32, #tpu.memory_space<vmem>> -> memref<128xi32, #tpu.memory_space<vmem>>
      %dma_start3A_304 = arith.constant 0 : i32
      %dma_start3A_305 = arith.constant 0 : i32
      %dma_start3A_306 = tpu.memref_slice %arg2[%dma_start3A_304, %dma_start3A_305] : memref<10000x64xf32, #tpu.memory_space<hbm>> -> memref<10000x64xf32, #tpu.memory_space<hbm>>
      tpu.enqueue_indirect_dma source(%dma_start3A_306 : memref<10000x64xf32, #tpu.memory_space<hbm>>) target(%dma_start3A_300 : memref<128x64xf32, #tpu.memory_space<vmem>>) offsets(%dma_start3A_303 : memref<128xi32, #tpu.memory_space<vmem>>) semaphore(%arg15 : memref<!tpu.dma_semaphore, #tpu.memory_space<semaphore_mem>>)
      %dma_start3A_307 = arith.constant 1 : i32
      %dma_start3A_308 = arith.constant 1 : i32
      %dma_start3A_309 = arith.constant 1 : i32
      %dma_start3A_310 = arith.constant 1 : i32
      %dma_start3A_311 = arith.constant 0 : i32
      %dma_start3A_312 = arith.constant 0 : i32
      %dma_start3A_313 = tpu.memref_slice %arg12[%dma_start3A_309, %dma_start3A_310, %dma_start3A_311, %dma_start3A_312] : memref<2x4x128x64xf32, #tpu.memory_space<vmem>> -> memref<1x1x128x64xf32, #tpu.memory_space<vmem>>
      %dma_start3A_314 = tpu.memref_squeeze %dma_start3A_313 : memref<1x1x128x64xf32, #tpu.memory_space<vmem>> -> memref<128x64xf32, #tpu.memory_space<vmem>>
      %dma_start3A_315 = arith.constant 0 : i32
      %dma_start3A_316 = tpu.memref_slice %arg10[%dma_start3A_307, %dma_start3A_308, %dma_start3A_315] : memref<2x4x128xi32, #tpu.memory_space<vmem>> -> memref<1x1x128xi32, #tpu.memory_space<vmem>>
      %dma_start3A_317 = tpu.memref_squeeze %dma_start3A_316 : memref<1x1x128xi32, #tpu.memory_space<vmem>> -> memref<128xi32, #tpu.memory_space<vmem>>
      %dma_start3A_318 = arith.constant 0 : i32
      %dma_start3A_319 = arith.constant 0 : i32
      %dma_start3A_320 = tpu.memref_slice %arg2[%dma_start3A_318, %dma_start3A_319] : memref<10000x64xf32, #tpu.memory_space<hbm>> -> memref<10000x64xf32, #tpu.memory_space<hbm>>
      tpu.enqueue_indirect_dma source(%dma_start3A_320 : memref<10000x64xf32, #tpu.memory_space<hbm>>) target(%dma_start3A_314 : memref<128x64xf32, #tpu.memory_space<vmem>>) offsets(%dma_start3A_317 : memref<128xi32, #tpu.memory_space<vmem>>) semaphore(%arg15 : memref<!tpu.dma_semaphore, #tpu.memory_space<semaphore_mem>>)
      %dma_start3A_321 = arith.constant 1 : i32
      %dma_start3A_322 = arith.constant 2 : i32
      %dma_start3A_323 = arith.constant 1 : i32
      %dma_start3A_324 = arith.constant 2 : i32
      %dma_start3A_325 = arith.constant 0 : i32
      %dma_start3A_326 = arith.constant 0 : i32
      %dma_start3A_327 = tpu.memref_slice %arg12[%dma_start3A_323, %dma_start3A_324, %dma_start3A_325, %dma_start3A_326] : memref<2x4x128x64xf32, #tpu.memory_space<vmem>> -> memref<1x1x128x64xf32, #tpu.memory_space<vmem>>
      %dma_start3A_328 = tpu.memref_squeeze %dma_start3A_327 : memref<1x1x128x64xf32, #tpu.memory_space<vmem>> -> memref<128x64xf32, #tpu.memory_space<vmem>>
      %dma_start3A_329 = arith.constant 0 : i32
      %dma_start3A_330 = tpu.memref_slice %arg10[%dma_start3A_321, %dma_start3A_322, %dma_start3A_329] : memref<2x4x128xi32, #tpu.memory_space<vmem>> -> memref<1x1x128xi32, #tpu.memory_space<vmem>>
      %dma_start3A_331 = tpu.memref_squeeze %dma_start3A_330 : memref<1x1x128xi32, #tpu.memory_space<vmem>> -> memref<128xi32, #tpu.memory_space<vmem>>
      %dma_start3A_332 = arith.constant 0 : i32
      %dma_start3A_333 = arith.constant 0 : i32
      %dma_start3A_334 = tpu.memref_slice %arg2[%dma_start3A_332, %dma_start3A_333] : memref<10000x64xf32, #tpu.memory_space<hbm>> -> memref<10000x64xf32, #tpu.memory_space<hbm>>
      tpu.enqueue_indirect_dma source(%dma_start3A_334 : memref<10000x64xf32, #tpu.memory_space<hbm>>) target(%dma_start3A_328 : memref<128x64xf32, #tpu.memory_space<vmem>>) offsets(%dma_start3A_331 : memref<128xi32, #tpu.memory_space<vmem>>) semaphore(%arg15 : memref<!tpu.dma_semaphore, #tpu.memory_space<semaphore_mem>>)
      %dma_start3A_335 = arith.constant 1 : i32
      %dma_start3A_336 = arith.constant 3 : i32
      %dma_start3A_337 = arith.constant 1 : i32
      %dma_start3A_338 = arith.constant 3 : i32
      %dma_start3A_339 = arith.constant 0 : i32
      %dma_start3A_340 = arith.constant 0 : i32
      %dma_start3A_341 = tpu.memref_slice %arg12[%dma_start3A_337, %dma_start3A_338, %dma_start3A_339, %dma_start3A_340] : memref<2x4x128x64xf32, #tpu.memory_space<vmem>> -> memref<1x1x128x64xf32, #tpu.memory_space<vmem>>
      %dma_start3A_342 = tpu.memref_squeeze %dma_start3A_341 : memref<1x1x128x64xf32, #tpu.memory_space<vmem>> -> memref<128x64xf32, #tpu.memory_space<vmem>>
      %dma_start3A_343 = arith.constant 0 : i32
      %dma_start3A_344 = tpu.memref_slice %arg10[%dma_start3A_335, %dma_start3A_336, %dma_start3A_343] : memref<2x4x128xi32, #tpu.memory_space<vmem>> -> memref<1x1x128xi32, #tpu.memory_space<vmem>>
      %dma_start3A_345 = tpu.memref_squeeze %dma_start3A_344 : memref<1x1x128xi32, #tpu.memory_space<vmem>> -> memref<128xi32, #tpu.memory_space<vmem>>
      %dma_start3A_346 = arith.constant 0 : i32
      %dma_start3A_347 = arith.constant 0 : i32
      %dma_start3A_348 = tpu.memref_slice %arg2[%dma_start3A_346, %dma_start3A_347] : memref<10000x64xf32, #tpu.memory_space<hbm>> -> memref<10000x64xf32, #tpu.memory_space<hbm>>
      tpu.enqueue_indirect_dma source(%dma_start3A_348 : memref<10000x64xf32, #tpu.memory_space<hbm>>) target(%dma_start3A_342 : memref<128x64xf32, #tpu.memory_space<vmem>>) offsets(%dma_start3A_345 : memref<128xi32, #tpu.memory_space<vmem>>) semaphore(%arg15 : memref<!tpu.dma_semaphore, #tpu.memory_space<semaphore_mem>>)
      %dma_wait3A_349 = arith.constant 1 : i32
      %dma_wait3A_350 = arith.constant 0 : i32
      %dma_wait3A_351 = arith.constant 1 : i32
      %dma_wait3A_352 = arith.constant 0 : i32
      %dma_wait3A_353 = arith.constant 0 : i32
      %dma_wait3A_354 = arith.constant 0 : i32
      %dma_wait3A_355 = tpu.memref_slice %arg12[%dma_wait3A_351, %dma_wait3A_352, %dma_wait3A_353, %dma_wait3A_354] : memref<2x4x128x64xf32, #tpu.memory_space<vmem>> -> memref<1x1x128x64xf32, #tpu.memory_space<vmem>>
      %dma_wait3A_356 = tpu.memref_squeeze %dma_wait3A_355 : memref<1x1x128x64xf32, #tpu.memory_space<vmem>> -> memref<128x64xf32, #tpu.memory_space<vmem>>
      %dma_wait3A_357 = arith.constant 0 : i32
      %dma_wait3A_358 = tpu.memref_slice %arg10[%dma_wait3A_349, %dma_wait3A_350, %dma_wait3A_357] : memref<2x4x128xi32, #tpu.memory_space<vmem>> -> memref<1x1x128xi32, #tpu.memory_space<vmem>>
      %dma_wait3A_359 = tpu.memref_squeeze %dma_wait3A_358 : memref<1x1x128xi32, #tpu.memory_space<vmem>> -> memref<128xi32, #tpu.memory_space<vmem>>
      %dma_wait3A_360 = arith.constant 0 : i32
      %dma_wait3A_361 = arith.constant 0 : i32
      %dma_wait3A_362 = tpu.memref_slice %arg2[%dma_wait3A_360, %dma_wait3A_361] : memref<10000x64xf32, #tpu.memory_space<hbm>> -> memref<10000x64xf32, #tpu.memory_space<hbm>>
      tpu.wait_indirect_dma semaphore(%arg15 : memref<!tpu.dma_semaphore, #tpu.memory_space<semaphore_mem>>) src(%dma_wait3A_362 : memref<10000x64xf32, #tpu.memory_space<hbm>>) dst(%dma_wait3A_356 : memref<128x64xf32, #tpu.memory_space<vmem>>)
      %dma_wait3A_363 = arith.constant 1 : i32
      %dma_wait3A_364 = arith.constant 1 : i32
      %dma_wait3A_365 = arith.constant 1 : i32
      %dma_wait3A_366 = arith.constant 1 : i32
      %dma_wait3A_367 = arith.constant 0 : i32
      %dma_wait3A_368 = arith.constant 0 : i32
      %dma_wait3A_369 = tpu.memref_slice %arg12[%dma_wait3A_365, %dma_wait3A_366, %dma_wait3A_367, %dma_wait3A_368] : memref<2x4x128x64xf32, #tpu.memory_space<vmem>> -> memref<1x1x128x64xf32, #tpu.memory_space<vmem>>
      %dma_wait3A_370 = tpu.memref_squeeze %dma_wait3A_369 : memref<1x1x128x64xf32, #tpu.memory_space<vmem>> -> memref<128x64xf32, #tpu.memory_space<vmem>>
      %dma_wait3A_371 = arith.constant 0 : i32
      %dma_wait3A_372 = tpu.memref_slice %arg10[%dma_wait3A_363, %dma_wait3A_364, %dma_wait3A_371] : memref<2x4x128xi32, #tpu.memory_space<vmem>> -> memref<1x1x128xi32, #tpu.memory_space<vmem>>
      %dma_wait3A_373 = tpu.memref_squeeze %dma_wait3A_372 : memref<1x1x128xi32, #tpu.memory_space<vmem>> -> memref<128xi32, #tpu.memory_space<vmem>>
      %dma_wait3A_374 = arith.constant 0 : i32
      %dma_wait3A_375 = arith.constant 0 : i32
      %dma_wait3A_376 = tpu.memref_slice %arg2[%dma_wait3A_374, %dma_wait3A_375] : memref<10000x64xf32, #tpu.memory_space<hbm>> -> memref<10000x64xf32, #tpu.memory_space<hbm>>
      tpu.wait_indirect_dma semaphore(%arg15 : memref<!tpu.dma_semaphore, #tpu.memory_space<semaphore_mem>>) src(%dma_wait3A_376 : memref<10000x64xf32, #tpu.memory_space<hbm>>) dst(%dma_wait3A_370 : memref<128x64xf32, #tpu.memory_space<vmem>>)
      %dma_wait3A_377 = arith.constant 1 : i32
      %dma_wait3A_378 = arith.constant 2 : i32
      %dma_wait3A_379 = arith.constant 1 : i32
      %dma_wait3A_380 = arith.constant 2 : i32
      %dma_wait3A_381 = arith.constant 0 : i32
      %dma_wait3A_382 = arith.constant 0 : i32
      %dma_wait3A_383 = tpu.memref_slice %arg12[%dma_wait3A_379, %dma_wait3A_380, %dma_wait3A_381, %dma_wait3A_382] : memref<2x4x128x64xf32, #tpu.memory_space<vmem>> -> memref<1x1x128x64xf32, #tpu.memory_space<vmem>>
      %dma_wait3A_384 = tpu.memref_squeeze %dma_wait3A_383 : memref<1x1x128x64xf32, #tpu.memory_space<vmem>> -> memref<128x64xf32, #tpu.memory_space<vmem>>
      %dma_wait3A_385 = arith.constant 0 : i32
      %dma_wait3A_386 = tpu.memref_slice %arg10[%dma_wait3A_377, %dma_wait3A_378, %dma_wait3A_385] : memref<2x4x128xi32, #tpu.memory_space<vmem>> -> memref<1x1x128xi32, #tpu.memory_space<vmem>>
      %dma_wait3A_387 = tpu.memref_squeeze %dma_wait3A_386 : memref<1x1x128xi32, #tpu.memory_space<vmem>> -> memref<128xi32, #tpu.memory_space<vmem>>
      %dma_wait3A_388 = arith.constant 0 : i32
      %dma_wait3A_389 = arith.constant 0 : i32
      %dma_wait3A_390 = tpu.memref_slice %arg2[%dma_wait3A_388, %dma_wait3A_389] : memref<10000x64xf32, #tpu.memory_space<hbm>> -> memref<10000x64xf32, #tpu.memory_space<hbm>>
      tpu.wait_indirect_dma semaphore(%arg15 : memref<!tpu.dma_semaphore, #tpu.memory_space<semaphore_mem>>) src(%dma_wait3A_390 : memref<10000x64xf32, #tpu.memory_space<hbm>>) dst(%dma_wait3A_384 : memref<128x64xf32, #tpu.memory_space<vmem>>)
      %dma_wait3A_391 = arith.constant 1 : i32
      %dma_wait3A_392 = arith.constant 3 : i32
      %dma_wait3A_393 = arith.constant 1 : i32
      %dma_wait3A_394 = arith.constant 3 : i32
      %dma_wait3A_395 = arith.constant 0 : i32
      %dma_wait3A_396 = arith.constant 0 : i32
      %dma_wait3A_397 = tpu.memref_slice %arg12[%dma_wait3A_393, %dma_wait3A_394, %dma_wait3A_395, %dma_wait3A_396] : memref<2x4x128x64xf32, #tpu.memory_space<vmem>> -> memref<1x1x128x64xf32, #tpu.memory_space<vmem>>
      %dma_wait3A_398 = tpu.memref_squeeze %dma_wait3A_397 : memref<1x1x128x64xf32, #tpu.memory_space<vmem>> -> memref<128x64xf32, #tpu.memory_space<vmem>>
      %dma_wait3A_399 = arith.constant 0 : i32
      %dma_wait3A_400 = tpu.memref_slice %arg10[%dma_wait3A_391, %dma_wait3A_392, %dma_wait3A_399] : memref<2x4x128xi32, #tpu.memory_space<vmem>> -> memref<1x1x128xi32, #tpu.memory_space<vmem>>
      %dma_wait3A_401 = tpu.memref_squeeze %dma_wait3A_400 : memref<1x1x128xi32, #tpu.memory_space<vmem>> -> memref<128xi32, #tpu.memory_space<vmem>>
      %dma_wait3A_402 = arith.constant 0 : i32
      %dma_wait3A_403 = arith.constant 0 : i32
      %dma_wait3A_404 = tpu.memref_slice %arg2[%dma_wait3A_402, %dma_wait3A_403] : memref<10000x64xf32, #tpu.memory_space<hbm>> -> memref<10000x64xf32, #tpu.memory_space<hbm>>
      tpu.wait_indirect_dma semaphore(%arg15 : memref<!tpu.dma_semaphore, #tpu.memory_space<semaphore_mem>>) src(%dma_wait3A_404 : memref<10000x64xf32, #tpu.memory_space<hbm>>) dst(%dma_wait3A_398 : memref<128x64xf32, #tpu.memory_space<vmem>>)
      %dma_start3A_405 = arith.constant 1 : i32
      %dma_start3A_406 = arith.constant 0 : i32
      %dma_start3A_407 = arith.constant 1 : i32
      %dma_start3A_408 = arith.constant 0 : i32
      %dma_start3A_409 = arith.constant 0 : i32
      %dma_start3A_410 = arith.constant 0 : i32
      %dma_start3A_411 = tpu.memref_slice %arg12[%dma_start3A_405, %dma_start3A_406, %dma_start3A_409, %dma_start3A_410] : memref<2x4x128x64xf32, #tpu.memory_space<vmem>> -> memref<1x1x128x64xf32, #tpu.memory_space<vmem>>
      %dma_start3A_412 = tpu.memref_squeeze %dma_start3A_411 : memref<1x1x128x64xf32, #tpu.memory_space<vmem>> -> memref<128x64xf32, #tpu.memory_space<vmem>>
      %dma_start3A_413 = arith.constant 0 : i32
      %dma_start3A_414 = tpu.memref_slice %arg11[%dma_start3A_407, %dma_start3A_408, %dma_start3A_413] : memref<2x4x128xi32, #tpu.memory_space<vmem>> -> memref<1x1x128xi32, #tpu.memory_space<vmem>>
      %dma_start3A_415 = tpu.memref_squeeze %dma_start3A_414 : memref<1x1x128xi32, #tpu.memory_space<vmem>> -> memref<128xi32, #tpu.memory_space<vmem>>
      %dma_start3A_416 = arith.constant 0 : i32
      %dma_start3A_417 = arith.constant 0 : i32
      %dma_start3A_418 = tpu.memref_slice %arg13[%dma_start3A_416, %dma_start3A_417] : memref<10240x64xf32, #tpu.memory_space<vmem_shared>> -> memref<10240x64xf32, #tpu.memory_space<vmem_shared>>
      tpu.enqueue_indirect_dma source(%dma_start3A_412 : memref<128x64xf32, #tpu.memory_space<vmem>>) target(%dma_start3A_418 : memref<10240x64xf32, #tpu.memory_space<vmem_shared>>) offsets(%dma_start3A_415 : memref<128xi32, #tpu.memory_space<vmem>>) semaphore(%arg17 : memref<!tpu.dma_semaphore, #tpu.memory_space<semaphore_mem>>) {add = true}
      %dma_start3A_419 = arith.constant 1 : i32
      %dma_start3A_420 = arith.constant 0 : i32
      %dma_start3A_421 = arith.constant 0 : i32
      %dma_start3A_422 = tpu.memref_slice %arg11[%dma_start3A_419, %dma_start3A_420, %dma_start3A_421] : memref<2x4x128xi32, #tpu.memory_space<vmem>> -> memref<1x1x128xi32, #tpu.memory_space<vmem>>
      %dma_start3A_423 = tpu.memref_squeeze %dma_start3A_422 : memref<1x1x128xi32, #tpu.memory_space<vmem>> -> memref<128xi32, #tpu.memory_space<vmem>>
      %dma_start3A_424 = arith.constant 0 : i32
      %dma_start3A_425 = arith.constant 0 : i32
      %dma_start3A_426 = tpu.memref_slice %arg21[%dma_start3A_424, %dma_start3A_425] : memref<10240x16xf32, #tpu.memory_space<vmem_shared>> -> memref<10240x16xf32, #tpu.memory_space<vmem_shared>>
      tpu.enqueue_indirect_dma source(%arg20 : memref<128x16xf32, #tpu.memory_space<vmem>>) target(%dma_start3A_426 : memref<10240x16xf32, #tpu.memory_space<vmem_shared>>) offsets(%dma_start3A_423 : memref<128xi32, #tpu.memory_space<vmem>>) semaphore(%arg17 : memref<!tpu.dma_semaphore, #tpu.memory_space<semaphore_mem>>) {add = true}
      %dma_start3A_427 = arith.constant 1 : i32
      %dma_start3A_428 = arith.constant 1 : i32
      %dma_start3A_429 = arith.constant 1 : i32
      %dma_start3A_430 = arith.constant 1 : i32
      %dma_start3A_431 = arith.constant 0 : i32
      %dma_start3A_432 = arith.constant 0 : i32
      %dma_start3A_433 = tpu.memref_slice %arg12[%dma_start3A_427, %dma_start3A_428, %dma_start3A_431, %dma_start3A_432] : memref<2x4x128x64xf32, #tpu.memory_space<vmem>> -> memref<1x1x128x64xf32, #tpu.memory_space<vmem>>
      %dma_start3A_434 = tpu.memref_squeeze %dma_start3A_433 : memref<1x1x128x64xf32, #tpu.memory_space<vmem>> -> memref<128x64xf32, #tpu.memory_space<vmem>>
      %dma_start3A_435 = arith.constant 0 : i32
      %dma_start3A_436 = tpu.memref_slice %arg11[%dma_start3A_429, %dma_start3A_430, %dma_start3A_435] : memref<2x4x128xi32, #tpu.memory_space<vmem>> -> memref<1x1x128xi32, #tpu.memory_space<vmem>>
      %dma_start3A_437 = tpu.memref_squeeze %dma_start3A_436 : memref<1x1x128xi32, #tpu.memory_space<vmem>> -> memref<128xi32, #tpu.memory_space<vmem>>
      %dma_start3A_438 = arith.constant 0 : i32
      %dma_start3A_439 = arith.constant 0 : i32
      %dma_start3A_440 = tpu.memref_slice %arg13[%dma_start3A_438, %dma_start3A_439] : memref<10240x64xf32, #tpu.memory_space<vmem_shared>> -> memref<10240x64xf32, #tpu.memory_space<vmem_shared>>
      tpu.enqueue_indirect_dma source(%dma_start3A_434 : memref<128x64xf32, #tpu.memory_space<vmem>>) target(%dma_start3A_440 : memref<10240x64xf32, #tpu.memory_space<vmem_shared>>) offsets(%dma_start3A_437 : memref<128xi32, #tpu.memory_space<vmem>>) semaphore(%arg17 : memref<!tpu.dma_semaphore, #tpu.memory_space<semaphore_mem>>) {add = true}
      %dma_start3A_441 = arith.constant 1 : i32
      %dma_start3A_442 = arith.constant 1 : i32
      %dma_start3A_443 = arith.constant 0 : i32
      %dma_start3A_444 = tpu.memref_slice %arg11[%dma_start3A_441, %dma_start3A_442, %dma_start3A_443] : memref<2x4x128xi32, #tpu.memory_space<vmem>> -> memref<1x1x128xi32, #tpu.memory_space<vmem>>
      %dma_start3A_445 = tpu.memref_squeeze %dma_start3A_444 : memref<1x1x128xi32, #tpu.memory_space<vmem>> -> memref<128xi32, #tpu.memory_space<vmem>>
      %dma_start3A_446 = arith.constant 0 : i32
      %dma_start3A_447 = arith.constant 0 : i32
      %dma_start3A_448 = tpu.memref_slice %arg21[%dma_start3A_446, %dma_start3A_447] : memref<10240x16xf32, #tpu.memory_space<vmem_shared>> -> memref<10240x16xf32, #tpu.memory_space<vmem_shared>>
      tpu.enqueue_indirect_dma source(%arg20 : memref<128x16xf32, #tpu.memory_space<vmem>>) target(%dma_start3A_448 : memref<10240x16xf32, #tpu.memory_space<vmem_shared>>) offsets(%dma_start3A_445 : memref<128xi32, #tpu.memory_space<vmem>>) semaphore(%arg17 : memref<!tpu.dma_semaphore, #tpu.memory_space<semaphore_mem>>) {add = true}
      %dma_start3A_449 = arith.constant 1 : i32
      %dma_start3A_450 = arith.constant 2 : i32
      %dma_start3A_451 = arith.constant 1 : i32
      %dma_start3A_452 = arith.constant 2 : i32
      %dma_start3A_453 = arith.constant 0 : i32
      %dma_start3A_454 = arith.constant 0 : i32
      %dma_start3A_455 = tpu.memref_slice %arg12[%dma_start3A_449, %dma_start3A_450, %dma_start3A_453, %dma_start3A_454] : memref<2x4x128x64xf32, #tpu.memory_space<vmem>> -> memref<1x1x128x64xf32, #tpu.memory_space<vmem>>
      %dma_start3A_456 = tpu.memref_squeeze %dma_start3A_455 : memref<1x1x128x64xf32, #tpu.memory_space<vmem>> -> memref<128x64xf32, #tpu.memory_space<vmem>>
      %dma_start3A_457 = arith.constant 0 : i32
      %dma_start3A_458 = tpu.memref_slice %arg11[%dma_start3A_451, %dma_start3A_452, %dma_start3A_457] : memref<2x4x128xi32, #tpu.memory_space<vmem>> -> memref<1x1x128xi32, #tpu.memory_space<vmem>>
      %dma_start3A_459 = tpu.memref_squeeze %dma_start3A_458 : memref<1x1x128xi32, #tpu.memory_space<vmem>> -> memref<128xi32, #tpu.memory_space<vmem>>
      %dma_start3A_460 = arith.constant 0 : i32
      %dma_start3A_461 = arith.constant 0 : i32
      %dma_start3A_462 = tpu.memref_slice %arg13[%dma_start3A_460, %dma_start3A_461] : memref<10240x64xf32, #tpu.memory_space<vmem_shared>> -> memref<10240x64xf32, #tpu.memory_space<vmem_shared>>
      tpu.enqueue_indirect_dma source(%dma_start3A_456 : memref<128x64xf32, #tpu.memory_space<vmem>>) target(%dma_start3A_462 : memref<10240x64xf32, #tpu.memory_space<vmem_shared>>) offsets(%dma_start3A_459 : memref<128xi32, #tpu.memory_space<vmem>>) semaphore(%arg17 : memref<!tpu.dma_semaphore, #tpu.memory_space<semaphore_mem>>) {add = true}
      %dma_start3A_463 = arith.constant 1 : i32
      %dma_start3A_464 = arith.constant 2 : i32
      %dma_start3A_465 = arith.constant 0 : i32
      %dma_start3A_466 = tpu.memref_slice %arg11[%dma_start3A_463, %dma_start3A_464, %dma_start3A_465] : memref<2x4x128xi32, #tpu.memory_space<vmem>> -> memref<1x1x128xi32, #tpu.memory_space<vmem>>
      %dma_start3A_467 = tpu.memref_squeeze %dma_start3A_466 : memref<1x1x128xi32, #tpu.memory_space<vmem>> -> memref<128xi32, #tpu.memory_space<vmem>>
      %dma_start3A_468 = arith.constant 0 : i32
      %dma_start3A_469 = arith.constant 0 : i32
      %dma_start3A_470 = tpu.memref_slice %arg21[%dma_start3A_468, %dma_start3A_469] : memref<10240x16xf32, #tpu.memory_space<vmem_shared>> -> memref<10240x16xf32, #tpu.memory_space<vmem_shared>>
      tpu.enqueue_indirect_dma source(%arg20 : memref<128x16xf32, #tpu.memory_space<vmem>>) target(%dma_start3A_470 : memref<10240x16xf32, #tpu.memory_space<vmem_shared>>) offsets(%dma_start3A_467 : memref<128xi32, #tpu.memory_space<vmem>>) semaphore(%arg17 : memref<!tpu.dma_semaphore, #tpu.memory_space<semaphore_mem>>) {add = true}
      %dma_start3A_471 = arith.constant 1 : i32
      %dma_start3A_472 = arith.constant 3 : i32
      %dma_start3A_473 = arith.constant 1 : i32
      %dma_start3A_474 = arith.constant 3 : i32
      %dma_start3A_475 = arith.constant 0 : i32
      %dma_start3A_476 = arith.constant 0 : i32
      %dma_start3A_477 = tpu.memref_slice %arg12[%dma_start3A_471, %dma_start3A_472, %dma_start3A_475, %dma_start3A_476] : memref<2x4x128x64xf32, #tpu.memory_space<vmem>> -> memref<1x1x128x64xf32, #tpu.memory_space<vmem>>
      %dma_start3A_478 = tpu.memref_squeeze %dma_start3A_477 : memref<1x1x128x64xf32, #tpu.memory_space<vmem>> -> memref<128x64xf32, #tpu.memory_space<vmem>>
      %dma_start3A_479 = arith.constant 0 : i32
      %dma_start3A_480 = tpu.memref_slice %arg11[%dma_start3A_473, %dma_start3A_474, %dma_start3A_479] : memref<2x4x128xi32, #tpu.memory_space<vmem>> -> memref<1x1x128xi32, #tpu.memory_space<vmem>>
      %dma_start3A_481 = tpu.memref_squeeze %dma_start3A_480 : memref<1x1x128xi32, #tpu.memory_space<vmem>> -> memref<128xi32, #tpu.memory_space<vmem>>
      %dma_start3A_482 = arith.constant 0 : i32
      %dma_start3A_483 = arith.constant 0 : i32
      %dma_start3A_484 = tpu.memref_slice %arg13[%dma_start3A_482, %dma_start3A_483] : memref<10240x64xf32, #tpu.memory_space<vmem_shared>> -> memref<10240x64xf32, #tpu.memory_space<vmem_shared>>
      tpu.enqueue_indirect_dma source(%dma_start3A_478 : memref<128x64xf32, #tpu.memory_space<vmem>>) target(%dma_start3A_484 : memref<10240x64xf32, #tpu.memory_space<vmem_shared>>) offsets(%dma_start3A_481 : memref<128xi32, #tpu.memory_space<vmem>>) semaphore(%arg17 : memref<!tpu.dma_semaphore, #tpu.memory_space<semaphore_mem>>) {add = true}
      %dma_start3A_485 = arith.constant 1 : i32
      %dma_start3A_486 = arith.constant 3 : i32
      %dma_start3A_487 = arith.constant 0 : i32
      %dma_start3A_488 = tpu.memref_slice %arg11[%dma_start3A_485, %dma_start3A_486, %dma_start3A_487] : memref<2x4x128xi32, #tpu.memory_space<vmem>> -> memref<1x1x128xi32, #tpu.memory_space<vmem>>
      %dma_start3A_489 = tpu.memref_squeeze %dma_start3A_488 : memref<1x1x128xi32, #tpu.memory_space<vmem>> -> memref<128xi32, #tpu.memory_space<vmem>>
      %dma_start3A_490 = arith.constant 0 : i32
      %dma_start3A_491 = arith.constant 0 : i32
      %dma_start3A_492 = tpu.memref_slice %arg21[%dma_start3A_490, %dma_start3A_491] : memref<10240x16xf32, #tpu.memory_space<vmem_shared>> -> memref<10240x16xf32, #tpu.memory_space<vmem_shared>>
      tpu.enqueue_indirect_dma source(%arg20 : memref<128x16xf32, #tpu.memory_space<vmem>>) target(%dma_start3A_492 : memref<10240x16xf32, #tpu.memory_space<vmem_shared>>) offsets(%dma_start3A_489 : memref<128xi32, #tpu.memory_space<vmem>>) semaphore(%arg17 : memref<!tpu.dma_semaphore, #tpu.memory_space<semaphore_mem>>) {add = true}
      %dma_wait3A_493 = arith.constant 0 : i32
      %dma_wait3A_494 = arith.constant 0 : i32
      %dma_wait3A_495 = arith.constant 0 : i32
      %dma_wait3A_496 = arith.constant 0 : i32
      %dma_wait3A_497 = arith.constant 0 : i32
      %dma_wait3A_498 = arith.constant 0 : i32
      %dma_wait3A_499 = tpu.memref_slice %arg12[%dma_wait3A_493, %dma_wait3A_494, %dma_wait3A_497, %dma_wait3A_498] : memref<2x4x128x64xf32, #tpu.memory_space<vmem>> -> memref<1x1x128x64xf32, #tpu.memory_space<vmem>>
      %dma_wait3A_500 = tpu.memref_squeeze %dma_wait3A_499 : memref<1x1x128x64xf32, #tpu.memory_space<vmem>> -> memref<128x64xf32, #tpu.memory_space<vmem>>
      %dma_wait3A_501 = arith.constant 0 : i32
      %dma_wait3A_502 = tpu.memref_slice %arg11[%dma_wait3A_495, %dma_wait3A_496, %dma_wait3A_501] : memref<2x4x128xi32, #tpu.memory_space<vmem>> -> memref<1x1x128xi32, #tpu.memory_space<vmem>>
      %dma_wait3A_503 = tpu.memref_squeeze %dma_wait3A_502 : memref<1x1x128xi32, #tpu.memory_space<vmem>> -> memref<128xi32, #tpu.memory_space<vmem>>
      %dma_wait3A_504 = arith.constant 0 : i32
      %dma_wait3A_505 = arith.constant 0 : i32
      %dma_wait3A_506 = tpu.memref_slice %arg13[%dma_wait3A_504, %dma_wait3A_505] : memref<10240x64xf32, #tpu.memory_space<vmem_shared>> -> memref<10240x64xf32, #tpu.memory_space<vmem_shared>>
      tpu.wait_indirect_dma semaphore(%arg16 : memref<!tpu.dma_semaphore, #tpu.memory_space<semaphore_mem>>) src(%dma_wait3A_500 : memref<128x64xf32, #tpu.memory_space<vmem>>) dst(%dma_wait3A_506 : memref<10240x64xf32, #tpu.memory_space<vmem_shared>>)
      %dma_wait3A_507 = arith.constant 0 : i32
      %dma_wait3A_508 = arith.constant 0 : i32
      %dma_wait3A_509 = arith.constant 0 : i32
      %dma_wait3A_510 = tpu.memref_slice %arg11[%dma_wait3A_507, %dma_wait3A_508, %dma_wait3A_509] : memref<2x4x128xi32, #tpu.memory_space<vmem>> -> memref<1x1x128xi32, #tpu.memory_space<vmem>>
      %dma_wait3A_511 = tpu.memref_squeeze %dma_wait3A_510 : memref<1x1x128xi32, #tpu.memory_space<vmem>> -> memref<128xi32, #tpu.memory_space<vmem>>
      %dma_wait3A_512 = arith.constant 0 : i32
      %dma_wait3A_513 = arith.constant 0 : i32
      %dma_wait3A_514 = tpu.memref_slice %arg21[%dma_wait3A_512, %dma_wait3A_513] : memref<10240x16xf32, #tpu.memory_space<vmem_shared>> -> memref<10240x16xf32, #tpu.memory_space<vmem_shared>>
      tpu.wait_indirect_dma semaphore(%arg16 : memref<!tpu.dma_semaphore, #tpu.memory_space<semaphore_mem>>) src(%arg20 : memref<128x16xf32, #tpu.memory_space<vmem>>) dst(%dma_wait3A_514 : memref<10240x16xf32, #tpu.memory_space<vmem_shared>>)
      %dma_wait3A_515 = arith.constant 0 : i32
      %dma_wait3A_516 = arith.constant 1 : i32
      %dma_wait3A_517 = arith.constant 0 : i32
      %dma_wait3A_518 = arith.constant 1 : i32
      %dma_wait3A_519 = arith.constant 0 : i32
      %dma_wait3A_520 = arith.constant 0 : i32
      %dma_wait3A_521 = tpu.memref_slice %arg12[%dma_wait3A_515, %dma_wait3A_516, %dma_wait3A_519, %dma_wait3A_520] : memref<2x4x128x64xf32, #tpu.memory_space<vmem>> -> memref<1x1x128x64xf32, #tpu.memory_space<vmem>>
      %dma_wait3A_522 = tpu.memref_squeeze %dma_wait3A_521 : memref<1x1x128x64xf32, #tpu.memory_space<vmem>> -> memref<128x64xf32, #tpu.memory_space<vmem>>
      %dma_wait3A_523 = arith.constant 0 : i32
      %dma_wait3A_524 = tpu.memref_slice %arg11[%dma_wait3A_517, %dma_wait3A_518, %dma_wait3A_523] : memref<2x4x128xi32, #tpu.memory_space<vmem>> -> memref<1x1x128xi32, #tpu.memory_space<vmem>>
      %dma_wait3A_525 = tpu.memref_squeeze %dma_wait3A_524 : memref<1x1x128xi32, #tpu.memory_space<vmem>> -> memref<128xi32, #tpu.memory_space<vmem>>
      %dma_wait3A_526 = arith.constant 0 : i32
      %dma_wait3A_527 = arith.constant 0 : i32
      %dma_wait3A_528 = tpu.memref_slice %arg13[%dma_wait3A_526, %dma_wait3A_527] : memref<10240x64xf32, #tpu.memory_space<vmem_shared>> -> memref<10240x64xf32, #tpu.memory_space<vmem_shared>>
      tpu.wait_indirect_dma semaphore(%arg16 : memref<!tpu.dma_semaphore, #tpu.memory_space<semaphore_mem>>) src(%dma_wait3A_522 : memref<128x64xf32, #tpu.memory_space<vmem>>) dst(%dma_wait3A_528 : memref<10240x64xf32, #tpu.memory_space<vmem_shared>>)
      %dma_wait3A_529 = arith.constant 0 : i32
      %dma_wait3A_530 = arith.constant 1 : i32
      %dma_wait3A_531 = arith.constant 0 : i32
      %dma_wait3A_532 = tpu.memref_slice %arg11[%dma_wait3A_529, %dma_wait3A_530, %dma_wait3A_531] : memref<2x4x128xi32, #tpu.memory_space<vmem>> -> memref<1x1x128xi32, #tpu.memory_space<vmem>>
      %dma_wait3A_533 = tpu.memref_squeeze %dma_wait3A_532 : memref<1x1x128xi32, #tpu.memory_space<vmem>> -> memref<128xi32, #tpu.memory_space<vmem>>
      %dma_wait3A_534 = arith.constant 0 : i32
      %dma_wait3A_535 = arith.constant 0 : i32
      %dma_wait3A_536 = tpu.memref_slice %arg21[%dma_wait3A_534, %dma_wait3A_535] : memref<10240x16xf32, #tpu.memory_space<vmem_shared>> -> memref<10240x16xf32, #tpu.memory_space<vmem_shared>>
      tpu.wait_indirect_dma semaphore(%arg16 : memref<!tpu.dma_semaphore, #tpu.memory_space<semaphore_mem>>) src(%arg20 : memref<128x16xf32, #tpu.memory_space<vmem>>) dst(%dma_wait3A_536 : memref<10240x16xf32, #tpu.memory_space<vmem_shared>>)
      %dma_wait3A_537 = arith.constant 0 : i32
      %dma_wait3A_538 = arith.constant 2 : i32
      %dma_wait3A_539 = arith.constant 0 : i32
      %dma_wait3A_540 = arith.constant 2 : i32
      %dma_wait3A_541 = arith.constant 0 : i32
      %dma_wait3A_542 = arith.constant 0 : i32
      %dma_wait3A_543 = tpu.memref_slice %arg12[%dma_wait3A_537, %dma_wait3A_538, %dma_wait3A_541, %dma_wait3A_542] : memref<2x4x128x64xf32, #tpu.memory_space<vmem>> -> memref<1x1x128x64xf32, #tpu.memory_space<vmem>>
      %dma_wait3A_544 = tpu.memref_squeeze %dma_wait3A_543 : memref<1x1x128x64xf32, #tpu.memory_space<vmem>> -> memref<128x64xf32, #tpu.memory_space<vmem>>
      %dma_wait3A_545 = arith.constant 0 : i32
      %dma_wait3A_546 = tpu.memref_slice %arg11[%dma_wait3A_539, %dma_wait3A_540, %dma_wait3A_545] : memref<2x4x128xi32, #tpu.memory_space<vmem>> -> memref<1x1x128xi32, #tpu.memory_space<vmem>>
      %dma_wait3A_547 = tpu.memref_squeeze %dma_wait3A_546 : memref<1x1x128xi32, #tpu.memory_space<vmem>> -> memref<128xi32, #tpu.memory_space<vmem>>
      %dma_wait3A_548 = arith.constant 0 : i32
      %dma_wait3A_549 = arith.constant 0 : i32
      %dma_wait3A_550 = tpu.memref_slice %arg13[%dma_wait3A_548, %dma_wait3A_549] : memref<10240x64xf32, #tpu.memory_space<vmem_shared>> -> memref<10240x64xf32, #tpu.memory_space<vmem_shared>>
      tpu.wait_indirect_dma semaphore(%arg16 : memref<!tpu.dma_semaphore, #tpu.memory_space<semaphore_mem>>) src(%dma_wait3A_544 : memref<128x64xf32, #tpu.memory_space<vmem>>) dst(%dma_wait3A_550 : memref<10240x64xf32, #tpu.memory_space<vmem_shared>>)
      %dma_wait3A_551 = arith.constant 0 : i32
      %dma_wait3A_552 = arith.constant 2 : i32
      %dma_wait3A_553 = arith.constant 0 : i32
      %dma_wait3A_554 = tpu.memref_slice %arg11[%dma_wait3A_551, %dma_wait3A_552, %dma_wait3A_553] : memref<2x4x128xi32, #tpu.memory_space<vmem>> -> memref<1x1x128xi32, #tpu.memory_space<vmem>>
      %dma_wait3A_555 = tpu.memref_squeeze %dma_wait3A_554 : memref<1x1x128xi32, #tpu.memory_space<vmem>> -> memref<128xi32, #tpu.memory_space<vmem>>
      %dma_wait3A_556 = arith.constant 0 : i32
      %dma_wait3A_557 = arith.constant 0 : i32
      %dma_wait3A_558 = tpu.memref_slice %arg21[%dma_wait3A_556, %dma_wait3A_557] : memref<10240x16xf32, #tpu.memory_space<vmem_shared>> -> memref<10240x16xf32, #tpu.memory_space<vmem_shared>>
      tpu.wait_indirect_dma semaphore(%arg16 : memref<!tpu.dma_semaphore, #tpu.memory_space<semaphore_mem>>) src(%arg20 : memref<128x16xf32, #tpu.memory_space<vmem>>) dst(%dma_wait3A_558 : memref<10240x16xf32, #tpu.memory_space<vmem_shared>>)
      %dma_wait3A_559 = arith.constant 0 : i32
      %dma_wait3A_560 = arith.constant 3 : i32
      %dma_wait3A_561 = arith.constant 0 : i32
      %dma_wait3A_562 = arith.constant 3 : i32
      %dma_wait3A_563 = arith.constant 0 : i32
      %dma_wait3A_564 = arith.constant 0 : i32
      %dma_wait3A_565 = tpu.memref_slice %arg12[%dma_wait3A_559, %dma_wait3A_560, %dma_wait3A_563, %dma_wait3A_564] : memref<2x4x128x64xf32, #tpu.memory_space<vmem>> -> memref<1x1x128x64xf32, #tpu.memory_space<vmem>>
      %dma_wait3A_566 = tpu.memref_squeeze %dma_wait3A_565 : memref<1x1x128x64xf32, #tpu.memory_space<vmem>> -> memref<128x64xf32, #tpu.memory_space<vmem>>
      %dma_wait3A_567 = arith.constant 0 : i32
      %dma_wait3A_568 = tpu.memref_slice %arg11[%dma_wait3A_561, %dma_wait3A_562, %dma_wait3A_567] : memref<2x4x128xi32, #tpu.memory_space<vmem>> -> memref<1x1x128xi32, #tpu.memory_space<vmem>>
      %dma_wait3A_569 = tpu.memref_squeeze %dma_wait3A_568 : memref<1x1x128xi32, #tpu.memory_space<vmem>> -> memref<128xi32, #tpu.memory_space<vmem>>
      %dma_wait3A_570 = arith.constant 0 : i32
      %dma_wait3A_571 = arith.constant 0 : i32
      %dma_wait3A_572 = tpu.memref_slice %arg13[%dma_wait3A_570, %dma_wait3A_571] : memref<10240x64xf32, #tpu.memory_space<vmem_shared>> -> memref<10240x64xf32, #tpu.memory_space<vmem_shared>>
      tpu.wait_indirect_dma semaphore(%arg16 : memref<!tpu.dma_semaphore, #tpu.memory_space<semaphore_mem>>) src(%dma_wait3A_566 : memref<128x64xf32, #tpu.memory_space<vmem>>) dst(%dma_wait3A_572 : memref<10240x64xf32, #tpu.memory_space<vmem_shared>>)
      %dma_wait3A_573 = arith.constant 0 : i32
      %dma_wait3A_574 = arith.constant 3 : i32
      %dma_wait3A_575 = arith.constant 0 : i32
      %dma_wait3A_576 = tpu.memref_slice %arg11[%dma_wait3A_573, %dma_wait3A_574, %dma_wait3A_575] : memref<2x4x128xi32, #tpu.memory_space<vmem>> -> memref<1x1x128xi32, #tpu.memory_space<vmem>>
      %dma_wait3A_577 = tpu.memref_squeeze %dma_wait3A_576 : memref<1x1x128xi32, #tpu.memory_space<vmem>> -> memref<128xi32, #tpu.memory_space<vmem>>
      %dma_wait3A_578 = arith.constant 0 : i32
      %dma_wait3A_579 = arith.constant 0 : i32
      %dma_wait3A_580 = tpu.memref_slice %arg21[%dma_wait3A_578, %dma_wait3A_579] : memref<10240x16xf32, #tpu.memory_space<vmem_shared>> -> memref<10240x16xf32, #tpu.memory_space<vmem_shared>>
      tpu.wait_indirect_dma semaphore(%arg16 : memref<!tpu.dma_semaphore, #tpu.memory_space<semaphore_mem>>) src(%arg20 : memref<128x16xf32, #tpu.memory_space<vmem>>) dst(%dma_wait3A_580 : memref<10240x16xf32, #tpu.memory_space<vmem_shared>>)
      %dma_wait3A_581 = arith.constant 1 : i32
      %dma_wait3A_582 = arith.constant 0 : i32
      %dma_wait3A_583 = arith.constant 1 : i32
      %dma_wait3A_584 = arith.constant 0 : i32
      %dma_wait3A_585 = arith.constant 0 : i32
      %dma_wait3A_586 = arith.constant 0 : i32
      %dma_wait3A_587 = tpu.memref_slice %arg12[%dma_wait3A_581, %dma_wait3A_582, %dma_wait3A_585, %dma_wait3A_586] : memref<2x4x128x64xf32, #tpu.memory_space<vmem>> -> memref<1x1x128x64xf32, #tpu.memory_space<vmem>>
      %dma_wait3A_588 = tpu.memref_squeeze %dma_wait3A_587 : memref<1x1x128x64xf32, #tpu.memory_space<vmem>> -> memref<128x64xf32, #tpu.memory_space<vmem>>
      %dma_wait3A_589 = arith.constant 0 : i32
      %dma_wait3A_590 = tpu.memref_slice %arg11[%dma_wait3A_583, %dma_wait3A_584, %dma_wait3A_589] : memref<2x4x128xi32, #tpu.memory_space<vmem>> -> memref<1x1x128xi32, #tpu.memory_space<vmem>>
      %dma_wait3A_591 = tpu.memref_squeeze %dma_wait3A_590 : memref<1x1x128xi32, #tpu.memory_space<vmem>> -> memref<128xi32, #tpu.memory_space<vmem>>
      %dma_wait3A_592 = arith.constant 0 : i32
      %dma_wait3A_593 = arith.constant 0 : i32
      %dma_wait3A_594 = tpu.memref_slice %arg13[%dma_wait3A_592, %dma_wait3A_593] : memref<10240x64xf32, #tpu.memory_space<vmem_shared>> -> memref<10240x64xf32, #tpu.memory_space<vmem_shared>>
      tpu.wait_indirect_dma semaphore(%arg17 : memref<!tpu.dma_semaphore, #tpu.memory_space<semaphore_mem>>) src(%dma_wait3A_588 : memref<128x64xf32, #tpu.memory_space<vmem>>) dst(%dma_wait3A_594 : memref<10240x64xf32, #tpu.memory_space<vmem_shared>>)
      %dma_wait3A_595 = arith.constant 1 : i32
      %dma_wait3A_596 = arith.constant 0 : i32
      %dma_wait3A_597 = arith.constant 0 : i32
      %dma_wait3A_598 = tpu.memref_slice %arg11[%dma_wait3A_595, %dma_wait3A_596, %dma_wait3A_597] : memref<2x4x128xi32, #tpu.memory_space<vmem>> -> memref<1x1x128xi32, #tpu.memory_space<vmem>>
      %dma_wait3A_599 = tpu.memref_squeeze %dma_wait3A_598 : memref<1x1x128xi32, #tpu.memory_space<vmem>> -> memref<128xi32, #tpu.memory_space<vmem>>
      %dma_wait3A_600 = arith.constant 0 : i32
      %dma_wait3A_601 = arith.constant 0 : i32
      %dma_wait3A_602 = tpu.memref_slice %arg21[%dma_wait3A_600, %dma_wait3A_601] : memref<10240x16xf32, #tpu.memory_space<vmem_shared>> -> memref<10240x16xf32, #tpu.memory_space<vmem_shared>>
      tpu.wait_indirect_dma semaphore(%arg17 : memref<!tpu.dma_semaphore, #tpu.memory_space<semaphore_mem>>) src(%arg20 : memref<128x16xf32, #tpu.memory_space<vmem>>) dst(%dma_wait3A_602 : memref<10240x16xf32, #tpu.memory_space<vmem_shared>>)
      %dma_wait3A_603 = arith.constant 1 : i32
      %dma_wait3A_604 = arith.constant 1 : i32
      %dma_wait3A_605 = arith.constant 1 : i32
      %dma_wait3A_606 = arith.constant 1 : i32
      %dma_wait3A_607 = arith.constant 0 : i32
      %dma_wait3A_608 = arith.constant 0 : i32
      %dma_wait3A_609 = tpu.memref_slice %arg12[%dma_wait3A_603, %dma_wait3A_604, %dma_wait3A_607, %dma_wait3A_608] : memref<2x4x128x64xf32, #tpu.memory_space<vmem>> -> memref<1x1x128x64xf32, #tpu.memory_space<vmem>>
      %dma_wait3A_610 = tpu.memref_squeeze %dma_wait3A_609 : memref<1x1x128x64xf32, #tpu.memory_space<vmem>> -> memref<128x64xf32, #tpu.memory_space<vmem>>
      %dma_wait3A_611 = arith.constant 0 : i32
      %dma_wait3A_612 = tpu.memref_slice %arg11[%dma_wait3A_605, %dma_wait3A_606, %dma_wait3A_611] : memref<2x4x128xi32, #tpu.memory_space<vmem>> -> memref<1x1x128xi32, #tpu.memory_space<vmem>>
      %dma_wait3A_613 = tpu.memref_squeeze %dma_wait3A_612 : memref<1x1x128xi32, #tpu.memory_space<vmem>> -> memref<128xi32, #tpu.memory_space<vmem>>
      %dma_wait3A_614 = arith.constant 0 : i32
      %dma_wait3A_615 = arith.constant 0 : i32
      %dma_wait3A_616 = tpu.memref_slice %arg13[%dma_wait3A_614, %dma_wait3A_615] : memref<10240x64xf32, #tpu.memory_space<vmem_shared>> -> memref<10240x64xf32, #tpu.memory_space<vmem_shared>>
      tpu.wait_indirect_dma semaphore(%arg17 : memref<!tpu.dma_semaphore, #tpu.memory_space<semaphore_mem>>) src(%dma_wait3A_610 : memref<128x64xf32, #tpu.memory_space<vmem>>) dst(%dma_wait3A_616 : memref<10240x64xf32, #tpu.memory_space<vmem_shared>>)
      %dma_wait3A_617 = arith.constant 1 : i32
      %dma_wait3A_618 = arith.constant 1 : i32
      %dma_wait3A_619 = arith.constant 0 : i32
      %dma_wait3A_620 = tpu.memref_slice %arg11[%dma_wait3A_617, %dma_wait3A_618, %dma_wait3A_619] : memref<2x4x128xi32, #tpu.memory_space<vmem>> -> memref<1x1x128xi32, #tpu.memory_space<vmem>>
      %dma_wait3A_621 = tpu.memref_squeeze %dma_wait3A_620 : memref<1x1x128xi32, #tpu.memory_space<vmem>> -> memref<128xi32, #tpu.memory_space<vmem>>
      %dma_wait3A_622 = arith.constant 0 : i32
      %dma_wait3A_623 = arith.constant 0 : i32
      %dma_wait3A_624 = tpu.memref_slice %arg21[%dma_wait3A_622, %dma_wait3A_623] : memref<10240x16xf32, #tpu.memory_space<vmem_shared>> -> memref<10240x16xf32, #tpu.memory_space<vmem_shared>>
      tpu.wait_indirect_dma semaphore(%arg17 : memref<!tpu.dma_semaphore, #tpu.memory_space<semaphore_mem>>) src(%arg20 : memref<128x16xf32, #tpu.memory_space<vmem>>) dst(%dma_wait3A_624 : memref<10240x16xf32, #tpu.memory_space<vmem_shared>>)
      %dma_wait3A_625 = arith.constant 1 : i32
      %dma_wait3A_626 = arith.constant 2 : i32
      %dma_wait3A_627 = arith.constant 1 : i32
      %dma_wait3A_628 = arith.constant 2 : i32
      %dma_wait3A_629 = arith.constant 0 : i32
      %dma_wait3A_630 = arith.constant 0 : i32
      %dma_wait3A_631 = tpu.memref_slice %arg12[%dma_wait3A_625, %dma_wait3A_626, %dma_wait3A_629, %dma_wait3A_630] : memref<2x4x128x64xf32, #tpu.memory_space<vmem>> -> memref<1x1x128x64xf32, #tpu.memory_space<vmem>>
      %dma_wait3A_632 = tpu.memref_squeeze %dma_wait3A_631 : memref<1x1x128x64xf32, #tpu.memory_space<vmem>> -> memref<128x64xf32, #tpu.memory_space<vmem>>
      %dma_wait3A_633 = arith.constant 0 : i32
      %dma_wait3A_634 = tpu.memref_slice %arg11[%dma_wait3A_627, %dma_wait3A_628, %dma_wait3A_633] : memref<2x4x128xi32, #tpu.memory_space<vmem>> -> memref<1x1x128xi32, #tpu.memory_space<vmem>>
      %dma_wait3A_635 = tpu.memref_squeeze %dma_wait3A_634 : memref<1x1x128xi32, #tpu.memory_space<vmem>> -> memref<128xi32, #tpu.memory_space<vmem>>
      %dma_wait3A_636 = arith.constant 0 : i32
      %dma_wait3A_637 = arith.constant 0 : i32
      %dma_wait3A_638 = tpu.memref_slice %arg13[%dma_wait3A_636, %dma_wait3A_637] : memref<10240x64xf32, #tpu.memory_space<vmem_shared>> -> memref<10240x64xf32, #tpu.memory_space<vmem_shared>>
      tpu.wait_indirect_dma semaphore(%arg17 : memref<!tpu.dma_semaphore, #tpu.memory_space<semaphore_mem>>) src(%dma_wait3A_632 : memref<128x64xf32, #tpu.memory_space<vmem>>) dst(%dma_wait3A_638 : memref<10240x64xf32, #tpu.memory_space<vmem_shared>>)
      %dma_wait3A_639 = arith.constant 1 : i32
      %dma_wait3A_640 = arith.constant 2 : i32
      %dma_wait3A_641 = arith.constant 0 : i32
      %dma_wait3A_642 = tpu.memref_slice %arg11[%dma_wait3A_639, %dma_wait3A_640, %dma_wait3A_641] : memref<2x4x128xi32, #tpu.memory_space<vmem>> -> memref<1x1x128xi32, #tpu.memory_space<vmem>>
      %dma_wait3A_643 = tpu.memref_squeeze %dma_wait3A_642 : memref<1x1x128xi32, #tpu.memory_space<vmem>> -> memref<128xi32, #tpu.memory_space<vmem>>
      %dma_wait3A_644 = arith.constant 0 : i32
      %dma_wait3A_645 = arith.constant 0 : i32
      %dma_wait3A_646 = tpu.memref_slice %arg21[%dma_wait3A_644, %dma_wait3A_645] : memref<10240x16xf32, #tpu.memory_space<vmem_shared>> -> memref<10240x16xf32, #tpu.memory_space<vmem_shared>>
      tpu.wait_indirect_dma semaphore(%arg17 : memref<!tpu.dma_semaphore, #tpu.memory_space<semaphore_mem>>) src(%arg20 : memref<128x16xf32, #tpu.memory_space<vmem>>) dst(%dma_wait3A_646 : memref<10240x16xf32, #tpu.memory_space<vmem_shared>>)
      %dma_wait3A_647 = arith.constant 1 : i32
      %dma_wait3A_648 = arith.constant 3 : i32
      %dma_wait3A_649 = arith.constant 1 : i32
      %dma_wait3A_650 = arith.constant 3 : i32
      %dma_wait3A_651 = arith.constant 0 : i32
      %dma_wait3A_652 = arith.constant 0 : i32
      %dma_wait3A_653 = tpu.memref_slice %arg12[%dma_wait3A_647, %dma_wait3A_648, %dma_wait3A_651, %dma_wait3A_652] : memref<2x4x128x64xf32, #tpu.memory_space<vmem>> -> memref<1x1x128x64xf32, #tpu.memory_space<vmem>>
      %dma_wait3A_654 = tpu.memref_squeeze %dma_wait3A_653 : memref<1x1x128x64xf32, #tpu.memory_space<vmem>> -> memref<128x64xf32, #tpu.memory_space<vmem>>
      %dma_wait3A_655 = arith.constant 0 : i32
      %dma_wait3A_656 = tpu.memref_slice %arg11[%dma_wait3A_649, %dma_wait3A_650, %dma_wait3A_655] : memref<2x4x128xi32, #tpu.memory_space<vmem>> -> memref<1x1x128xi32, #tpu.memory_space<vmem>>
      %dma_wait3A_657 = tpu.memref_squeeze %dma_wait3A_656 : memref<1x1x128xi32, #tpu.memory_space<vmem>> -> memref<128xi32, #tpu.memory_space<vmem>>
      %dma_wait3A_658 = arith.constant 0 : i32
      %dma_wait3A_659 = arith.constant 0 : i32
      %dma_wait3A_660 = tpu.memref_slice %arg13[%dma_wait3A_658, %dma_wait3A_659] : memref<10240x64xf32, #tpu.memory_space<vmem_shared>> -> memref<10240x64xf32, #tpu.memory_space<vmem_shared>>
      tpu.wait_indirect_dma semaphore(%arg17 : memref<!tpu.dma_semaphore, #tpu.memory_space<semaphore_mem>>) src(%dma_wait3A_654 : memref<128x64xf32, #tpu.memory_space<vmem>>) dst(%dma_wait3A_660 : memref<10240x64xf32, #tpu.memory_space<vmem_shared>>)
      %dma_wait3A_661 = arith.constant 1 : i32
      %dma_wait3A_662 = arith.constant 3 : i32
      %dma_wait3A_663 = arith.constant 0 : i32
      %dma_wait3A_664 = tpu.memref_slice %arg11[%dma_wait3A_661, %dma_wait3A_662, %dma_wait3A_663] : memref<2x4x128xi32, #tpu.memory_space<vmem>> -> memref<1x1x128xi32, #tpu.memory_space<vmem>>
      %dma_wait3A_665 = tpu.memref_squeeze %dma_wait3A_664 : memref<1x1x128xi32, #tpu.memory_space<vmem>> -> memref<128xi32, #tpu.memory_space<vmem>>
      %dma_wait3A_666 = arith.constant 0 : i32
      %dma_wait3A_667 = arith.constant 0 : i32
      %dma_wait3A_668 = tpu.memref_slice %arg21[%dma_wait3A_666, %dma_wait3A_667] : memref<10240x16xf32, #tpu.memory_space<vmem_shared>> -> memref<10240x16xf32, #tpu.memory_space<vmem_shared>>
      tpu.wait_indirect_dma semaphore(%arg17 : memref<!tpu.dma_semaphore, #tpu.memory_space<semaphore_mem>>) src(%arg20 : memref<128x16xf32, #tpu.memory_space<vmem>>) dst(%dma_wait3A_668 : memref<10240x16xf32, #tpu.memory_space<vmem_shared>>)
    }
    %scan3A_9 = arith.constant 10 : i32
    %barrier3A_10 = arith.constant 0 : index
    tpu.barrier barrier_id(%barrier3A_10)
    %mul3A_11 = arith.constant 640 : i32
    %mul3A_12 = arith.muli %arg1, %mul3A_11 : i32
    %mul3A_13 = arith.constant 640 : i32
    %mul3A_14 = arith.muli %arg1, %mul3A_13 : i32
    "tpu.region"() ({
      %run_scoped3A = tpu.sem_alloc : memref<!tpu.dma_semaphore, #tpu.memory_space<semaphore_mem>>
      %dma_start3A = arith.constant 0 : i32
      %dma_start3A_19 = tpu.memref_slice %arg8[%arg0, %mul3A_14, %dma_start3A] : memref<2x10240x64xf32, #tpu.memory_space<hbm>> -> memref<1x640x64xf32, #tpu.memory_space<hbm>>
      %dma_start3A_20 = tpu.memref_squeeze %dma_start3A_19 : memref<1x640x64xf32, #tpu.memory_space<hbm>> -> memref<640x64xf32, #tpu.memory_space<hbm>>
      %dma_start3A_21 = arith.constant 0 : i32
      %dma_start3A_22 = tpu.memref_slice %arg13[%mul3A_12, %dma_start3A_21] : memref<10240x64xf32, #tpu.memory_space<vmem_shared>> -> memref<640x64xf32, #tpu.memory_space<vmem_shared>>
      tpu.enqueue_dma source(%dma_start3A_22 : memref<640x64xf32, #tpu.memory_space<vmem_shared>>) target(%dma_start3A_20 : memref<640x64xf32, #tpu.memory_space<hbm>>) target_semaphore(%run_scoped3A : memref<!tpu.dma_semaphore, #tpu.memory_space<semaphore_mem>>)
      %dma_wait3A = arith.constant 0 : i32
      %dma_wait3A_23 = tpu.memref_slice %arg8[%arg0, %mul3A_14, %dma_wait3A] : memref<2x10240x64xf32, #tpu.memory_space<hbm>> -> memref<1x640x64xf32, #tpu.memory_space<hbm>>
      %dma_wait3A_24 = tpu.memref_squeeze %dma_wait3A_23 : memref<1x640x64xf32, #tpu.memory_space<hbm>> -> memref<640x64xf32, #tpu.memory_space<hbm>>
      %dma_wait3A_25 = arith.constant 0 : i32
      %dma_wait3A_26 = tpu.memref_slice %arg13[%mul3A_12, %dma_wait3A_25] : memref<10240x64xf32, #tpu.memory_space<vmem_shared>> -> memref<640x64xf32, #tpu.memory_space<vmem_shared>>
      tpu.wait_dma2 semaphore(%run_scoped3A : memref<!tpu.dma_semaphore, #tpu.memory_space<semaphore_mem>>) src(%dma_wait3A_26 : memref<640x64xf32, #tpu.memory_space<vmem_shared>>) dst(%dma_wait3A_24 : memref<640x64xf32, #tpu.memory_space<hbm>>)
      tpu.yield
    }) : () -> ()
    %mul3A_15 = arith.constant 640 : i32
    %mul3A_16 = arith.muli %arg1, %mul3A_15 : i32
    %mul3A_17 = arith.constant 640 : i32
    %mul3A_18 = arith.muli %arg1, %mul3A_17 : i32
    "tpu.region"() ({
      %run_scoped3A = tpu.sem_alloc : memref<!tpu.dma_semaphore, #tpu.memory_space<semaphore_mem>>
      %dma_start3A = arith.constant 0 : i32
      %dma_start3A_19 = tpu.memref_slice %arg9[%arg0, %mul3A_18, %dma_start3A] : memref<2x10240x16xf32, #tpu.memory_space<hbm>> -> memref<1x640x16xf32, #tpu.memory_space<hbm>>
      %dma_start3A_20 = tpu.memref_squeeze %dma_start3A_19 : memref<1x640x16xf32, #tpu.memory_space<hbm>> -> memref<640x16xf32, #tpu.memory_space<hbm>>
      %dma_start3A_21 = arith.constant 0 : i32
      %dma_start3A_22 = tpu.memref_slice %arg21[%mul3A_16, %dma_start3A_21] : memref<10240x16xf32, #tpu.memory_space<vmem_shared>> -> memref<640x16xf32, #tpu.memory_space<vmem_shared>>
      tpu.enqueue_dma source(%dma_start3A_22 : memref<640x16xf32, #tpu.memory_space<vmem_shared>>) target(%dma_start3A_20 : memref<640x16xf32, #tpu.memory_space<hbm>>) target_semaphore(%run_scoped3A : memref<!tpu.dma_semaphore, #tpu.memory_space<semaphore_mem>>)
      %dma_wait3A = arith.constant 0 : i32
      %dma_wait3A_23 = tpu.memref_slice %arg9[%arg0, %mul3A_18, %dma_wait3A] : memref<2x10240x16xf32, #tpu.memory_space<hbm>> -> memref<1x640x16xf32, #tpu.memory_space<hbm>>
      %dma_wait3A_24 = tpu.memref_squeeze %dma_wait3A_23 : memref<1x640x16xf32, #tpu.memory_space<hbm>> -> memref<640x16xf32, #tpu.memory_space<hbm>>
      %dma_wait3A_25 = arith.constant 0 : i32
      %dma_wait3A_26 = tpu.memref_slice %arg21[%mul3A_16, %dma_wait3A_25] : memref<10240x16xf32, #tpu.memory_space<vmem_shared>> -> memref<640x16xf32, #tpu.memory_space<vmem_shared>>
      tpu.wait_dma2 semaphore(%run_scoped3A : memref<!tpu.dma_semaphore, #tpu.memory_space<semaphore_mem>>) src(%dma_wait3A_26 : memref<640x16xf32, #tpu.memory_space<vmem_shared>>) dst(%dma_wait3A_24 : memref<640x16xf32, #tpu.memory_space<hbm>>)
      tpu.yield
    }) : () -> ()
    return
  }
}

#map = affine_map<(d0, d1) -> (0, 0)>
#map1 = affine_map<(d0, d1) -> (0, 0, 0, 0)>
#map2 = affine_map<(d0, d1) -> (0, 0, 0)>
module attributes {stable_mosaic.version = 14 : i64} {
  func.func @body(%arg0: i32, %arg1: i32, %arg2: memref<10000x64xf32, #tpu.memory_space<hbm>>, %arg3: memref<32x20x4x128xi32, #tpu.memory_space<hbm>>, %arg4: memref<32x20x4x128xi32, #tpu.memory_space<hbm>>, %arg5: memref<640x64xf32, #tpu.memory_space<hbm>>, %arg6: memref<2x10240x64xf32, #tpu.memory_space<hbm>>, %arg7: memref<2x4x128xi32, #tpu.memory_space<vmem>>, %arg8: memref<2x4x128xi32, #tpu.memory_space<vmem>>, %arg9: memref<2x4x128x64xf32, #tpu.memory_space<vmem>>, %arg10: memref<10240x64xf32, #tpu.memory_space<vmem_shared>>, %arg11: memref<!tpu.dma_semaphore, #tpu.memory_space<semaphore_mem>>, %arg12: memref<!tpu.dma_semaphore, #tpu.memory_space<semaphore_mem>>, %arg13: memref<!tpu.dma_semaphore, #tpu.memory_space<semaphore_mem>>, %arg14: memref<!tpu.dma_semaphore, #tpu.memory_space<semaphore_mem>>, %arg15: memref<!tpu.dma_semaphore, #tpu.memory_space<semaphore_mem>>, %arg16: memref<!tpu.dma_semaphore, #tpu.memory_space<semaphore_mem>>) attributes {dimension_semantics = [#tpu.dimension_semantics<core_parallel>, #tpu.dimension_semantics<subcore_parallel>], iteration_bounds = array<i64: 2, 16>, scalar_prefetch = 0 : i64, scratch_operands = 10 : i64, tpu.core_type = #tpu.core_type<sc_vector_subcore>, window_params = [{transform_indices = #map}, {transform_indices = #map1}, {transform_indices = #map1}, {transform_indices = #map}, {transform_indices = #map2}]} {
    %mul3A = arith.constant 2 : i32
    %mul3A_0 = arith.muli %arg1, %mul3A : i32
    %add3A = arith.addi %mul3A_0, %arg0 : i32
    %mul3A_1 = arith.constant 640 : i32
    %mul3A_2 = arith.muli %arg1, %mul3A_1 : i32
    "tpu.region"() ({
      %run_scoped3A = tpu.sem_alloc : memref<!tpu.dma_semaphore, #tpu.memory_space<semaphore_mem>>
      %dma_start3A = arith.constant 0 : i32
      %dma_start3A_13 = tpu.memref_slice %arg10[%mul3A_2, %dma_start3A] : memref<10240x64xf32, #tpu.memory_space<vmem_shared>> -> memref<640x64xf32, #tpu.memory_space<vmem_shared>>
      tpu.enqueue_dma source(%arg5 : memref<640x64xf32, #tpu.memory_space<hbm>>) target(%dma_start3A_13 : memref<640x64xf32, #tpu.memory_space<vmem_shared>>) target_semaphore(%run_scoped3A : memref<!tpu.dma_semaphore, #tpu.memory_space<semaphore_mem>>)
      %dma_wait3A = arith.constant 0 : i32
      %dma_wait3A_14 = tpu.memref_slice %arg10[%mul3A_2, %dma_wait3A] : memref<10240x64xf32, #tpu.memory_space<vmem_shared>> -> memref<640x64xf32, #tpu.memory_space<vmem_shared>>
      tpu.wait_dma2 semaphore(%run_scoped3A : memref<!tpu.dma_semaphore, #tpu.memory_space<semaphore_mem>>) src(%arg5 : memref<640x64xf32, #tpu.memory_space<hbm>>) dst(%dma_wait3A_14 : memref<640x64xf32, #tpu.memory_space<vmem_shared>>)
      tpu.yield
    }) : () -> ()
    %barrier3A = arith.constant 0 : index
    tpu.barrier barrier_id(%barrier3A)
    %scan3A = arith.constant 0 : i32
    %scan3A_3 = arith.constant 0 : i32
    %scan3A_4 = arith.constant 10 : i32
    %scan3A_5 = arith.addi %scan3A_3, %scan3A_4 : i32
    %scan3A_6 = arith.constant 1 : i32
    scf.for %scan3A_13 = %scan3A_3 to %scan3A_5 step %scan3A_6  : i32 {
      %mul3A_14 = arith.constant 2 : i32
      %mul3A_15 = arith.muli %scan3A_13, %mul3A_14 : i32
      %run_scoped3A = arith.constant 0 : i32
      "tpu.region"() ({
        %run_scoped3A_535 = tpu.sem_alloc : memref<!tpu.dma_semaphore, #tpu.memory_space<semaphore_mem>>
        %dma_start3A_536 = arith.constant 0 : i32
        %dma_start3A_537 = arith.constant 0 : i32
        %dma_start3A_538 = tpu.memref_slice %arg7[%run_scoped3A, %dma_start3A_536, %dma_start3A_537] : memref<2x4x128xi32, #tpu.memory_space<vmem>> -> memref<1x4x128xi32, #tpu.memory_space<vmem>>
        %dma_start3A_539 = tpu.memref_squeeze %dma_start3A_538 : memref<1x4x128xi32, #tpu.memory_space<vmem>> -> memref<4x128xi32, #tpu.memory_space<vmem>>
        %dma_start3A_540 = arith.constant 0 : i32
        %dma_start3A_541 = arith.constant 0 : i32
        %dma_start3A_542 = tpu.memref_slice %arg3[%add3A, %mul3A_15, %dma_start3A_540, %dma_start3A_541] : memref<32x20x4x128xi32, #tpu.memory_space<hbm>> -> memref<1x1x4x128xi32, #tpu.memory_space<hbm>>
        %dma_start3A_543 = tpu.memref_squeeze %dma_start3A_542 : memref<1x1x4x128xi32, #tpu.memory_space<hbm>> -> memref<4x128xi32, #tpu.memory_space<hbm>>
        %dma_start3A_544 = arith.constant 0 : i32
        %dma_start3A_545 = arith.constant 0 : i32
        %dma_start3A_546 = tpu.memref_slice %arg7[%run_scoped3A, %dma_start3A_544, %dma_start3A_545] : memref<2x4x128xi32, #tpu.memory_space<vmem>> -> memref<1x4x128xi32, #tpu.memory_space<vmem>>
        %dma_start3A_547 = tpu.memref_squeeze %dma_start3A_546 : memref<1x4x128xi32, #tpu.memory_space<vmem>> -> memref<4x128xi32, #tpu.memory_space<vmem>>
        %dma_start3A_548 = arith.constant 0 : i32
        %dma_start3A_549 = arith.constant 0 : i32
        %dma_start3A_550 = tpu.memref_slice %arg3[%add3A, %mul3A_15, %dma_start3A_548, %dma_start3A_549] : memref<32x20x4x128xi32, #tpu.memory_space<hbm>> -> memref<1x1x4x128xi32, #tpu.memory_space<hbm>>
        %dma_start3A_551 = tpu.memref_squeeze %dma_start3A_550 : memref<1x1x4x128xi32, #tpu.memory_space<hbm>> -> memref<4x128xi32, #tpu.memory_space<hbm>>
        tpu.enqueue_dma source(%dma_start3A_551 : memref<4x128xi32, #tpu.memory_space<hbm>>) target(%dma_start3A_547 : memref<4x128xi32, #tpu.memory_space<vmem>>) target_semaphore(%run_scoped3A_535 : memref<!tpu.dma_semaphore, #tpu.memory_space<semaphore_mem>>)
        %dma_wait3A_552 = arith.constant 0 : i32
        %dma_wait3A_553 = arith.constant 0 : i32
        %dma_wait3A_554 = tpu.memref_slice %arg7[%run_scoped3A, %dma_wait3A_552, %dma_wait3A_553] : memref<2x4x128xi32, #tpu.memory_space<vmem>> -> memref<1x4x128xi32, #tpu.memory_space<vmem>>
        %dma_wait3A_555 = tpu.memref_squeeze %dma_wait3A_554 : memref<1x4x128xi32, #tpu.memory_space<vmem>> -> memref<4x128xi32, #tpu.memory_space<vmem>>
        %dma_wait3A_556 = arith.constant 0 : i32
        %dma_wait3A_557 = arith.constant 0 : i32
        %dma_wait3A_558 = tpu.memref_slice %arg3[%add3A, %mul3A_15, %dma_wait3A_556, %dma_wait3A_557] : memref<32x20x4x128xi32, #tpu.memory_space<hbm>> -> memref<1x1x4x128xi32, #tpu.memory_space<hbm>>
        %dma_wait3A_559 = tpu.memref_squeeze %dma_wait3A_558 : memref<1x1x4x128xi32, #tpu.memory_space<hbm>> -> memref<4x128xi32, #tpu.memory_space<hbm>>
        %dma_wait3A_560 = arith.constant 0 : i32
        %dma_wait3A_561 = arith.constant 0 : i32
        %dma_wait3A_562 = tpu.memref_slice %arg7[%run_scoped3A, %dma_wait3A_560, %dma_wait3A_561] : memref<2x4x128xi32, #tpu.memory_space<vmem>> -> memref<1x4x128xi32, #tpu.memory_space<vmem>>
        %dma_wait3A_563 = tpu.memref_squeeze %dma_wait3A_562 : memref<1x4x128xi32, #tpu.memory_space<vmem>> -> memref<4x128xi32, #tpu.memory_space<vmem>>
        %dma_wait3A_564 = arith.constant 0 : i32
        %dma_wait3A_565 = arith.constant 0 : i32
        %dma_wait3A_566 = tpu.memref_slice %arg3[%add3A, %mul3A_15, %dma_wait3A_564, %dma_wait3A_565] : memref<32x20x4x128xi32, #tpu.memory_space<hbm>> -> memref<1x1x4x128xi32, #tpu.memory_space<hbm>>
        %dma_wait3A_567 = tpu.memref_squeeze %dma_wait3A_566 : memref<1x1x4x128xi32, #tpu.memory_space<hbm>> -> memref<4x128xi32, #tpu.memory_space<hbm>>
        tpu.wait_dma2 semaphore(%run_scoped3A_535 : memref<!tpu.dma_semaphore, #tpu.memory_space<semaphore_mem>>) src(%dma_wait3A_567 : memref<4x128xi32, #tpu.memory_space<hbm>>) dst(%dma_wait3A_563 : memref<4x128xi32, #tpu.memory_space<vmem>>)
        tpu.yield
      }) : () -> ()
      %run_scoped3A_16 = arith.constant 0 : i32
      "tpu.region"() ({
        %run_scoped3A_535 = tpu.sem_alloc : memref<!tpu.dma_semaphore, #tpu.memory_space<semaphore_mem>>
        %dma_start3A_536 = arith.constant 0 : i32
        %dma_start3A_537 = arith.constant 0 : i32
        %dma_start3A_538 = tpu.memref_slice %arg8[%run_scoped3A_16, %dma_start3A_536, %dma_start3A_537] : memref<2x4x128xi32, #tpu.memory_space<vmem>> -> memref<1x4x128xi32, #tpu.memory_space<vmem>>
        %dma_start3A_539 = tpu.memref_squeeze %dma_start3A_538 : memref<1x4x128xi32, #tpu.memory_space<vmem>> -> memref<4x128xi32, #tpu.memory_space<vmem>>
        %dma_start3A_540 = arith.constant 0 : i32
        %dma_start3A_541 = arith.constant 0 : i32
        %dma_start3A_542 = tpu.memref_slice %arg4[%add3A, %mul3A_15, %dma_start3A_540, %dma_start3A_541] : memref<32x20x4x128xi32, #tpu.memory_space<hbm>> -> memref<1x1x4x128xi32, #tpu.memory_space<hbm>>
        %dma_start3A_543 = tpu.memref_squeeze %dma_start3A_542 : memref<1x1x4x128xi32, #tpu.memory_space<hbm>> -> memref<4x128xi32, #tpu.memory_space<hbm>>
        %dma_start3A_544 = arith.constant 0 : i32
        %dma_start3A_545 = arith.constant 0 : i32
        %dma_start3A_546 = tpu.memref_slice %arg8[%run_scoped3A_16, %dma_start3A_544, %dma_start3A_545] : memref<2x4x128xi32, #tpu.memory_space<vmem>> -> memref<1x4x128xi32, #tpu.memory_space<vmem>>
        %dma_start3A_547 = tpu.memref_squeeze %dma_start3A_546 : memref<1x4x128xi32, #tpu.memory_space<vmem>> -> memref<4x128xi32, #tpu.memory_space<vmem>>
        %dma_start3A_548 = arith.constant 0 : i32
        %dma_start3A_549 = arith.constant 0 : i32
        %dma_start3A_550 = tpu.memref_slice %arg4[%add3A, %mul3A_15, %dma_start3A_548, %dma_start3A_549] : memref<32x20x4x128xi32, #tpu.memory_space<hbm>> -> memref<1x1x4x128xi32, #tpu.memory_space<hbm>>
        %dma_start3A_551 = tpu.memref_squeeze %dma_start3A_550 : memref<1x1x4x128xi32, #tpu.memory_space<hbm>> -> memref<4x128xi32, #tpu.memory_space<hbm>>
        tpu.enqueue_dma source(%dma_start3A_551 : memref<4x128xi32, #tpu.memory_space<hbm>>) target(%dma_start3A_547 : memref<4x128xi32, #tpu.memory_space<vmem>>) target_semaphore(%run_scoped3A_535 : memref<!tpu.dma_semaphore, #tpu.memory_space<semaphore_mem>>)
        %dma_wait3A_552 = arith.constant 0 : i32
        %dma_wait3A_553 = arith.constant 0 : i32
        %dma_wait3A_554 = tpu.memref_slice %arg8[%run_scoped3A_16, %dma_wait3A_552, %dma_wait3A_553] : memref<2x4x128xi32, #tpu.memory_space<vmem>> -> memref<1x4x128xi32, #tpu.memory_space<vmem>>
        %dma_wait3A_555 = tpu.memref_squeeze %dma_wait3A_554 : memref<1x4x128xi32, #tpu.memory_space<vmem>> -> memref<4x128xi32, #tpu.memory_space<vmem>>
        %dma_wait3A_556 = arith.constant 0 : i32
        %dma_wait3A_557 = arith.constant 0 : i32
        %dma_wait3A_558 = tpu.memref_slice %arg4[%add3A, %mul3A_15, %dma_wait3A_556, %dma_wait3A_557] : memref<32x20x4x128xi32, #tpu.memory_space<hbm>> -> memref<1x1x4x128xi32, #tpu.memory_space<hbm>>
        %dma_wait3A_559 = tpu.memref_squeeze %dma_wait3A_558 : memref<1x1x4x128xi32, #tpu.memory_space<hbm>> -> memref<4x128xi32, #tpu.memory_space<hbm>>
        %dma_wait3A_560 = arith.constant 0 : i32
        %dma_wait3A_561 = arith.constant 0 : i32
        %dma_wait3A_562 = tpu.memref_slice %arg8[%run_scoped3A_16, %dma_wait3A_560, %dma_wait3A_561] : memref<2x4x128xi32, #tpu.memory_space<vmem>> -> memref<1x4x128xi32, #tpu.memory_space<vmem>>
        %dma_wait3A_563 = tpu.memref_squeeze %dma_wait3A_562 : memref<1x4x128xi32, #tpu.memory_space<vmem>> -> memref<4x128xi32, #tpu.memory_space<vmem>>
        %dma_wait3A_564 = arith.constant 0 : i32
        %dma_wait3A_565 = arith.constant 0 : i32
        %dma_wait3A_566 = tpu.memref_slice %arg4[%add3A, %mul3A_15, %dma_wait3A_564, %dma_wait3A_565] : memref<32x20x4x128xi32, #tpu.memory_space<hbm>> -> memref<1x1x4x128xi32, #tpu.memory_space<hbm>>
        %dma_wait3A_567 = tpu.memref_squeeze %dma_wait3A_566 : memref<1x1x4x128xi32, #tpu.memory_space<hbm>> -> memref<4x128xi32, #tpu.memory_space<hbm>>
        tpu.wait_dma2 semaphore(%run_scoped3A_535 : memref<!tpu.dma_semaphore, #tpu.memory_space<semaphore_mem>>) src(%dma_wait3A_567 : memref<4x128xi32, #tpu.memory_space<hbm>>) dst(%dma_wait3A_563 : memref<4x128xi32, #tpu.memory_space<vmem>>)
        tpu.yield
      }) : () -> ()
      %dma_start3A = arith.constant 0 : i32
      %dma_start3A_17 = arith.constant 0 : i32
      %dma_start3A_18 = arith.constant 0 : i32
      %dma_start3A_19 = arith.constant 0 : i32
      %dma_start3A_20 = arith.constant 0 : i32
      %dma_start3A_21 = arith.constant 0 : i32
      %dma_start3A_22 = tpu.memref_slice %arg9[%dma_start3A_18, %dma_start3A_19, %dma_start3A_20, %dma_start3A_21] : memref<2x4x128x64xf32, #tpu.memory_space<vmem>> -> memref<1x1x128x64xf32, #tpu.memory_space<vmem>>
      %dma_start3A_23 = tpu.memref_squeeze %dma_start3A_22 : memref<1x1x128x64xf32, #tpu.memory_space<vmem>> -> memref<128x64xf32, #tpu.memory_space<vmem>>
      %dma_start3A_24 = arith.constant 0 : i32
      %dma_start3A_25 = tpu.memref_slice %arg7[%dma_start3A, %dma_start3A_17, %dma_start3A_24] : memref<2x4x128xi32, #tpu.memory_space<vmem>> -> memref<1x1x128xi32, #tpu.memory_space<vmem>>
      %dma_start3A_26 = tpu.memref_squeeze %dma_start3A_25 : memref<1x1x128xi32, #tpu.memory_space<vmem>> -> memref<128xi32, #tpu.memory_space<vmem>>
      %dma_start3A_27 = arith.constant 0 : i32
      %dma_start3A_28 = arith.constant 0 : i32
      %dma_start3A_29 = tpu.memref_slice %arg2[%dma_start3A_27, %dma_start3A_28] : memref<10000x64xf32, #tpu.memory_space<hbm>> -> memref<10000x64xf32, #tpu.memory_space<hbm>>
      tpu.enqueue_indirect_dma source(%dma_start3A_29 : memref<10000x64xf32, #tpu.memory_space<hbm>>) target(%dma_start3A_23 : memref<128x64xf32, #tpu.memory_space<vmem>>) offsets(%dma_start3A_26 : memref<128xi32, #tpu.memory_space<vmem>>) semaphore(%arg11 : memref<!tpu.dma_semaphore, #tpu.memory_space<semaphore_mem>>)
      %dma_start3A_30 = arith.constant 0 : i32
      %dma_start3A_31 = arith.constant 1 : i32
      %dma_start3A_32 = arith.constant 0 : i32
      %dma_start3A_33 = arith.constant 1 : i32
      %dma_start3A_34 = arith.constant 0 : i32
      %dma_start3A_35 = arith.constant 0 : i32
      %dma_start3A_36 = tpu.memref_slice %arg9[%dma_start3A_32, %dma_start3A_33, %dma_start3A_34, %dma_start3A_35] : memref<2x4x128x64xf32, #tpu.memory_space<vmem>> -> memref<1x1x128x64xf32, #tpu.memory_space<vmem>>
      %dma_start3A_37 = tpu.memref_squeeze %dma_start3A_36 : memref<1x1x128x64xf32, #tpu.memory_space<vmem>> -> memref<128x64xf32, #tpu.memory_space<vmem>>
      %dma_start3A_38 = arith.constant 0 : i32
      %dma_start3A_39 = tpu.memref_slice %arg7[%dma_start3A_30, %dma_start3A_31, %dma_start3A_38] : memref<2x4x128xi32, #tpu.memory_space<vmem>> -> memref<1x1x128xi32, #tpu.memory_space<vmem>>
      %dma_start3A_40 = tpu.memref_squeeze %dma_start3A_39 : memref<1x1x128xi32, #tpu.memory_space<vmem>> -> memref<128xi32, #tpu.memory_space<vmem>>
      %dma_start3A_41 = arith.constant 0 : i32
      %dma_start3A_42 = arith.constant 0 : i32
      %dma_start3A_43 = tpu.memref_slice %arg2[%dma_start3A_41, %dma_start3A_42] : memref<10000x64xf32, #tpu.memory_space<hbm>> -> memref<10000x64xf32, #tpu.memory_space<hbm>>
      tpu.enqueue_indirect_dma source(%dma_start3A_43 : memref<10000x64xf32, #tpu.memory_space<hbm>>) target(%dma_start3A_37 : memref<128x64xf32, #tpu.memory_space<vmem>>) offsets(%dma_start3A_40 : memref<128xi32, #tpu.memory_space<vmem>>) semaphore(%arg11 : memref<!tpu.dma_semaphore, #tpu.memory_space<semaphore_mem>>)
      %dma_start3A_44 = arith.constant 0 : i32
      %dma_start3A_45 = arith.constant 2 : i32
      %dma_start3A_46 = arith.constant 0 : i32
      %dma_start3A_47 = arith.constant 2 : i32
      %dma_start3A_48 = arith.constant 0 : i32
      %dma_start3A_49 = arith.constant 0 : i32
      %dma_start3A_50 = tpu.memref_slice %arg9[%dma_start3A_46, %dma_start3A_47, %dma_start3A_48, %dma_start3A_49] : memref<2x4x128x64xf32, #tpu.memory_space<vmem>> -> memref<1x1x128x64xf32, #tpu.memory_space<vmem>>
      %dma_start3A_51 = tpu.memref_squeeze %dma_start3A_50 : memref<1x1x128x64xf32, #tpu.memory_space<vmem>> -> memref<128x64xf32, #tpu.memory_space<vmem>>
      %dma_start3A_52 = arith.constant 0 : i32
      %dma_start3A_53 = tpu.memref_slice %arg7[%dma_start3A_44, %dma_start3A_45, %dma_start3A_52] : memref<2x4x128xi32, #tpu.memory_space<vmem>> -> memref<1x1x128xi32, #tpu.memory_space<vmem>>
      %dma_start3A_54 = tpu.memref_squeeze %dma_start3A_53 : memref<1x1x128xi32, #tpu.memory_space<vmem>> -> memref<128xi32, #tpu.memory_space<vmem>>
      %dma_start3A_55 = arith.constant 0 : i32
      %dma_start3A_56 = arith.constant 0 : i32
      %dma_start3A_57 = tpu.memref_slice %arg2[%dma_start3A_55, %dma_start3A_56] : memref<10000x64xf32, #tpu.memory_space<hbm>> -> memref<10000x64xf32, #tpu.memory_space<hbm>>
      tpu.enqueue_indirect_dma source(%dma_start3A_57 : memref<10000x64xf32, #tpu.memory_space<hbm>>) target(%dma_start3A_51 : memref<128x64xf32, #tpu.memory_space<vmem>>) offsets(%dma_start3A_54 : memref<128xi32, #tpu.memory_space<vmem>>) semaphore(%arg11 : memref<!tpu.dma_semaphore, #tpu.memory_space<semaphore_mem>>)
      %dma_start3A_58 = arith.constant 0 : i32
      %dma_start3A_59 = arith.constant 3 : i32
      %dma_start3A_60 = arith.constant 0 : i32
      %dma_start3A_61 = arith.constant 3 : i32
      %dma_start3A_62 = arith.constant 0 : i32
      %dma_start3A_63 = arith.constant 0 : i32
      %dma_start3A_64 = tpu.memref_slice %arg9[%dma_start3A_60, %dma_start3A_61, %dma_start3A_62, %dma_start3A_63] : memref<2x4x128x64xf32, #tpu.memory_space<vmem>> -> memref<1x1x128x64xf32, #tpu.memory_space<vmem>>
      %dma_start3A_65 = tpu.memref_squeeze %dma_start3A_64 : memref<1x1x128x64xf32, #tpu.memory_space<vmem>> -> memref<128x64xf32, #tpu.memory_space<vmem>>
      %dma_start3A_66 = arith.constant 0 : i32
      %dma_start3A_67 = tpu.memref_slice %arg7[%dma_start3A_58, %dma_start3A_59, %dma_start3A_66] : memref<2x4x128xi32, #tpu.memory_space<vmem>> -> memref<1x1x128xi32, #tpu.memory_space<vmem>>
      %dma_start3A_68 = tpu.memref_squeeze %dma_start3A_67 : memref<1x1x128xi32, #tpu.memory_space<vmem>> -> memref<128xi32, #tpu.memory_space<vmem>>
      %dma_start3A_69 = arith.constant 0 : i32
      %dma_start3A_70 = arith.constant 0 : i32
      %dma_start3A_71 = tpu.memref_slice %arg2[%dma_start3A_69, %dma_start3A_70] : memref<10000x64xf32, #tpu.memory_space<hbm>> -> memref<10000x64xf32, #tpu.memory_space<hbm>>
      tpu.enqueue_indirect_dma source(%dma_start3A_71 : memref<10000x64xf32, #tpu.memory_space<hbm>>) target(%dma_start3A_65 : memref<128x64xf32, #tpu.memory_space<vmem>>) offsets(%dma_start3A_68 : memref<128xi32, #tpu.memory_space<vmem>>) semaphore(%arg11 : memref<!tpu.dma_semaphore, #tpu.memory_space<semaphore_mem>>)
      %add3A_72 = arith.constant 1 : i32
      %add3A_73 = arith.addi %mul3A_15, %add3A_72 : i32
      %dma_start3A_74 = arith.constant 1 : i32
      %dma_start3A_75 = arith.constant 0 : i32
      %dma_start3A_76 = arith.constant 0 : i32
      %dma_start3A_77 = tpu.memref_slice %arg7[%dma_start3A_74, %dma_start3A_75, %dma_start3A_76] : memref<2x4x128xi32, #tpu.memory_space<vmem>> -> memref<1x4x128xi32, #tpu.memory_space<vmem>>
      %dma_start3A_78 = tpu.memref_squeeze %dma_start3A_77 : memref<1x4x128xi32, #tpu.memory_space<vmem>> -> memref<4x128xi32, #tpu.memory_space<vmem>>
      %dma_start3A_79 = arith.constant 0 : i32
      %dma_start3A_80 = arith.constant 0 : i32
      %dma_start3A_81 = tpu.memref_slice %arg3[%add3A, %add3A_73, %dma_start3A_79, %dma_start3A_80] : memref<32x20x4x128xi32, #tpu.memory_space<hbm>> -> memref<1x1x4x128xi32, #tpu.memory_space<hbm>>
      %dma_start3A_82 = tpu.memref_squeeze %dma_start3A_81 : memref<1x1x4x128xi32, #tpu.memory_space<hbm>> -> memref<4x128xi32, #tpu.memory_space<hbm>>
      %dma_start3A_83 = arith.constant 0 : i32
      %dma_start3A_84 = arith.constant 0 : i32
      %dma_start3A_85 = tpu.memref_slice %arg7[%dma_start3A_74, %dma_start3A_83, %dma_start3A_84] : memref<2x4x128xi32, #tpu.memory_space<vmem>> -> memref<1x4x128xi32, #tpu.memory_space<vmem>>
      %dma_start3A_86 = tpu.memref_squeeze %dma_start3A_85 : memref<1x4x128xi32, #tpu.memory_space<vmem>> -> memref<4x128xi32, #tpu.memory_space<vmem>>
      %dma_start3A_87 = arith.constant 0 : i32
      %dma_start3A_88 = arith.constant 0 : i32
      %dma_start3A_89 = tpu.memref_slice %arg3[%add3A, %add3A_73, %dma_start3A_87, %dma_start3A_88] : memref<32x20x4x128xi32, #tpu.memory_space<hbm>> -> memref<1x1x4x128xi32, #tpu.memory_space<hbm>>
      %dma_start3A_90 = tpu.memref_squeeze %dma_start3A_89 : memref<1x1x4x128xi32, #tpu.memory_space<hbm>> -> memref<4x128xi32, #tpu.memory_space<hbm>>
      tpu.enqueue_dma source(%dma_start3A_90 : memref<4x128xi32, #tpu.memory_space<hbm>>) target(%dma_start3A_86 : memref<4x128xi32, #tpu.memory_space<vmem>>) target_semaphore(%arg16 : memref<!tpu.dma_semaphore, #tpu.memory_space<semaphore_mem>>)
      %add3A_91 = arith.constant 1 : i32
      %add3A_92 = arith.addi %mul3A_15, %add3A_91 : i32
      %dma_start3A_93 = arith.constant 1 : i32
      %dma_start3A_94 = arith.constant 0 : i32
      %dma_start3A_95 = arith.constant 0 : i32
      %dma_start3A_96 = tpu.memref_slice %arg8[%dma_start3A_93, %dma_start3A_94, %dma_start3A_95] : memref<2x4x128xi32, #tpu.memory_space<vmem>> -> memref<1x4x128xi32, #tpu.memory_space<vmem>>
      %dma_start3A_97 = tpu.memref_squeeze %dma_start3A_96 : memref<1x4x128xi32, #tpu.memory_space<vmem>> -> memref<4x128xi32, #tpu.memory_space<vmem>>
      %dma_start3A_98 = arith.constant 0 : i32
      %dma_start3A_99 = arith.constant 0 : i32
      %dma_start3A_100 = tpu.memref_slice %arg4[%add3A, %add3A_92, %dma_start3A_98, %dma_start3A_99] : memref<32x20x4x128xi32, #tpu.memory_space<hbm>> -> memref<1x1x4x128xi32, #tpu.memory_space<hbm>>
      %dma_start3A_101 = tpu.memref_squeeze %dma_start3A_100 : memref<1x1x4x128xi32, #tpu.memory_space<hbm>> -> memref<4x128xi32, #tpu.memory_space<hbm>>
      %dma_start3A_102 = arith.constant 0 : i32
      %dma_start3A_103 = arith.constant 0 : i32
      %dma_start3A_104 = tpu.memref_slice %arg8[%dma_start3A_93, %dma_start3A_102, %dma_start3A_103] : memref<2x4x128xi32, #tpu.memory_space<vmem>> -> memref<1x4x128xi32, #tpu.memory_space<vmem>>
      %dma_start3A_105 = tpu.memref_squeeze %dma_start3A_104 : memref<1x4x128xi32, #tpu.memory_space<vmem>> -> memref<4x128xi32, #tpu.memory_space<vmem>>
      %dma_start3A_106 = arith.constant 0 : i32
      %dma_start3A_107 = arith.constant 0 : i32
      %dma_start3A_108 = tpu.memref_slice %arg4[%add3A, %add3A_92, %dma_start3A_106, %dma_start3A_107] : memref<32x20x4x128xi32, #tpu.memory_space<hbm>> -> memref<1x1x4x128xi32, #tpu.memory_space<hbm>>
      %dma_start3A_109 = tpu.memref_squeeze %dma_start3A_108 : memref<1x1x4x128xi32, #tpu.memory_space<hbm>> -> memref<4x128xi32, #tpu.memory_space<hbm>>
      tpu.enqueue_dma source(%dma_start3A_109 : memref<4x128xi32, #tpu.memory_space<hbm>>) target(%dma_start3A_105 : memref<4x128xi32, #tpu.memory_space<vmem>>) target_semaphore(%arg16 : memref<!tpu.dma_semaphore, #tpu.memory_space<semaphore_mem>>)
      %dma_wait3A = arith.constant 0 : i32
      %dma_wait3A_110 = arith.constant 0 : i32
      %dma_wait3A_111 = arith.constant 0 : i32
      %dma_wait3A_112 = arith.constant 0 : i32
      %dma_wait3A_113 = arith.constant 0 : i32
      %dma_wait3A_114 = arith.constant 0 : i32
      %dma_wait3A_115 = tpu.memref_slice %arg9[%dma_wait3A_111, %dma_wait3A_112, %dma_wait3A_113, %dma_wait3A_114] : memref<2x4x128x64xf32, #tpu.memory_space<vmem>> -> memref<1x1x128x64xf32, #tpu.memory_space<vmem>>
      %dma_wait3A_116 = tpu.memref_squeeze %dma_wait3A_115 : memref<1x1x128x64xf32, #tpu.memory_space<vmem>> -> memref<128x64xf32, #tpu.memory_space<vmem>>
      %dma_wait3A_117 = arith.constant 0 : i32
      %dma_wait3A_118 = tpu.memref_slice %arg7[%dma_wait3A, %dma_wait3A_110, %dma_wait3A_117] : memref<2x4x128xi32, #tpu.memory_space<vmem>> -> memref<1x1x128xi32, #tpu.memory_space<vmem>>
      %dma_wait3A_119 = tpu.memref_squeeze %dma_wait3A_118 : memref<1x1x128xi32, #tpu.memory_space<vmem>> -> memref<128xi32, #tpu.memory_space<vmem>>
      %dma_wait3A_120 = arith.constant 0 : i32
      %dma_wait3A_121 = arith.constant 0 : i32
      %dma_wait3A_122 = tpu.memref_slice %arg2[%dma_wait3A_120, %dma_wait3A_121] : memref<10000x64xf32, #tpu.memory_space<hbm>> -> memref<10000x64xf32, #tpu.memory_space<hbm>>
      tpu.wait_indirect_dma semaphore(%arg11 : memref<!tpu.dma_semaphore, #tpu.memory_space<semaphore_mem>>) src(%dma_wait3A_122 : memref<10000x64xf32, #tpu.memory_space<hbm>>) dst(%dma_wait3A_116 : memref<128x64xf32, #tpu.memory_space<vmem>>)
      %dma_wait3A_123 = arith.constant 0 : i32
      %dma_wait3A_124 = arith.constant 1 : i32
      %dma_wait3A_125 = arith.constant 0 : i32
      %dma_wait3A_126 = arith.constant 1 : i32
      %dma_wait3A_127 = arith.constant 0 : i32
      %dma_wait3A_128 = arith.constant 0 : i32
      %dma_wait3A_129 = tpu.memref_slice %arg9[%dma_wait3A_125, %dma_wait3A_126, %dma_wait3A_127, %dma_wait3A_128] : memref<2x4x128x64xf32, #tpu.memory_space<vmem>> -> memref<1x1x128x64xf32, #tpu.memory_space<vmem>>
      %dma_wait3A_130 = tpu.memref_squeeze %dma_wait3A_129 : memref<1x1x128x64xf32, #tpu.memory_space<vmem>> -> memref<128x64xf32, #tpu.memory_space<vmem>>
      %dma_wait3A_131 = arith.constant 0 : i32
      %dma_wait3A_132 = tpu.memref_slice %arg7[%dma_wait3A_123, %dma_wait3A_124, %dma_wait3A_131] : memref<2x4x128xi32, #tpu.memory_space<vmem>> -> memref<1x1x128xi32, #tpu.memory_space<vmem>>
      %dma_wait3A_133 = tpu.memref_squeeze %dma_wait3A_132 : memref<1x1x128xi32, #tpu.memory_space<vmem>> -> memref<128xi32, #tpu.memory_space<vmem>>
      %dma_wait3A_134 = arith.constant 0 : i32
      %dma_wait3A_135 = arith.constant 0 : i32
      %dma_wait3A_136 = tpu.memref_slice %arg2[%dma_wait3A_134, %dma_wait3A_135] : memref<10000x64xf32, #tpu.memory_space<hbm>> -> memref<10000x64xf32, #tpu.memory_space<hbm>>
      tpu.wait_indirect_dma semaphore(%arg11 : memref<!tpu.dma_semaphore, #tpu.memory_space<semaphore_mem>>) src(%dma_wait3A_136 : memref<10000x64xf32, #tpu.memory_space<hbm>>) dst(%dma_wait3A_130 : memref<128x64xf32, #tpu.memory_space<vmem>>)
      %dma_wait3A_137 = arith.constant 0 : i32
      %dma_wait3A_138 = arith.constant 2 : i32
      %dma_wait3A_139 = arith.constant 0 : i32
      %dma_wait3A_140 = arith.constant 2 : i32
      %dma_wait3A_141 = arith.constant 0 : i32
      %dma_wait3A_142 = arith.constant 0 : i32
      %dma_wait3A_143 = tpu.memref_slice %arg9[%dma_wait3A_139, %dma_wait3A_140, %dma_wait3A_141, %dma_wait3A_142] : memref<2x4x128x64xf32, #tpu.memory_space<vmem>> -> memref<1x1x128x64xf32, #tpu.memory_space<vmem>>
      %dma_wait3A_144 = tpu.memref_squeeze %dma_wait3A_143 : memref<1x1x128x64xf32, #tpu.memory_space<vmem>> -> memref<128x64xf32, #tpu.memory_space<vmem>>
      %dma_wait3A_145 = arith.constant 0 : i32
      %dma_wait3A_146 = tpu.memref_slice %arg7[%dma_wait3A_137, %dma_wait3A_138, %dma_wait3A_145] : memref<2x4x128xi32, #tpu.memory_space<vmem>> -> memref<1x1x128xi32, #tpu.memory_space<vmem>>
      %dma_wait3A_147 = tpu.memref_squeeze %dma_wait3A_146 : memref<1x1x128xi32, #tpu.memory_space<vmem>> -> memref<128xi32, #tpu.memory_space<vmem>>
      %dma_wait3A_148 = arith.constant 0 : i32
      %dma_wait3A_149 = arith.constant 0 : i32
      %dma_wait3A_150 = tpu.memref_slice %arg2[%dma_wait3A_148, %dma_wait3A_149] : memref<10000x64xf32, #tpu.memory_space<hbm>> -> memref<10000x64xf32, #tpu.memory_space<hbm>>
      tpu.wait_indirect_dma semaphore(%arg11 : memref<!tpu.dma_semaphore, #tpu.memory_space<semaphore_mem>>) src(%dma_wait3A_150 : memref<10000x64xf32, #tpu.memory_space<hbm>>) dst(%dma_wait3A_144 : memref<128x64xf32, #tpu.memory_space<vmem>>)
      %dma_wait3A_151 = arith.constant 0 : i32
      %dma_wait3A_152 = arith.constant 3 : i32
      %dma_wait3A_153 = arith.constant 0 : i32
      %dma_wait3A_154 = arith.constant 3 : i32
      %dma_wait3A_155 = arith.constant 0 : i32
      %dma_wait3A_156 = arith.constant 0 : i32
      %dma_wait3A_157 = tpu.memref_slice %arg9[%dma_wait3A_153, %dma_wait3A_154, %dma_wait3A_155, %dma_wait3A_156] : memref<2x4x128x64xf32, #tpu.memory_space<vmem>> -> memref<1x1x128x64xf32, #tpu.memory_space<vmem>>
      %dma_wait3A_158 = tpu.memref_squeeze %dma_wait3A_157 : memref<1x1x128x64xf32, #tpu.memory_space<vmem>> -> memref<128x64xf32, #tpu.memory_space<vmem>>
      %dma_wait3A_159 = arith.constant 0 : i32
      %dma_wait3A_160 = tpu.memref_slice %arg7[%dma_wait3A_151, %dma_wait3A_152, %dma_wait3A_159] : memref<2x4x128xi32, #tpu.memory_space<vmem>> -> memref<1x1x128xi32, #tpu.memory_space<vmem>>
      %dma_wait3A_161 = tpu.memref_squeeze %dma_wait3A_160 : memref<1x1x128xi32, #tpu.memory_space<vmem>> -> memref<128xi32, #tpu.memory_space<vmem>>
      %dma_wait3A_162 = arith.constant 0 : i32
      %dma_wait3A_163 = arith.constant 0 : i32
      %dma_wait3A_164 = tpu.memref_slice %arg2[%dma_wait3A_162, %dma_wait3A_163] : memref<10000x64xf32, #tpu.memory_space<hbm>> -> memref<10000x64xf32, #tpu.memory_space<hbm>>
      tpu.wait_indirect_dma semaphore(%arg11 : memref<!tpu.dma_semaphore, #tpu.memory_space<semaphore_mem>>) src(%dma_wait3A_164 : memref<10000x64xf32, #tpu.memory_space<hbm>>) dst(%dma_wait3A_158 : memref<128x64xf32, #tpu.memory_space<vmem>>)
      %dma_start3A_165 = arith.constant 0 : i32
      %dma_start3A_166 = arith.constant 0 : i32
      %dma_start3A_167 = arith.constant 0 : i32
      %dma_start3A_168 = arith.constant 0 : i32
      %dma_start3A_169 = arith.constant 0 : i32
      %dma_start3A_170 = arith.constant 0 : i32
      %dma_start3A_171 = tpu.memref_slice %arg9[%dma_start3A_165, %dma_start3A_166, %dma_start3A_169, %dma_start3A_170] : memref<2x4x128x64xf32, #tpu.memory_space<vmem>> -> memref<1x1x128x64xf32, #tpu.memory_space<vmem>>
      %dma_start3A_172 = tpu.memref_squeeze %dma_start3A_171 : memref<1x1x128x64xf32, #tpu.memory_space<vmem>> -> memref<128x64xf32, #tpu.memory_space<vmem>>
      %dma_start3A_173 = arith.constant 0 : i32
      %dma_start3A_174 = tpu.memref_slice %arg8[%dma_start3A_167, %dma_start3A_168, %dma_start3A_173] : memref<2x4x128xi32, #tpu.memory_space<vmem>> -> memref<1x1x128xi32, #tpu.memory_space<vmem>>
      %dma_start3A_175 = tpu.memref_squeeze %dma_start3A_174 : memref<1x1x128xi32, #tpu.memory_space<vmem>> -> memref<128xi32, #tpu.memory_space<vmem>>
      %dma_start3A_176 = arith.constant 0 : i32
      %dma_start3A_177 = arith.constant 0 : i32
      %dma_start3A_178 = tpu.memref_slice %arg10[%dma_start3A_176, %dma_start3A_177] : memref<10240x64xf32, #tpu.memory_space<vmem_shared>> -> memref<10240x64xf32, #tpu.memory_space<vmem_shared>>
      tpu.enqueue_indirect_dma source(%dma_start3A_172 : memref<128x64xf32, #tpu.memory_space<vmem>>) target(%dma_start3A_178 : memref<10240x64xf32, #tpu.memory_space<vmem_shared>>) offsets(%dma_start3A_175 : memref<128xi32, #tpu.memory_space<vmem>>) semaphore(%arg13 : memref<!tpu.dma_semaphore, #tpu.memory_space<semaphore_mem>>) {add = true}
      %dma_start3A_179 = arith.constant 0 : i32
      %dma_start3A_180 = arith.constant 1 : i32
      %dma_start3A_181 = arith.constant 0 : i32
      %dma_start3A_182 = arith.constant 1 : i32
      %dma_start3A_183 = arith.constant 0 : i32
      %dma_start3A_184 = arith.constant 0 : i32
      %dma_start3A_185 = tpu.memref_slice %arg9[%dma_start3A_179, %dma_start3A_180, %dma_start3A_183, %dma_start3A_184] : memref<2x4x128x64xf32, #tpu.memory_space<vmem>> -> memref<1x1x128x64xf32, #tpu.memory_space<vmem>>
      %dma_start3A_186 = tpu.memref_squeeze %dma_start3A_185 : memref<1x1x128x64xf32, #tpu.memory_space<vmem>> -> memref<128x64xf32, #tpu.memory_space<vmem>>
      %dma_start3A_187 = arith.constant 0 : i32
      %dma_start3A_188 = tpu.memref_slice %arg8[%dma_start3A_181, %dma_start3A_182, %dma_start3A_187] : memref<2x4x128xi32, #tpu.memory_space<vmem>> -> memref<1x1x128xi32, #tpu.memory_space<vmem>>
      %dma_start3A_189 = tpu.memref_squeeze %dma_start3A_188 : memref<1x1x128xi32, #tpu.memory_space<vmem>> -> memref<128xi32, #tpu.memory_space<vmem>>
      %dma_start3A_190 = arith.constant 0 : i32
      %dma_start3A_191 = arith.constant 0 : i32
      %dma_start3A_192 = tpu.memref_slice %arg10[%dma_start3A_190, %dma_start3A_191] : memref<10240x64xf32, #tpu.memory_space<vmem_shared>> -> memref<10240x64xf32, #tpu.memory_space<vmem_shared>>
      tpu.enqueue_indirect_dma source(%dma_start3A_186 : memref<128x64xf32, #tpu.memory_space<vmem>>) target(%dma_start3A_192 : memref<10240x64xf32, #tpu.memory_space<vmem_shared>>) offsets(%dma_start3A_189 : memref<128xi32, #tpu.memory_space<vmem>>) semaphore(%arg13 : memref<!tpu.dma_semaphore, #tpu.memory_space<semaphore_mem>>) {add = true}
      %dma_start3A_193 = arith.constant 0 : i32
      %dma_start3A_194 = arith.constant 2 : i32
      %dma_start3A_195 = arith.constant 0 : i32
      %dma_start3A_196 = arith.constant 2 : i32
      %dma_start3A_197 = arith.constant 0 : i32
      %dma_start3A_198 = arith.constant 0 : i32
      %dma_start3A_199 = tpu.memref_slice %arg9[%dma_start3A_193, %dma_start3A_194, %dma_start3A_197, %dma_start3A_198] : memref<2x4x128x64xf32, #tpu.memory_space<vmem>> -> memref<1x1x128x64xf32, #tpu.memory_space<vmem>>
      %dma_start3A_200 = tpu.memref_squeeze %dma_start3A_199 : memref<1x1x128x64xf32, #tpu.memory_space<vmem>> -> memref<128x64xf32, #tpu.memory_space<vmem>>
      %dma_start3A_201 = arith.constant 0 : i32
      %dma_start3A_202 = tpu.memref_slice %arg8[%dma_start3A_195, %dma_start3A_196, %dma_start3A_201] : memref<2x4x128xi32, #tpu.memory_space<vmem>> -> memref<1x1x128xi32, #tpu.memory_space<vmem>>
      %dma_start3A_203 = tpu.memref_squeeze %dma_start3A_202 : memref<1x1x128xi32, #tpu.memory_space<vmem>> -> memref<128xi32, #tpu.memory_space<vmem>>
      %dma_start3A_204 = arith.constant 0 : i32
      %dma_start3A_205 = arith.constant 0 : i32
      %dma_start3A_206 = tpu.memref_slice %arg10[%dma_start3A_204, %dma_start3A_205] : memref<10240x64xf32, #tpu.memory_space<vmem_shared>> -> memref<10240x64xf32, #tpu.memory_space<vmem_shared>>
      tpu.enqueue_indirect_dma source(%dma_start3A_200 : memref<128x64xf32, #tpu.memory_space<vmem>>) target(%dma_start3A_206 : memref<10240x64xf32, #tpu.memory_space<vmem_shared>>) offsets(%dma_start3A_203 : memref<128xi32, #tpu.memory_space<vmem>>) semaphore(%arg13 : memref<!tpu.dma_semaphore, #tpu.memory_space<semaphore_mem>>) {add = true}
      %dma_start3A_207 = arith.constant 0 : i32
      %dma_start3A_208 = arith.constant 3 : i32
      %dma_start3A_209 = arith.constant 0 : i32
      %dma_start3A_210 = arith.constant 3 : i32
      %dma_start3A_211 = arith.constant 0 : i32
      %dma_start3A_212 = arith.constant 0 : i32
      %dma_start3A_213 = tpu.memref_slice %arg9[%dma_start3A_207, %dma_start3A_208, %dma_start3A_211, %dma_start3A_212] : memref<2x4x128x64xf32, #tpu.memory_space<vmem>> -> memref<1x1x128x64xf32, #tpu.memory_space<vmem>>
      %dma_start3A_214 = tpu.memref_squeeze %dma_start3A_213 : memref<1x1x128x64xf32, #tpu.memory_space<vmem>> -> memref<128x64xf32, #tpu.memory_space<vmem>>
      %dma_start3A_215 = arith.constant 0 : i32
      %dma_start3A_216 = tpu.memref_slice %arg8[%dma_start3A_209, %dma_start3A_210, %dma_start3A_215] : memref<2x4x128xi32, #tpu.memory_space<vmem>> -> memref<1x1x128xi32, #tpu.memory_space<vmem>>
      %dma_start3A_217 = tpu.memref_squeeze %dma_start3A_216 : memref<1x1x128xi32, #tpu.memory_space<vmem>> -> memref<128xi32, #tpu.memory_space<vmem>>
      %dma_start3A_218 = arith.constant 0 : i32
      %dma_start3A_219 = arith.constant 0 : i32
      %dma_start3A_220 = tpu.memref_slice %arg10[%dma_start3A_218, %dma_start3A_219] : memref<10240x64xf32, #tpu.memory_space<vmem_shared>> -> memref<10240x64xf32, #tpu.memory_space<vmem_shared>>
      tpu.enqueue_indirect_dma source(%dma_start3A_214 : memref<128x64xf32, #tpu.memory_space<vmem>>) target(%dma_start3A_220 : memref<10240x64xf32, #tpu.memory_space<vmem_shared>>) offsets(%dma_start3A_217 : memref<128xi32, #tpu.memory_space<vmem>>) semaphore(%arg13 : memref<!tpu.dma_semaphore, #tpu.memory_space<semaphore_mem>>) {add = true}
      %dma_wait3A_221 = arith.constant 1 : i32
      %dma_wait3A_222 = arith.constant 0 : i32
      %dma_wait3A_223 = arith.constant 0 : i32
      %dma_wait3A_224 = tpu.memref_slice %arg7[%dma_wait3A_221, %dma_wait3A_222, %dma_wait3A_223] : memref<2x4x128xi32, #tpu.memory_space<vmem>> -> memref<1x4x128xi32, #tpu.memory_space<vmem>>
      %dma_wait3A_225 = tpu.memref_squeeze %dma_wait3A_224 : memref<1x4x128xi32, #tpu.memory_space<vmem>> -> memref<4x128xi32, #tpu.memory_space<vmem>>
      %dma_wait3A_226 = arith.constant 0 : i32
      %dma_wait3A_227 = arith.constant 0 : i32
      %dma_wait3A_228 = tpu.memref_slice %arg3[%add3A, %add3A_73, %dma_wait3A_226, %dma_wait3A_227] : memref<32x20x4x128xi32, #tpu.memory_space<hbm>> -> memref<1x1x4x128xi32, #tpu.memory_space<hbm>>
      %dma_wait3A_229 = tpu.memref_squeeze %dma_wait3A_228 : memref<1x1x4x128xi32, #tpu.memory_space<hbm>> -> memref<4x128xi32, #tpu.memory_space<hbm>>
      %dma_wait3A_230 = arith.constant 0 : i32
      %dma_wait3A_231 = arith.constant 0 : i32
      %dma_wait3A_232 = tpu.memref_slice %arg7[%dma_wait3A_221, %dma_wait3A_230, %dma_wait3A_231] : memref<2x4x128xi32, #tpu.memory_space<vmem>> -> memref<1x4x128xi32, #tpu.memory_space<vmem>>
      %dma_wait3A_233 = tpu.memref_squeeze %dma_wait3A_232 : memref<1x4x128xi32, #tpu.memory_space<vmem>> -> memref<4x128xi32, #tpu.memory_space<vmem>>
      %dma_wait3A_234 = arith.constant 0 : i32
      %dma_wait3A_235 = arith.constant 0 : i32
      %dma_wait3A_236 = tpu.memref_slice %arg3[%add3A, %add3A_73, %dma_wait3A_234, %dma_wait3A_235] : memref<32x20x4x128xi32, #tpu.memory_space<hbm>> -> memref<1x1x4x128xi32, #tpu.memory_space<hbm>>
      %dma_wait3A_237 = tpu.memref_squeeze %dma_wait3A_236 : memref<1x1x4x128xi32, #tpu.memory_space<hbm>> -> memref<4x128xi32, #tpu.memory_space<hbm>>
      tpu.wait_dma2 semaphore(%arg16 : memref<!tpu.dma_semaphore, #tpu.memory_space<semaphore_mem>>) src(%dma_wait3A_237 : memref<4x128xi32, #tpu.memory_space<hbm>>) dst(%dma_wait3A_233 : memref<4x128xi32, #tpu.memory_space<vmem>>)
      %dma_wait3A_238 = arith.constant 1 : i32
      %dma_wait3A_239 = arith.constant 0 : i32
      %dma_wait3A_240 = arith.constant 0 : i32
      %dma_wait3A_241 = tpu.memref_slice %arg8[%dma_wait3A_238, %dma_wait3A_239, %dma_wait3A_240] : memref<2x4x128xi32, #tpu.memory_space<vmem>> -> memref<1x4x128xi32, #tpu.memory_space<vmem>>
      %dma_wait3A_242 = tpu.memref_squeeze %dma_wait3A_241 : memref<1x4x128xi32, #tpu.memory_space<vmem>> -> memref<4x128xi32, #tpu.memory_space<vmem>>
      %dma_wait3A_243 = arith.constant 0 : i32
      %dma_wait3A_244 = arith.constant 0 : i32
      %dma_wait3A_245 = tpu.memref_slice %arg4[%add3A, %add3A_92, %dma_wait3A_243, %dma_wait3A_244] : memref<32x20x4x128xi32, #tpu.memory_space<hbm>> -> memref<1x1x4x128xi32, #tpu.memory_space<hbm>>
      %dma_wait3A_246 = tpu.memref_squeeze %dma_wait3A_245 : memref<1x1x4x128xi32, #tpu.memory_space<hbm>> -> memref<4x128xi32, #tpu.memory_space<hbm>>
      %dma_wait3A_247 = arith.constant 0 : i32
      %dma_wait3A_248 = arith.constant 0 : i32
      %dma_wait3A_249 = tpu.memref_slice %arg8[%dma_wait3A_238, %dma_wait3A_247, %dma_wait3A_248] : memref<2x4x128xi32, #tpu.memory_space<vmem>> -> memref<1x4x128xi32, #tpu.memory_space<vmem>>
      %dma_wait3A_250 = tpu.memref_squeeze %dma_wait3A_249 : memref<1x4x128xi32, #tpu.memory_space<vmem>> -> memref<4x128xi32, #tpu.memory_space<vmem>>
      %dma_wait3A_251 = arith.constant 0 : i32
      %dma_wait3A_252 = arith.constant 0 : i32
      %dma_wait3A_253 = tpu.memref_slice %arg4[%add3A, %add3A_92, %dma_wait3A_251, %dma_wait3A_252] : memref<32x20x4x128xi32, #tpu.memory_space<hbm>> -> memref<1x1x4x128xi32, #tpu.memory_space<hbm>>
      %dma_wait3A_254 = tpu.memref_squeeze %dma_wait3A_253 : memref<1x1x4x128xi32, #tpu.memory_space<hbm>> -> memref<4x128xi32, #tpu.memory_space<hbm>>
      tpu.wait_dma2 semaphore(%arg16 : memref<!tpu.dma_semaphore, #tpu.memory_space<semaphore_mem>>) src(%dma_wait3A_254 : memref<4x128xi32, #tpu.memory_space<hbm>>) dst(%dma_wait3A_250 : memref<4x128xi32, #tpu.memory_space<vmem>>)
      %dma_start3A_255 = arith.constant 1 : i32
      %dma_start3A_256 = arith.constant 0 : i32
      %dma_start3A_257 = arith.constant 1 : i32
      %dma_start3A_258 = arith.constant 0 : i32
      %dma_start3A_259 = arith.constant 0 : i32
      %dma_start3A_260 = arith.constant 0 : i32
      %dma_start3A_261 = tpu.memref_slice %arg9[%dma_start3A_257, %dma_start3A_258, %dma_start3A_259, %dma_start3A_260] : memref<2x4x128x64xf32, #tpu.memory_space<vmem>> -> memref<1x1x128x64xf32, #tpu.memory_space<vmem>>
      %dma_start3A_262 = tpu.memref_squeeze %dma_start3A_261 : memref<1x1x128x64xf32, #tpu.memory_space<vmem>> -> memref<128x64xf32, #tpu.memory_space<vmem>>
      %dma_start3A_263 = arith.constant 0 : i32
      %dma_start3A_264 = tpu.memref_slice %arg7[%dma_start3A_255, %dma_start3A_256, %dma_start3A_263] : memref<2x4x128xi32, #tpu.memory_space<vmem>> -> memref<1x1x128xi32, #tpu.memory_space<vmem>>
      %dma_start3A_265 = tpu.memref_squeeze %dma_start3A_264 : memref<1x1x128xi32, #tpu.memory_space<vmem>> -> memref<128xi32, #tpu.memory_space<vmem>>
      %dma_start3A_266 = arith.constant 0 : i32
      %dma_start3A_267 = arith.constant 0 : i32
      %dma_start3A_268 = tpu.memref_slice %arg2[%dma_start3A_266, %dma_start3A_267] : memref<10000x64xf32, #tpu.memory_space<hbm>> -> memref<10000x64xf32, #tpu.memory_space<hbm>>
      tpu.enqueue_indirect_dma source(%dma_start3A_268 : memref<10000x64xf32, #tpu.memory_space<hbm>>) target(%dma_start3A_262 : memref<128x64xf32, #tpu.memory_space<vmem>>) offsets(%dma_start3A_265 : memref<128xi32, #tpu.memory_space<vmem>>) semaphore(%arg12 : memref<!tpu.dma_semaphore, #tpu.memory_space<semaphore_mem>>)
      %dma_start3A_269 = arith.constant 1 : i32
      %dma_start3A_270 = arith.constant 1 : i32
      %dma_start3A_271 = arith.constant 1 : i32
      %dma_start3A_272 = arith.constant 1 : i32
      %dma_start3A_273 = arith.constant 0 : i32
      %dma_start3A_274 = arith.constant 0 : i32
      %dma_start3A_275 = tpu.memref_slice %arg9[%dma_start3A_271, %dma_start3A_272, %dma_start3A_273, %dma_start3A_274] : memref<2x4x128x64xf32, #tpu.memory_space<vmem>> -> memref<1x1x128x64xf32, #tpu.memory_space<vmem>>
      %dma_start3A_276 = tpu.memref_squeeze %dma_start3A_275 : memref<1x1x128x64xf32, #tpu.memory_space<vmem>> -> memref<128x64xf32, #tpu.memory_space<vmem>>
      %dma_start3A_277 = arith.constant 0 : i32
      %dma_start3A_278 = tpu.memref_slice %arg7[%dma_start3A_269, %dma_start3A_270, %dma_start3A_277] : memref<2x4x128xi32, #tpu.memory_space<vmem>> -> memref<1x1x128xi32, #tpu.memory_space<vmem>>
      %dma_start3A_279 = tpu.memref_squeeze %dma_start3A_278 : memref<1x1x128xi32, #tpu.memory_space<vmem>> -> memref<128xi32, #tpu.memory_space<vmem>>
      %dma_start3A_280 = arith.constant 0 : i32
      %dma_start3A_281 = arith.constant 0 : i32
      %dma_start3A_282 = tpu.memref_slice %arg2[%dma_start3A_280, %dma_start3A_281] : memref<10000x64xf32, #tpu.memory_space<hbm>> -> memref<10000x64xf32, #tpu.memory_space<hbm>>
      tpu.enqueue_indirect_dma source(%dma_start3A_282 : memref<10000x64xf32, #tpu.memory_space<hbm>>) target(%dma_start3A_276 : memref<128x64xf32, #tpu.memory_space<vmem>>) offsets(%dma_start3A_279 : memref<128xi32, #tpu.memory_space<vmem>>) semaphore(%arg12 : memref<!tpu.dma_semaphore, #tpu.memory_space<semaphore_mem>>)
      %dma_start3A_283 = arith.constant 1 : i32
      %dma_start3A_284 = arith.constant 2 : i32
      %dma_start3A_285 = arith.constant 1 : i32
      %dma_start3A_286 = arith.constant 2 : i32
      %dma_start3A_287 = arith.constant 0 : i32
      %dma_start3A_288 = arith.constant 0 : i32
      %dma_start3A_289 = tpu.memref_slice %arg9[%dma_start3A_285, %dma_start3A_286, %dma_start3A_287, %dma_start3A_288] : memref<2x4x128x64xf32, #tpu.memory_space<vmem>> -> memref<1x1x128x64xf32, #tpu.memory_space<vmem>>
      %dma_start3A_290 = tpu.memref_squeeze %dma_start3A_289 : memref<1x1x128x64xf32, #tpu.memory_space<vmem>> -> memref<128x64xf32, #tpu.memory_space<vmem>>
      %dma_start3A_291 = arith.constant 0 : i32
      %dma_start3A_292 = tpu.memref_slice %arg7[%dma_start3A_283, %dma_start3A_284, %dma_start3A_291] : memref<2x4x128xi32, #tpu.memory_space<vmem>> -> memref<1x1x128xi32, #tpu.memory_space<vmem>>
      %dma_start3A_293 = tpu.memref_squeeze %dma_start3A_292 : memref<1x1x128xi32, #tpu.memory_space<vmem>> -> memref<128xi32, #tpu.memory_space<vmem>>
      %dma_start3A_294 = arith.constant 0 : i32
      %dma_start3A_295 = arith.constant 0 : i32
      %dma_start3A_296 = tpu.memref_slice %arg2[%dma_start3A_294, %dma_start3A_295] : memref<10000x64xf32, #tpu.memory_space<hbm>> -> memref<10000x64xf32, #tpu.memory_space<hbm>>
      tpu.enqueue_indirect_dma source(%dma_start3A_296 : memref<10000x64xf32, #tpu.memory_space<hbm>>) target(%dma_start3A_290 : memref<128x64xf32, #tpu.memory_space<vmem>>) offsets(%dma_start3A_293 : memref<128xi32, #tpu.memory_space<vmem>>) semaphore(%arg12 : memref<!tpu.dma_semaphore, #tpu.memory_space<semaphore_mem>>)
      %dma_start3A_297 = arith.constant 1 : i32
      %dma_start3A_298 = arith.constant 3 : i32
      %dma_start3A_299 = arith.constant 1 : i32
      %dma_start3A_300 = arith.constant 3 : i32
      %dma_start3A_301 = arith.constant 0 : i32
      %dma_start3A_302 = arith.constant 0 : i32
      %dma_start3A_303 = tpu.memref_slice %arg9[%dma_start3A_299, %dma_start3A_300, %dma_start3A_301, %dma_start3A_302] : memref<2x4x128x64xf32, #tpu.memory_space<vmem>> -> memref<1x1x128x64xf32, #tpu.memory_space<vmem>>
      %dma_start3A_304 = tpu.memref_squeeze %dma_start3A_303 : memref<1x1x128x64xf32, #tpu.memory_space<vmem>> -> memref<128x64xf32, #tpu.memory_space<vmem>>
      %dma_start3A_305 = arith.constant 0 : i32
      %dma_start3A_306 = tpu.memref_slice %arg7[%dma_start3A_297, %dma_start3A_298, %dma_start3A_305] : memref<2x4x128xi32, #tpu.memory_space<vmem>> -> memref<1x1x128xi32, #tpu.memory_space<vmem>>
      %dma_start3A_307 = tpu.memref_squeeze %dma_start3A_306 : memref<1x1x128xi32, #tpu.memory_space<vmem>> -> memref<128xi32, #tpu.memory_space<vmem>>
      %dma_start3A_308 = arith.constant 0 : i32
      %dma_start3A_309 = arith.constant 0 : i32
      %dma_start3A_310 = tpu.memref_slice %arg2[%dma_start3A_308, %dma_start3A_309] : memref<10000x64xf32, #tpu.memory_space<hbm>> -> memref<10000x64xf32, #tpu.memory_space<hbm>>
      tpu.enqueue_indirect_dma source(%dma_start3A_310 : memref<10000x64xf32, #tpu.memory_space<hbm>>) target(%dma_start3A_304 : memref<128x64xf32, #tpu.memory_space<vmem>>) offsets(%dma_start3A_307 : memref<128xi32, #tpu.memory_space<vmem>>) semaphore(%arg12 : memref<!tpu.dma_semaphore, #tpu.memory_space<semaphore_mem>>)
      %dma_wait3A_311 = arith.constant 1 : i32
      %dma_wait3A_312 = arith.constant 0 : i32
      %dma_wait3A_313 = arith.constant 1 : i32
      %dma_wait3A_314 = arith.constant 0 : i32
      %dma_wait3A_315 = arith.constant 0 : i32
      %dma_wait3A_316 = arith.constant 0 : i32
      %dma_wait3A_317 = tpu.memref_slice %arg9[%dma_wait3A_313, %dma_wait3A_314, %dma_wait3A_315, %dma_wait3A_316] : memref<2x4x128x64xf32, #tpu.memory_space<vmem>> -> memref<1x1x128x64xf32, #tpu.memory_space<vmem>>
      %dma_wait3A_318 = tpu.memref_squeeze %dma_wait3A_317 : memref<1x1x128x64xf32, #tpu.memory_space<vmem>> -> memref<128x64xf32, #tpu.memory_space<vmem>>
      %dma_wait3A_319 = arith.constant 0 : i32
      %dma_wait3A_320 = tpu.memref_slice %arg7[%dma_wait3A_311, %dma_wait3A_312, %dma_wait3A_319] : memref<2x4x128xi32, #tpu.memory_space<vmem>> -> memref<1x1x128xi32, #tpu.memory_space<vmem>>
      %dma_wait3A_321 = tpu.memref_squeeze %dma_wait3A_320 : memref<1x1x128xi32, #tpu.memory_space<vmem>> -> memref<128xi32, #tpu.memory_space<vmem>>
      %dma_wait3A_322 = arith.constant 0 : i32
      %dma_wait3A_323 = arith.constant 0 : i32
      %dma_wait3A_324 = tpu.memref_slice %arg2[%dma_wait3A_322, %dma_wait3A_323] : memref<10000x64xf32, #tpu.memory_space<hbm>> -> memref<10000x64xf32, #tpu.memory_space<hbm>>
      tpu.wait_indirect_dma semaphore(%arg12 : memref<!tpu.dma_semaphore, #tpu.memory_space<semaphore_mem>>) src(%dma_wait3A_324 : memref<10000x64xf32, #tpu.memory_space<hbm>>) dst(%dma_wait3A_318 : memref<128x64xf32, #tpu.memory_space<vmem>>)
      %dma_wait3A_325 = arith.constant 1 : i32
      %dma_wait3A_326 = arith.constant 1 : i32
      %dma_wait3A_327 = arith.constant 1 : i32
      %dma_wait3A_328 = arith.constant 1 : i32
      %dma_wait3A_329 = arith.constant 0 : i32
      %dma_wait3A_330 = arith.constant 0 : i32
      %dma_wait3A_331 = tpu.memref_slice %arg9[%dma_wait3A_327, %dma_wait3A_328, %dma_wait3A_329, %dma_wait3A_330] : memref<2x4x128x64xf32, #tpu.memory_space<vmem>> -> memref<1x1x128x64xf32, #tpu.memory_space<vmem>>
      %dma_wait3A_332 = tpu.memref_squeeze %dma_wait3A_331 : memref<1x1x128x64xf32, #tpu.memory_space<vmem>> -> memref<128x64xf32, #tpu.memory_space<vmem>>
      %dma_wait3A_333 = arith.constant 0 : i32
      %dma_wait3A_334 = tpu.memref_slice %arg7[%dma_wait3A_325, %dma_wait3A_326, %dma_wait3A_333] : memref<2x4x128xi32, #tpu.memory_space<vmem>> -> memref<1x1x128xi32, #tpu.memory_space<vmem>>
      %dma_wait3A_335 = tpu.memref_squeeze %dma_wait3A_334 : memref<1x1x128xi32, #tpu.memory_space<vmem>> -> memref<128xi32, #tpu.memory_space<vmem>>
      %dma_wait3A_336 = arith.constant 0 : i32
      %dma_wait3A_337 = arith.constant 0 : i32
      %dma_wait3A_338 = tpu.memref_slice %arg2[%dma_wait3A_336, %dma_wait3A_337] : memref<10000x64xf32, #tpu.memory_space<hbm>> -> memref<10000x64xf32, #tpu.memory_space<hbm>>
      tpu.wait_indirect_dma semaphore(%arg12 : memref<!tpu.dma_semaphore, #tpu.memory_space<semaphore_mem>>) src(%dma_wait3A_338 : memref<10000x64xf32, #tpu.memory_space<hbm>>) dst(%dma_wait3A_332 : memref<128x64xf32, #tpu.memory_space<vmem>>)
      %dma_wait3A_339 = arith.constant 1 : i32
      %dma_wait3A_340 = arith.constant 2 : i32
      %dma_wait3A_341 = arith.constant 1 : i32
      %dma_wait3A_342 = arith.constant 2 : i32
      %dma_wait3A_343 = arith.constant 0 : i32
      %dma_wait3A_344 = arith.constant 0 : i32
      %dma_wait3A_345 = tpu.memref_slice %arg9[%dma_wait3A_341, %dma_wait3A_342, %dma_wait3A_343, %dma_wait3A_344] : memref<2x4x128x64xf32, #tpu.memory_space<vmem>> -> memref<1x1x128x64xf32, #tpu.memory_space<vmem>>
      %dma_wait3A_346 = tpu.memref_squeeze %dma_wait3A_345 : memref<1x1x128x64xf32, #tpu.memory_space<vmem>> -> memref<128x64xf32, #tpu.memory_space<vmem>>
      %dma_wait3A_347 = arith.constant 0 : i32
      %dma_wait3A_348 = tpu.memref_slice %arg7[%dma_wait3A_339, %dma_wait3A_340, %dma_wait3A_347] : memref<2x4x128xi32, #tpu.memory_space<vmem>> -> memref<1x1x128xi32, #tpu.memory_space<vmem>>
      %dma_wait3A_349 = tpu.memref_squeeze %dma_wait3A_348 : memref<1x1x128xi32, #tpu.memory_space<vmem>> -> memref<128xi32, #tpu.memory_space<vmem>>
      %dma_wait3A_350 = arith.constant 0 : i32
      %dma_wait3A_351 = arith.constant 0 : i32
      %dma_wait3A_352 = tpu.memref_slice %arg2[%dma_wait3A_350, %dma_wait3A_351] : memref<10000x64xf32, #tpu.memory_space<hbm>> -> memref<10000x64xf32, #tpu.memory_space<hbm>>
      tpu.wait_indirect_dma semaphore(%arg12 : memref<!tpu.dma_semaphore, #tpu.memory_space<semaphore_mem>>) src(%dma_wait3A_352 : memref<10000x64xf32, #tpu.memory_space<hbm>>) dst(%dma_wait3A_346 : memref<128x64xf32, #tpu.memory_space<vmem>>)
      %dma_wait3A_353 = arith.constant 1 : i32
      %dma_wait3A_354 = arith.constant 3 : i32
      %dma_wait3A_355 = arith.constant 1 : i32
      %dma_wait3A_356 = arith.constant 3 : i32
      %dma_wait3A_357 = arith.constant 0 : i32
      %dma_wait3A_358 = arith.constant 0 : i32
      %dma_wait3A_359 = tpu.memref_slice %arg9[%dma_wait3A_355, %dma_wait3A_356, %dma_wait3A_357, %dma_wait3A_358] : memref<2x4x128x64xf32, #tpu.memory_space<vmem>> -> memref<1x1x128x64xf32, #tpu.memory_space<vmem>>
      %dma_wait3A_360 = tpu.memref_squeeze %dma_wait3A_359 : memref<1x1x128x64xf32, #tpu.memory_space<vmem>> -> memref<128x64xf32, #tpu.memory_space<vmem>>
      %dma_wait3A_361 = arith.constant 0 : i32
      %dma_wait3A_362 = tpu.memref_slice %arg7[%dma_wait3A_353, %dma_wait3A_354, %dma_wait3A_361] : memref<2x4x128xi32, #tpu.memory_space<vmem>> -> memref<1x1x128xi32, #tpu.memory_space<vmem>>
      %dma_wait3A_363 = tpu.memref_squeeze %dma_wait3A_362 : memref<1x1x128xi32, #tpu.memory_space<vmem>> -> memref<128xi32, #tpu.memory_space<vmem>>
      %dma_wait3A_364 = arith.constant 0 : i32
      %dma_wait3A_365 = arith.constant 0 : i32
      %dma_wait3A_366 = tpu.memref_slice %arg2[%dma_wait3A_364, %dma_wait3A_365] : memref<10000x64xf32, #tpu.memory_space<hbm>> -> memref<10000x64xf32, #tpu.memory_space<hbm>>
      tpu.wait_indirect_dma semaphore(%arg12 : memref<!tpu.dma_semaphore, #tpu.memory_space<semaphore_mem>>) src(%dma_wait3A_366 : memref<10000x64xf32, #tpu.memory_space<hbm>>) dst(%dma_wait3A_360 : memref<128x64xf32, #tpu.memory_space<vmem>>)
      %dma_start3A_367 = arith.constant 1 : i32
      %dma_start3A_368 = arith.constant 0 : i32
      %dma_start3A_369 = arith.constant 1 : i32
      %dma_start3A_370 = arith.constant 0 : i32
      %dma_start3A_371 = arith.constant 0 : i32
      %dma_start3A_372 = arith.constant 0 : i32
      %dma_start3A_373 = tpu.memref_slice %arg9[%dma_start3A_367, %dma_start3A_368, %dma_start3A_371, %dma_start3A_372] : memref<2x4x128x64xf32, #tpu.memory_space<vmem>> -> memref<1x1x128x64xf32, #tpu.memory_space<vmem>>
      %dma_start3A_374 = tpu.memref_squeeze %dma_start3A_373 : memref<1x1x128x64xf32, #tpu.memory_space<vmem>> -> memref<128x64xf32, #tpu.memory_space<vmem>>
      %dma_start3A_375 = arith.constant 0 : i32
      %dma_start3A_376 = tpu.memref_slice %arg8[%dma_start3A_369, %dma_start3A_370, %dma_start3A_375] : memref<2x4x128xi32, #tpu.memory_space<vmem>> -> memref<1x1x128xi32, #tpu.memory_space<vmem>>
      %dma_start3A_377 = tpu.memref_squeeze %dma_start3A_376 : memref<1x1x128xi32, #tpu.memory_space<vmem>> -> memref<128xi32, #tpu.memory_space<vmem>>
      %dma_start3A_378 = arith.constant 0 : i32
      %dma_start3A_379 = arith.constant 0 : i32
      %dma_start3A_380 = tpu.memref_slice %arg10[%dma_start3A_378, %dma_start3A_379] : memref<10240x64xf32, #tpu.memory_space<vmem_shared>> -> memref<10240x64xf32, #tpu.memory_space<vmem_shared>>
      tpu.enqueue_indirect_dma source(%dma_start3A_374 : memref<128x64xf32, #tpu.memory_space<vmem>>) target(%dma_start3A_380 : memref<10240x64xf32, #tpu.memory_space<vmem_shared>>) offsets(%dma_start3A_377 : memref<128xi32, #tpu.memory_space<vmem>>) semaphore(%arg14 : memref<!tpu.dma_semaphore, #tpu.memory_space<semaphore_mem>>) {add = true}
      %dma_start3A_381 = arith.constant 1 : i32
      %dma_start3A_382 = arith.constant 1 : i32
      %dma_start3A_383 = arith.constant 1 : i32
      %dma_start3A_384 = arith.constant 1 : i32
      %dma_start3A_385 = arith.constant 0 : i32
      %dma_start3A_386 = arith.constant 0 : i32
      %dma_start3A_387 = tpu.memref_slice %arg9[%dma_start3A_381, %dma_start3A_382, %dma_start3A_385, %dma_start3A_386] : memref<2x4x128x64xf32, #tpu.memory_space<vmem>> -> memref<1x1x128x64xf32, #tpu.memory_space<vmem>>
      %dma_start3A_388 = tpu.memref_squeeze %dma_start3A_387 : memref<1x1x128x64xf32, #tpu.memory_space<vmem>> -> memref<128x64xf32, #tpu.memory_space<vmem>>
      %dma_start3A_389 = arith.constant 0 : i32
      %dma_start3A_390 = tpu.memref_slice %arg8[%dma_start3A_383, %dma_start3A_384, %dma_start3A_389] : memref<2x4x128xi32, #tpu.memory_space<vmem>> -> memref<1x1x128xi32, #tpu.memory_space<vmem>>
      %dma_start3A_391 = tpu.memref_squeeze %dma_start3A_390 : memref<1x1x128xi32, #tpu.memory_space<vmem>> -> memref<128xi32, #tpu.memory_space<vmem>>
      %dma_start3A_392 = arith.constant 0 : i32
      %dma_start3A_393 = arith.constant 0 : i32
      %dma_start3A_394 = tpu.memref_slice %arg10[%dma_start3A_392, %dma_start3A_393] : memref<10240x64xf32, #tpu.memory_space<vmem_shared>> -> memref<10240x64xf32, #tpu.memory_space<vmem_shared>>
      tpu.enqueue_indirect_dma source(%dma_start3A_388 : memref<128x64xf32, #tpu.memory_space<vmem>>) target(%dma_start3A_394 : memref<10240x64xf32, #tpu.memory_space<vmem_shared>>) offsets(%dma_start3A_391 : memref<128xi32, #tpu.memory_space<vmem>>) semaphore(%arg14 : memref<!tpu.dma_semaphore, #tpu.memory_space<semaphore_mem>>) {add = true}
      %dma_start3A_395 = arith.constant 1 : i32
      %dma_start3A_396 = arith.constant 2 : i32
      %dma_start3A_397 = arith.constant 1 : i32
      %dma_start3A_398 = arith.constant 2 : i32
      %dma_start3A_399 = arith.constant 0 : i32
      %dma_start3A_400 = arith.constant 0 : i32
      %dma_start3A_401 = tpu.memref_slice %arg9[%dma_start3A_395, %dma_start3A_396, %dma_start3A_399, %dma_start3A_400] : memref<2x4x128x64xf32, #tpu.memory_space<vmem>> -> memref<1x1x128x64xf32, #tpu.memory_space<vmem>>
      %dma_start3A_402 = tpu.memref_squeeze %dma_start3A_401 : memref<1x1x128x64xf32, #tpu.memory_space<vmem>> -> memref<128x64xf32, #tpu.memory_space<vmem>>
      %dma_start3A_403 = arith.constant 0 : i32
      %dma_start3A_404 = tpu.memref_slice %arg8[%dma_start3A_397, %dma_start3A_398, %dma_start3A_403] : memref<2x4x128xi32, #tpu.memory_space<vmem>> -> memref<1x1x128xi32, #tpu.memory_space<vmem>>
      %dma_start3A_405 = tpu.memref_squeeze %dma_start3A_404 : memref<1x1x128xi32, #tpu.memory_space<vmem>> -> memref<128xi32, #tpu.memory_space<vmem>>
      %dma_start3A_406 = arith.constant 0 : i32
      %dma_start3A_407 = arith.constant 0 : i32
      %dma_start3A_408 = tpu.memref_slice %arg10[%dma_start3A_406, %dma_start3A_407] : memref<10240x64xf32, #tpu.memory_space<vmem_shared>> -> memref<10240x64xf32, #tpu.memory_space<vmem_shared>>
      tpu.enqueue_indirect_dma source(%dma_start3A_402 : memref<128x64xf32, #tpu.memory_space<vmem>>) target(%dma_start3A_408 : memref<10240x64xf32, #tpu.memory_space<vmem_shared>>) offsets(%dma_start3A_405 : memref<128xi32, #tpu.memory_space<vmem>>) semaphore(%arg14 : memref<!tpu.dma_semaphore, #tpu.memory_space<semaphore_mem>>) {add = true}
      %dma_start3A_409 = arith.constant 1 : i32
      %dma_start3A_410 = arith.constant 3 : i32
      %dma_start3A_411 = arith.constant 1 : i32
      %dma_start3A_412 = arith.constant 3 : i32
      %dma_start3A_413 = arith.constant 0 : i32
      %dma_start3A_414 = arith.constant 0 : i32
      %dma_start3A_415 = tpu.memref_slice %arg9[%dma_start3A_409, %dma_start3A_410, %dma_start3A_413, %dma_start3A_414] : memref<2x4x128x64xf32, #tpu.memory_space<vmem>> -> memref<1x1x128x64xf32, #tpu.memory_space<vmem>>
      %dma_start3A_416 = tpu.memref_squeeze %dma_start3A_415 : memref<1x1x128x64xf32, #tpu.memory_space<vmem>> -> memref<128x64xf32, #tpu.memory_space<vmem>>
      %dma_start3A_417 = arith.constant 0 : i32
      %dma_start3A_418 = tpu.memref_slice %arg8[%dma_start3A_411, %dma_start3A_412, %dma_start3A_417] : memref<2x4x128xi32, #tpu.memory_space<vmem>> -> memref<1x1x128xi32, #tpu.memory_space<vmem>>
      %dma_start3A_419 = tpu.memref_squeeze %dma_start3A_418 : memref<1x1x128xi32, #tpu.memory_space<vmem>> -> memref<128xi32, #tpu.memory_space<vmem>>
      %dma_start3A_420 = arith.constant 0 : i32
      %dma_start3A_421 = arith.constant 0 : i32
      %dma_start3A_422 = tpu.memref_slice %arg10[%dma_start3A_420, %dma_start3A_421] : memref<10240x64xf32, #tpu.memory_space<vmem_shared>> -> memref<10240x64xf32, #tpu.memory_space<vmem_shared>>
      tpu.enqueue_indirect_dma source(%dma_start3A_416 : memref<128x64xf32, #tpu.memory_space<vmem>>) target(%dma_start3A_422 : memref<10240x64xf32, #tpu.memory_space<vmem_shared>>) offsets(%dma_start3A_419 : memref<128xi32, #tpu.memory_space<vmem>>) semaphore(%arg14 : memref<!tpu.dma_semaphore, #tpu.memory_space<semaphore_mem>>) {add = true}
      %dma_wait3A_423 = arith.constant 0 : i32
      %dma_wait3A_424 = arith.constant 0 : i32
      %dma_wait3A_425 = arith.constant 0 : i32
      %dma_wait3A_426 = arith.constant 0 : i32
      %dma_wait3A_427 = arith.constant 0 : i32
      %dma_wait3A_428 = arith.constant 0 : i32
      %dma_wait3A_429 = tpu.memref_slice %arg9[%dma_wait3A_423, %dma_wait3A_424, %dma_wait3A_427, %dma_wait3A_428] : memref<2x4x128x64xf32, #tpu.memory_space<vmem>> -> memref<1x1x128x64xf32, #tpu.memory_space<vmem>>
      %dma_wait3A_430 = tpu.memref_squeeze %dma_wait3A_429 : memref<1x1x128x64xf32, #tpu.memory_space<vmem>> -> memref<128x64xf32, #tpu.memory_space<vmem>>
      %dma_wait3A_431 = arith.constant 0 : i32
      %dma_wait3A_432 = tpu.memref_slice %arg8[%dma_wait3A_425, %dma_wait3A_426, %dma_wait3A_431] : memref<2x4x128xi32, #tpu.memory_space<vmem>> -> memref<1x1x128xi32, #tpu.memory_space<vmem>>
      %dma_wait3A_433 = tpu.memref_squeeze %dma_wait3A_432 : memref<1x1x128xi32, #tpu.memory_space<vmem>> -> memref<128xi32, #tpu.memory_space<vmem>>
      %dma_wait3A_434 = arith.constant 0 : i32
      %dma_wait3A_435 = arith.constant 0 : i32
      %dma_wait3A_436 = tpu.memref_slice %arg10[%dma_wait3A_434, %dma_wait3A_435] : memref<10240x64xf32, #tpu.memory_space<vmem_shared>> -> memref<10240x64xf32, #tpu.memory_space<vmem_shared>>
      tpu.wait_indirect_dma semaphore(%arg13 : memref<!tpu.dma_semaphore, #tpu.memory_space<semaphore_mem>>) src(%dma_wait3A_430 : memref<128x64xf32, #tpu.memory_space<vmem>>) dst(%dma_wait3A_436 : memref<10240x64xf32, #tpu.memory_space<vmem_shared>>)
      %dma_wait3A_437 = arith.constant 0 : i32
      %dma_wait3A_438 = arith.constant 1 : i32
      %dma_wait3A_439 = arith.constant 0 : i32
      %dma_wait3A_440 = arith.constant 1 : i32
      %dma_wait3A_441 = arith.constant 0 : i32
      %dma_wait3A_442 = arith.constant 0 : i32
      %dma_wait3A_443 = tpu.memref_slice %arg9[%dma_wait3A_437, %dma_wait3A_438, %dma_wait3A_441, %dma_wait3A_442] : memref<2x4x128x64xf32, #tpu.memory_space<vmem>> -> memref<1x1x128x64xf32, #tpu.memory_space<vmem>>
      %dma_wait3A_444 = tpu.memref_squeeze %dma_wait3A_443 : memref<1x1x128x64xf32, #tpu.memory_space<vmem>> -> memref<128x64xf32, #tpu.memory_space<vmem>>
      %dma_wait3A_445 = arith.constant 0 : i32
      %dma_wait3A_446 = tpu.memref_slice %arg8[%dma_wait3A_439, %dma_wait3A_440, %dma_wait3A_445] : memref<2x4x128xi32, #tpu.memory_space<vmem>> -> memref<1x1x128xi32, #tpu.memory_space<vmem>>
      %dma_wait3A_447 = tpu.memref_squeeze %dma_wait3A_446 : memref<1x1x128xi32, #tpu.memory_space<vmem>> -> memref<128xi32, #tpu.memory_space<vmem>>
      %dma_wait3A_448 = arith.constant 0 : i32
      %dma_wait3A_449 = arith.constant 0 : i32
      %dma_wait3A_450 = tpu.memref_slice %arg10[%dma_wait3A_448, %dma_wait3A_449] : memref<10240x64xf32, #tpu.memory_space<vmem_shared>> -> memref<10240x64xf32, #tpu.memory_space<vmem_shared>>
      tpu.wait_indirect_dma semaphore(%arg13 : memref<!tpu.dma_semaphore, #tpu.memory_space<semaphore_mem>>) src(%dma_wait3A_444 : memref<128x64xf32, #tpu.memory_space<vmem>>) dst(%dma_wait3A_450 : memref<10240x64xf32, #tpu.memory_space<vmem_shared>>)
      %dma_wait3A_451 = arith.constant 0 : i32
      %dma_wait3A_452 = arith.constant 2 : i32
      %dma_wait3A_453 = arith.constant 0 : i32
      %dma_wait3A_454 = arith.constant 2 : i32
      %dma_wait3A_455 = arith.constant 0 : i32
      %dma_wait3A_456 = arith.constant 0 : i32
      %dma_wait3A_457 = tpu.memref_slice %arg9[%dma_wait3A_451, %dma_wait3A_452, %dma_wait3A_455, %dma_wait3A_456] : memref<2x4x128x64xf32, #tpu.memory_space<vmem>> -> memref<1x1x128x64xf32, #tpu.memory_space<vmem>>
      %dma_wait3A_458 = tpu.memref_squeeze %dma_wait3A_457 : memref<1x1x128x64xf32, #tpu.memory_space<vmem>> -> memref<128x64xf32, #tpu.memory_space<vmem>>
      %dma_wait3A_459 = arith.constant 0 : i32
      %dma_wait3A_460 = tpu.memref_slice %arg8[%dma_wait3A_453, %dma_wait3A_454, %dma_wait3A_459] : memref<2x4x128xi32, #tpu.memory_space<vmem>> -> memref<1x1x128xi32, #tpu.memory_space<vmem>>
      %dma_wait3A_461 = tpu.memref_squeeze %dma_wait3A_460 : memref<1x1x128xi32, #tpu.memory_space<vmem>> -> memref<128xi32, #tpu.memory_space<vmem>>
      %dma_wait3A_462 = arith.constant 0 : i32
      %dma_wait3A_463 = arith.constant 0 : i32
      %dma_wait3A_464 = tpu.memref_slice %arg10[%dma_wait3A_462, %dma_wait3A_463] : memref<10240x64xf32, #tpu.memory_space<vmem_shared>> -> memref<10240x64xf32, #tpu.memory_space<vmem_shared>>
      tpu.wait_indirect_dma semaphore(%arg13 : memref<!tpu.dma_semaphore, #tpu.memory_space<semaphore_mem>>) src(%dma_wait3A_458 : memref<128x64xf32, #tpu.memory_space<vmem>>) dst(%dma_wait3A_464 : memref<10240x64xf32, #tpu.memory_space<vmem_shared>>)
      %dma_wait3A_465 = arith.constant 0 : i32
      %dma_wait3A_466 = arith.constant 3 : i32
      %dma_wait3A_467 = arith.constant 0 : i32
      %dma_wait3A_468 = arith.constant 3 : i32
      %dma_wait3A_469 = arith.constant 0 : i32
      %dma_wait3A_470 = arith.constant 0 : i32
      %dma_wait3A_471 = tpu.memref_slice %arg9[%dma_wait3A_465, %dma_wait3A_466, %dma_wait3A_469, %dma_wait3A_470] : memref<2x4x128x64xf32, #tpu.memory_space<vmem>> -> memref<1x1x128x64xf32, #tpu.memory_space<vmem>>
      %dma_wait3A_472 = tpu.memref_squeeze %dma_wait3A_471 : memref<1x1x128x64xf32, #tpu.memory_space<vmem>> -> memref<128x64xf32, #tpu.memory_space<vmem>>
      %dma_wait3A_473 = arith.constant 0 : i32
      %dma_wait3A_474 = tpu.memref_slice %arg8[%dma_wait3A_467, %dma_wait3A_468, %dma_wait3A_473] : memref<2x4x128xi32, #tpu.memory_space<vmem>> -> memref<1x1x128xi32, #tpu.memory_space<vmem>>
      %dma_wait3A_475 = tpu.memref_squeeze %dma_wait3A_474 : memref<1x1x128xi32, #tpu.memory_space<vmem>> -> memref<128xi32, #tpu.memory_space<vmem>>
      %dma_wait3A_476 = arith.constant 0 : i32
      %dma_wait3A_477 = arith.constant 0 : i32
      %dma_wait3A_478 = tpu.memref_slice %arg10[%dma_wait3A_476, %dma_wait3A_477] : memref<10240x64xf32, #tpu.memory_space<vmem_shared>> -> memref<10240x64xf32, #tpu.memory_space<vmem_shared>>
      tpu.wait_indirect_dma semaphore(%arg13 : memref<!tpu.dma_semaphore, #tpu.memory_space<semaphore_mem>>) src(%dma_wait3A_472 : memref<128x64xf32, #tpu.memory_space<vmem>>) dst(%dma_wait3A_478 : memref<10240x64xf32, #tpu.memory_space<vmem_shared>>)
      %dma_wait3A_479 = arith.constant 1 : i32
      %dma_wait3A_480 = arith.constant 0 : i32
      %dma_wait3A_481 = arith.constant 1 : i32
      %dma_wait3A_482 = arith.constant 0 : i32
      %dma_wait3A_483 = arith.constant 0 : i32
      %dma_wait3A_484 = arith.constant 0 : i32
      %dma_wait3A_485 = tpu.memref_slice %arg9[%dma_wait3A_479, %dma_wait3A_480, %dma_wait3A_483, %dma_wait3A_484] : memref<2x4x128x64xf32, #tpu.memory_space<vmem>> -> memref<1x1x128x64xf32, #tpu.memory_space<vmem>>
      %dma_wait3A_486 = tpu.memref_squeeze %dma_wait3A_485 : memref<1x1x128x64xf32, #tpu.memory_space<vmem>> -> memref<128x64xf32, #tpu.memory_space<vmem>>
      %dma_wait3A_487 = arith.constant 0 : i32
      %dma_wait3A_488 = tpu.memref_slice %arg8[%dma_wait3A_481, %dma_wait3A_482, %dma_wait3A_487] : memref<2x4x128xi32, #tpu.memory_space<vmem>> -> memref<1x1x128xi32, #tpu.memory_space<vmem>>
      %dma_wait3A_489 = tpu.memref_squeeze %dma_wait3A_488 : memref<1x1x128xi32, #tpu.memory_space<vmem>> -> memref<128xi32, #tpu.memory_space<vmem>>
      %dma_wait3A_490 = arith.constant 0 : i32
      %dma_wait3A_491 = arith.constant 0 : i32
      %dma_wait3A_492 = tpu.memref_slice %arg10[%dma_wait3A_490, %dma_wait3A_491] : memref<10240x64xf32, #tpu.memory_space<vmem_shared>> -> memref<10240x64xf32, #tpu.memory_space<vmem_shared>>
      tpu.wait_indirect_dma semaphore(%arg14 : memref<!tpu.dma_semaphore, #tpu.memory_space<semaphore_mem>>) src(%dma_wait3A_486 : memref<128x64xf32, #tpu.memory_space<vmem>>) dst(%dma_wait3A_492 : memref<10240x64xf32, #tpu.memory_space<vmem_shared>>)
      %dma_wait3A_493 = arith.constant 1 : i32
      %dma_wait3A_494 = arith.constant 1 : i32
      %dma_wait3A_495 = arith.constant 1 : i32
      %dma_wait3A_496 = arith.constant 1 : i32
      %dma_wait3A_497 = arith.constant 0 : i32
      %dma_wait3A_498 = arith.constant 0 : i32
      %dma_wait3A_499 = tpu.memref_slice %arg9[%dma_wait3A_493, %dma_wait3A_494, %dma_wait3A_497, %dma_wait3A_498] : memref<2x4x128x64xf32, #tpu.memory_space<vmem>> -> memref<1x1x128x64xf32, #tpu.memory_space<vmem>>
      %dma_wait3A_500 = tpu.memref_squeeze %dma_wait3A_499 : memref<1x1x128x64xf32, #tpu.memory_space<vmem>> -> memref<128x64xf32, #tpu.memory_space<vmem>>
      %dma_wait3A_501 = arith.constant 0 : i32
      %dma_wait3A_502 = tpu.memref_slice %arg8[%dma_wait3A_495, %dma_wait3A_496, %dma_wait3A_501] : memref<2x4x128xi32, #tpu.memory_space<vmem>> -> memref<1x1x128xi32, #tpu.memory_space<vmem>>
      %dma_wait3A_503 = tpu.memref_squeeze %dma_wait3A_502 : memref<1x1x128xi32, #tpu.memory_space<vmem>> -> memref<128xi32, #tpu.memory_space<vmem>>
      %dma_wait3A_504 = arith.constant 0 : i32
      %dma_wait3A_505 = arith.constant 0 : i32
      %dma_wait3A_506 = tpu.memref_slice %arg10[%dma_wait3A_504, %dma_wait3A_505] : memref<10240x64xf32, #tpu.memory_space<vmem_shared>> -> memref<10240x64xf32, #tpu.memory_space<vmem_shared>>
      tpu.wait_indirect_dma semaphore(%arg14 : memref<!tpu.dma_semaphore, #tpu.memory_space<semaphore_mem>>) src(%dma_wait3A_500 : memref<128x64xf32, #tpu.memory_space<vmem>>) dst(%dma_wait3A_506 : memref<10240x64xf32, #tpu.memory_space<vmem_shared>>)
      %dma_wait3A_507 = arith.constant 1 : i32
      %dma_wait3A_508 = arith.constant 2 : i32
      %dma_wait3A_509 = arith.constant 1 : i32
      %dma_wait3A_510 = arith.constant 2 : i32
      %dma_wait3A_511 = arith.constant 0 : i32
      %dma_wait3A_512 = arith.constant 0 : i32
      %dma_wait3A_513 = tpu.memref_slice %arg9[%dma_wait3A_507, %dma_wait3A_508, %dma_wait3A_511, %dma_wait3A_512] : memref<2x4x128x64xf32, #tpu.memory_space<vmem>> -> memref<1x1x128x64xf32, #tpu.memory_space<vmem>>
      %dma_wait3A_514 = tpu.memref_squeeze %dma_wait3A_513 : memref<1x1x128x64xf32, #tpu.memory_space<vmem>> -> memref<128x64xf32, #tpu.memory_space<vmem>>
      %dma_wait3A_515 = arith.constant 0 : i32
      %dma_wait3A_516 = tpu.memref_slice %arg8[%dma_wait3A_509, %dma_wait3A_510, %dma_wait3A_515] : memref<2x4x128xi32, #tpu.memory_space<vmem>> -> memref<1x1x128xi32, #tpu.memory_space<vmem>>
      %dma_wait3A_517 = tpu.memref_squeeze %dma_wait3A_516 : memref<1x1x128xi32, #tpu.memory_space<vmem>> -> memref<128xi32, #tpu.memory_space<vmem>>
      %dma_wait3A_518 = arith.constant 0 : i32
      %dma_wait3A_519 = arith.constant 0 : i32
      %dma_wait3A_520 = tpu.memref_slice %arg10[%dma_wait3A_518, %dma_wait3A_519] : memref<10240x64xf32, #tpu.memory_space<vmem_shared>> -> memref<10240x64xf32, #tpu.memory_space<vmem_shared>>
      tpu.wait_indirect_dma semaphore(%arg14 : memref<!tpu.dma_semaphore, #tpu.memory_space<semaphore_mem>>) src(%dma_wait3A_514 : memref<128x64xf32, #tpu.memory_space<vmem>>) dst(%dma_wait3A_520 : memref<10240x64xf32, #tpu.memory_space<vmem_shared>>)
      %dma_wait3A_521 = arith.constant 1 : i32
      %dma_wait3A_522 = arith.constant 3 : i32
      %dma_wait3A_523 = arith.constant 1 : i32
      %dma_wait3A_524 = arith.constant 3 : i32
      %dma_wait3A_525 = arith.constant 0 : i32
      %dma_wait3A_526 = arith.constant 0 : i32
      %dma_wait3A_527 = tpu.memref_slice %arg9[%dma_wait3A_521, %dma_wait3A_522, %dma_wait3A_525, %dma_wait3A_526] : memref<2x4x128x64xf32, #tpu.memory_space<vmem>> -> memref<1x1x128x64xf32, #tpu.memory_space<vmem>>
      %dma_wait3A_528 = tpu.memref_squeeze %dma_wait3A_527 : memref<1x1x128x64xf32, #tpu.memory_space<vmem>> -> memref<128x64xf32, #tpu.memory_space<vmem>>
      %dma_wait3A_529 = arith.constant 0 : i32
      %dma_wait3A_530 = tpu.memref_slice %arg8[%dma_wait3A_523, %dma_wait3A_524, %dma_wait3A_529] : memref<2x4x128xi32, #tpu.memory_space<vmem>> -> memref<1x1x128xi32, #tpu.memory_space<vmem>>
      %dma_wait3A_531 = tpu.memref_squeeze %dma_wait3A_530 : memref<1x1x128xi32, #tpu.memory_space<vmem>> -> memref<128xi32, #tpu.memory_space<vmem>>
      %dma_wait3A_532 = arith.constant 0 : i32
      %dma_wait3A_533 = arith.constant 0 : i32
      %dma_wait3A_534 = tpu.memref_slice %arg10[%dma_wait3A_532, %dma_wait3A_533] : memref<10240x64xf32, #tpu.memory_space<vmem_shared>> -> memref<10240x64xf32, #tpu.memory_space<vmem_shared>>
      tpu.wait_indirect_dma semaphore(%arg14 : memref<!tpu.dma_semaphore, #tpu.memory_space<semaphore_mem>>) src(%dma_wait3A_528 : memref<128x64xf32, #tpu.memory_space<vmem>>) dst(%dma_wait3A_534 : memref<10240x64xf32, #tpu.memory_space<vmem_shared>>)
    }
    %scan3A_7 = arith.constant 10 : i32
    %barrier3A_8 = arith.constant 0 : index
    tpu.barrier barrier_id(%barrier3A_8)
    %mul3A_9 = arith.constant 640 : i32
    %mul3A_10 = arith.muli %arg1, %mul3A_9 : i32
    %mul3A_11 = arith.constant 640 : i32
    %mul3A_12 = arith.muli %arg1, %mul3A_11 : i32
    "tpu.region"() ({
      %run_scoped3A = tpu.sem_alloc : memref<!tpu.dma_semaphore, #tpu.memory_space<semaphore_mem>>
      %dma_start3A = arith.constant 0 : i32
      %dma_start3A_13 = tpu.memref_slice %arg6[%arg0, %mul3A_12, %dma_start3A] : memref<2x10240x64xf32, #tpu.memory_space<hbm>> -> memref<1x640x64xf32, #tpu.memory_space<hbm>>
      %dma_start3A_14 = tpu.memref_squeeze %dma_start3A_13 : memref<1x640x64xf32, #tpu.memory_space<hbm>> -> memref<640x64xf32, #tpu.memory_space<hbm>>
      %dma_start3A_15 = arith.constant 0 : i32
      %dma_start3A_16 = tpu.memref_slice %arg10[%mul3A_10, %dma_start3A_15] : memref<10240x64xf32, #tpu.memory_space<vmem_shared>> -> memref<640x64xf32, #tpu.memory_space<vmem_shared>>
      tpu.enqueue_dma source(%dma_start3A_16 : memref<640x64xf32, #tpu.memory_space<vmem_shared>>) target(%dma_start3A_14 : memref<640x64xf32, #tpu.memory_space<hbm>>) target_semaphore(%run_scoped3A : memref<!tpu.dma_semaphore, #tpu.memory_space<semaphore_mem>>)
      %dma_wait3A = arith.constant 0 : i32
      %dma_wait3A_17 = tpu.memref_slice %arg6[%arg0, %mul3A_12, %dma_wait3A] : memref<2x10240x64xf32, #tpu.memory_space<hbm>> -> memref<1x640x64xf32, #tpu.memory_space<hbm>>
      %dma_wait3A_18 = tpu.memref_squeeze %dma_wait3A_17 : memref<1x640x64xf32, #tpu.memory_space<hbm>> -> memref<640x64xf32, #tpu.memory_space<hbm>>
      %dma_wait3A_19 = arith.constant 0 : i32
      %dma_wait3A_20 = tpu.memref_slice %arg10[%mul3A_10, %dma_wait3A_19] : memref<10240x64xf32, #tpu.memory_space<vmem_shared>> -> memref<640x64xf32, #tpu.memory_space<vmem_shared>>
      tpu.wait_dma2 semaphore(%run_scoped3A : memref<!tpu.dma_semaphore, #tpu.memory_space<semaphore_mem>>) src(%dma_wait3A_20 : memref<640x64xf32, #tpu.memory_space<vmem_shared>>) dst(%dma_wait3A_18 : memref<640x64xf32, #tpu.memory_space<hbm>>)
      tpu.yield
    }) : () -> ()
    return
  }
}

module attributes {stable_mosaic.version = 14 : i64} {
  func.func @_mm2_body(%arg0: memref<10000x128xf32, #tpu.memory_space<vmem>>, %arg1: memref<128x64xf32, #tpu.memory_space<vmem>>, %arg2: memref<128x64xf32, #tpu.memory_space<vmem>>, %arg3: memref<10000x64xf32, #tpu.memory_space<vmem>>, %arg4: memref<10000x64xf32, #tpu.memory_space<vmem>>) attributes {dimension_semantics = [], scalar_prefetch = 0 : i64, scratch_operands = 0 : i64, tpu.core_type = #tpu.core_type<tc>} {
    %get3A = arith.constant 0 : index
    %get3A_0 = arith.constant 0 : index
    %get3A_1 = vector.load %arg0[%get3A, %get3A_0] : memref<10000x128xf32, #tpu.memory_space<vmem>>, vector<10000x128xf32>
    %get3A_2 = arith.constant 0 : index
    %get3A_3 = arith.constant 0 : index
    %get3A_4 = vector.load %arg1[%get3A_2, %get3A_3] : memref<128x64xf32, #tpu.memory_space<vmem>>, vector<128x64xf32>
    %dot_general3A = arith.constant dense<0.000000e+00> : vector<10000x64xf32>
    %dot_general3A_5 = tpu.matmul %get3A_1, %get3A_4, %dot_general3A {dimension_numbers = #tpu.dot_dimension_numbers<[1], [0], [0], [1], [0, 0, 1, 1], [], []>, transpose_lhs_hint = false} : vector<10000x128xf32>, vector<128x64xf32>, vector<10000x64xf32> -> vector<10000x64xf32>
    %swap3A = arith.constant 0 : index
    %swap3A_6 = arith.constant 0 : index
    %swap3A_7 = vector.load %arg3[%swap3A, %swap3A_6] : memref<10000x64xf32, #tpu.memory_space<vmem>>, vector<10000x64xf32>
    tpu.vector_store %arg3[%swap3A, %swap3A_6], %dot_general3A_5 {strides = array<i32>} : memref<10000x64xf32, #tpu.memory_space<vmem>>, vector<10000x64xf32>,
    %get3A_8 = arith.constant 0 : index
    %get3A_9 = arith.constant 0 : index
    %get3A_10 = vector.load %arg2[%get3A_8, %get3A_9] : memref<128x64xf32, #tpu.memory_space<vmem>>, vector<128x64xf32>
    %dot_general3A_11 = arith.constant dense<0.000000e+00> : vector<10000x64xf32>
    %dot_general3A_12 = tpu.matmul %get3A_1, %get3A_10, %dot_general3A_11 {dimension_numbers = #tpu.dot_dimension_numbers<[1], [0], [0], [1], [0, 0, 1, 1], [], []>, transpose_lhs_hint = false} : vector<10000x128xf32>, vector<128x64xf32>, vector<10000x64xf32> -> vector<10000x64xf32>
    %swap3A_13 = arith.constant 0 : index
    %swap3A_14 = arith.constant 0 : index
    %swap3A_15 = vector.load %arg4[%swap3A_13, %swap3A_14] : memref<10000x64xf32, #tpu.memory_space<vmem>>, vector<10000x64xf32>
    tpu.vector_store %arg4[%swap3A_13, %swap3A_14], %dot_general3A_12 {strides = array<i32>} : memref<10000x64xf32, #tpu.memory_space<vmem>>, vector<10000x64xf32>,
    return
  }
}

module attributes {stable_mosaic.version = 14 : i64} {
  func.func @_mid_body(%arg0: memref<2x10240x64xf32, #tpu.memory_space<vmem>>, %arg1: memref<2x10240x16xf32, #tpu.memory_space<vmem>>, %arg2: memref<1x64xf32, #tpu.memory_space<vmem>>, %arg3: memref<10000x64xf32, #tpu.memory_space<vmem>>, %arg4: memref<64x64xf32, #tpu.memory_space<vmem>>, %arg5: memref<64x64xf32, #tpu.memory_space<vmem>>, %arg6: memref<10000x64xf32, #tpu.memory_space<vmem>>, %arg7: memref<10000x64xf32, #tpu.memory_space<vmem>>, %arg8: memref<10000x16xf32, #tpu.memory_space<vmem>>) attributes {dimension_semantics = [], scalar_prefetch = 0 : i64, scratch_operands = 0 : i64, tpu.core_type = #tpu.core_type<tc>} {
    %get3A = arith.constant 0 : index
    %get3A_0 = arith.constant 0 : index
    %get3A_1 = arith.constant 0 : index
    %get3A_2 = vector.load %arg0[%get3A, %get3A_0, %get3A_1] : memref<2x10240x64xf32, #tpu.memory_space<vmem>>, vector<1x10000x64xf32>
    %get3A_3 = vector.shape_cast %get3A_2 : vector<1x10000x64xf32> to vector<10000x64xf32>
    %get3A_4 = arith.constant 1 : index
    %get3A_5 = arith.constant 0 : index
    %get3A_6 = arith.constant 0 : index
    %get3A_7 = vector.load %arg0[%get3A_4, %get3A_5, %get3A_6] : memref<2x10240x64xf32, #tpu.memory_space<vmem>>, vector<1x10000x64xf32>
    %get3A_8 = vector.shape_cast %get3A_7 : vector<1x10000x64xf32> to vector<10000x64xf32>
    %add3A = arith.addf %get3A_3, %get3A_8 : vector<10000x64xf32>
    %get3A_9 = arith.constant 0 : index
    %get3A_10 = arith.constant 0 : index
    %get3A_11 = arith.constant 0 : index
    %get3A_12 = vector.load %arg1[%get3A_9, %get3A_10, %get3A_11] : memref<2x10240x16xf32, #tpu.memory_space<vmem>>, vector<1x10000x1xf32>
    %get3A_13 = vector.shape_cast %get3A_12 : vector<1x10000x1xf32> to vector<10000x1xf32>
    %get3A_14 = arith.constant 1 : index
    %get3A_15 = arith.constant 0 : index
    %get3A_16 = arith.constant 0 : index
    %get3A_17 = vector.load %arg1[%get3A_14, %get3A_15, %get3A_16] : memref<2x10240x16xf32, #tpu.memory_space<vmem>>, vector<1x10000x1xf32>
    %get3A_18 = vector.shape_cast %get3A_17 : vector<1x10000x1xf32> to vector<10000x1xf32>
    %add3A_19 = arith.addf %get3A_13, %get3A_18 : vector<10000x1xf32>
    %max3A = arith.constant 1.000000e+00 : f32
    %max3A_20 = vector.broadcast %max3A : f32 to vector<10000x1xf32>
    %max3A_21 = arith.maximumf %add3A_19, %max3A_20 : vector<10000x1xf32>
    %div3A = vector.broadcast %max3A_21 : vector<10000x1xf32> to vector<10000x64xf32>
    %div3A_22 = arith.divf %add3A, %div3A : vector<10000x64xf32>
    %get3A_23 = arith.constant 0 : index
    %get3A_24 = arith.constant 0 : index
    %get3A_25 = vector.load %arg2[%get3A_23, %get3A_24] : memref<1x64xf32, #tpu.memory_space<vmem>>, vector<1x64xf32>
    %add3A_26 = vector.broadcast %get3A_25 : vector<1x64xf32> to vector<10000x64xf32>
    %add3A_27 = arith.addf %div3A_22, %add3A_26 : vector<10000x64xf32>
    %get3A_28 = arith.constant 0 : index
    %get3A_29 = arith.constant 0 : index
    %get3A_30 = vector.load %arg3[%get3A_28, %get3A_29] : memref<10000x64xf32, #tpu.memory_space<vmem>>, vector<10000x64xf32>
    %add3A_31 = arith.addf %add3A_27, %get3A_30 : vector<10000x64xf32>
    %max3A_32 = arith.constant 0.000000e+00 : f32
    %max3A_33 = vector.broadcast %max3A_32 : f32 to vector<10000x64xf32>
    %max3A_34 = arith.maximumf %add3A_31, %max3A_33 : vector<10000x64xf32>
    %get3A_35 = arith.constant 0 : index
    %get3A_36 = arith.constant 0 : index
    %get3A_37 = vector.load %arg4[%get3A_35, %get3A_36] : memref<64x64xf32, #tpu.memory_space<vmem>>, vector<64x64xf32>
    %dot_general3A = arith.constant dense<0.000000e+00> : vector<10000x64xf32>
    %dot_general3A_38 = tpu.matmul %max3A_34, %get3A_37, %dot_general3A {dimension_numbers = #tpu.dot_dimension_numbers<[1], [0], [0], [1], [0, 0, 1, 1], [], []>, transpose_lhs_hint = false} : vector<10000x64xf32>, vector<64x64xf32>, vector<10000x64xf32> -> vector<10000x64xf32>
    %swap3A = arith.constant 0 : index
    %swap3A_39 = arith.constant 0 : index
    %swap3A_40 = vector.load %arg6[%swap3A, %swap3A_39] : memref<10000x64xf32, #tpu.memory_space<vmem>>, vector<10000x64xf32>
    tpu.vector_store %arg6[%swap3A, %swap3A_39], %dot_general3A_38 {strides = array<i32>} : memref<10000x64xf32, #tpu.memory_space<vmem>>, vector<10000x64xf32>,
    %get3A_41 = arith.constant 0 : index
    %get3A_42 = arith.constant 0 : index
    %get3A_43 = vector.load %arg5[%get3A_41, %get3A_42] : memref<64x64xf32, #tpu.memory_space<vmem>>, vector<64x64xf32>
    %dot_general3A_44 = arith.constant dense<0.000000e+00> : vector<10000x64xf32>
    %dot_general3A_45 = tpu.matmul %max3A_34, %get3A_43, %dot_general3A_44 {dimension_numbers = #tpu.dot_dimension_numbers<[1], [0], [0], [1], [0, 0, 1, 1], [], []>, transpose_lhs_hint = false} : vector<10000x64xf32>, vector<64x64xf32>, vector<10000x64xf32> -> vector<10000x64xf32>
    %swap3A_46 = arith.constant 0 : index
    %swap3A_47 = arith.constant 0 : index
    %swap3A_48 = vector.load %arg7[%swap3A_46, %swap3A_47] : memref<10000x64xf32, #tpu.memory_space<vmem>>, vector<10000x64xf32>
    tpu.vector_store %arg7[%swap3A_46, %swap3A_47], %dot_general3A_45 {strides = array<i32>} : memref<10000x64xf32, #tpu.memory_space<vmem>>, vector<10000x64xf32>,
    %broadcast_in_dim3A = vector.shape_cast %max3A_21 : vector<10000x1xf32> to vector<10000x1xf32>
    %broadcast_in_dim3A_49 = vector.broadcast %broadcast_in_dim3A : vector<10000x1xf32> to vector<10000x16xf32>
    %swap3A_50 = arith.constant 0 : index
    %swap3A_51 = arith.constant 0 : index
    %swap3A_52 = vector.load %arg8[%swap3A_50, %swap3A_51] : memref<10000x16xf32, #tpu.memory_space<vmem>>, vector<10000x16xf32>
    tpu.vector_store %arg8[%swap3A_50, %swap3A_51], %broadcast_in_dim3A_49 {strides = array<i32>} : memref<10000x16xf32, #tpu.memory_space<vmem>>, vector<10000x16xf32>,
    return
  }
}

module attributes {stable_mosaic.version = 14 : i64} {
  func.func @_fin_body(%arg0: memref<2x10240x64xf32, #tpu.memory_space<vmem>>, %arg1: memref<10000x16xf32, #tpu.memory_space<vmem>>, %arg2: memref<1x64xf32, #tpu.memory_space<vmem>>, %arg3: memref<10000x64xf32, #tpu.memory_space<vmem>>, %arg4: memref<64x128xf32, #tpu.memory_space<vmem>>, %arg5: memref<1x128xf32, #tpu.memory_space<vmem>>, %arg6: memref<10000x128xf32, #tpu.memory_space<vmem>>) attributes {dimension_semantics = [], scalar_prefetch = 0 : i64, scratch_operands = 0 : i64, tpu.core_type = #tpu.core_type<tc>} {
    %get3A = arith.constant 0 : index
    %get3A_0 = arith.constant 0 : index
    %get3A_1 = arith.constant 0 : index
    %get3A_2 = vector.load %arg0[%get3A, %get3A_0, %get3A_1] : memref<2x10240x64xf32, #tpu.memory_space<vmem>>, vector<1x10000x64xf32>
    %get3A_3 = vector.shape_cast %get3A_2 : vector<1x10000x64xf32> to vector<10000x64xf32>
    %get3A_4 = arith.constant 1 : index
    %get3A_5 = arith.constant 0 : index
    %get3A_6 = arith.constant 0 : index
    %get3A_7 = vector.load %arg0[%get3A_4, %get3A_5, %get3A_6] : memref<2x10240x64xf32, #tpu.memory_space<vmem>>, vector<1x10000x64xf32>
    %get3A_8 = vector.shape_cast %get3A_7 : vector<1x10000x64xf32> to vector<10000x64xf32>
    %add3A = arith.addf %get3A_3, %get3A_8 : vector<10000x64xf32>
    %get3A_9 = arith.constant 0 : index
    %get3A_10 = arith.constant 0 : index
    %get3A_11 = vector.load %arg1[%get3A_9, %get3A_10] : memref<10000x16xf32, #tpu.memory_space<vmem>>, vector<10000x1xf32>
    %div3A = vector.broadcast %get3A_11 : vector<10000x1xf32> to vector<10000x64xf32>
    %div3A_12 = arith.divf %add3A, %div3A : vector<10000x64xf32>
    %get3A_13 = arith.constant 0 : index
    %get3A_14 = arith.constant 0 : index
    %get3A_15 = vector.load %arg2[%get3A_13, %get3A_14] : memref<1x64xf32, #tpu.memory_space<vmem>>, vector<1x64xf32>
    %add3A_16 = vector.broadcast %get3A_15 : vector<1x64xf32> to vector<10000x64xf32>
    %add3A_17 = arith.addf %div3A_12, %add3A_16 : vector<10000x64xf32>
    %get3A_18 = arith.constant 0 : index
    %get3A_19 = arith.constant 0 : index
    %get3A_20 = vector.load %arg3[%get3A_18, %get3A_19] : memref<10000x64xf32, #tpu.memory_space<vmem>>, vector<10000x64xf32>
    %add3A_21 = arith.addf %add3A_17, %get3A_20 : vector<10000x64xf32>
    %max3A = arith.constant 0.000000e+00 : f32
    %max3A_22 = vector.broadcast %max3A : f32 to vector<10000x64xf32>
    %max3A_23 = arith.maximumf %add3A_21, %max3A_22 : vector<10000x64xf32>
    %get3A_24 = arith.constant 0 : index
    %get3A_25 = arith.constant 0 : index
    %get3A_26 = vector.load %arg4[%get3A_24, %get3A_25] : memref<64x128xf32, #tpu.memory_space<vmem>>, vector<64x128xf32>
    %dot_general3A = arith.constant dense<0.000000e+00> : vector<10000x128xf32>
    %dot_general3A_27 = tpu.matmul %max3A_23, %get3A_26, %dot_general3A {dimension_numbers = #tpu.dot_dimension_numbers<[1], [0], [0], [1], [0, 0, 1, 1], [], []>, transpose_lhs_hint = false} : vector<10000x64xf32>, vector<64x128xf32>, vector<10000x128xf32> -> vector<10000x128xf32>
    %get3A_28 = arith.constant 0 : index
    %get3A_29 = arith.constant 0 : index
    %get3A_30 = vector.load %arg5[%get3A_28, %get3A_29] : memref<1x128xf32, #tpu.memory_space<vmem>>, vector<1x128xf32>
    %add3A_31 = vector.broadcast %get3A_30 : vector<1x128xf32> to vector<10000x128xf32>
    %add3A_32 = arith.addf %dot_general3A_27, %add3A_31 : vector<10000x128xf32>
    %swap3A = arith.constant 0 : index
    %swap3A_33 = arith.constant 0 : index
    %swap3A_34 = vector.load %arg6[%swap3A, %swap3A_33] : memref<10000x128xf32, #tpu.memory_space<vmem>>, vector<10000x128xf32>
    tpu.vector_store %arg6[%swap3A, %swap3A_33], %add3A_32 {strides = array<i32>} : memref<10000x128xf32, #tpu.memory_space<vmem>>, vector<10000x128xf32>,
    return
  }
}

</mosaic_0001>

<sc_bundles>
// kernel: kernel.10.cloned.1.call-start
scs
__scs_entry_jumppad:
0x0: {  	(pc) =	sbr.rel $0x88, $3  }
0x1: {  	(tag) =	ssettag $0x0;
	lr =	simm.s32 $0x1  }
0x2: {  	[smem:$0x3F97] =	sst lr;
	_ =	strace $0xD0000000  }
0x3: {  	_ = 	snop  }
0x4: {  	_ = 	snop  }
0x5: {  	_ = 	snop  }
0x6: {  	_ = 	snop  }
0x7: {  	_ = 	snop  }
__scs_overlays_trampoline_lowered:
0x8: {  	[smem:$0x3FA6] =	sst s0  }
0x9: {  	[smem:$0x3FA7] =	sst s1  }
0xa: {  	[smem:$0x3FA8] =	sst s2  }
0xb: {  	[smem:$0x3FA9] =	sst s3  }
0xc: {  	[smem:$0x3FAA] =	sst s4  }
0xd: {  	[smem:$0x3FAB] =	sst s5  }
0xe: {  	[smem:$0x3FAC] =	sst s6  }
0xf: {  	[smem:$0x3FAD] =	sst s7  }
0x10: {  	[smem:$0x3FAE] =	sst s8  }
0x11: {  	[smem:$0x3FAF] =	sst s9;
	s0 =	simm.s32 @!p0 $0x0  }
0x12: {  	s1 =	sld [smem:$0x3F95];
	s0 =	simm.s32 @p0 $0x1  }
0x13: {  	[smem:$0x3FB0] =	sst s0;
	s0 =	simm.s32 @!p1 $0x0  }
0x14: {  	s2 =	sld [smem:$0x3F94];
	s0 =	simm.s32 @p1 $0x1  }
0x15: {  	[smem:$0x3FB1] =	sst s0;
	s0 =	simm.s32 @!p2 $0x0  }
0x16: {  	s3 =	sld [smem:$0x3FDB];
	s0 =	simm.s32 @p2 $0x1  }
0x17: {  	s4 =	simm.s32 $0x1BF5;
	[smem:$0x3FB3] =	sst s0  }
0x18: {  	s0 =	sld [smem:$0x3F96];
	_ =	swait.ge [sflag:s4], $0x0  }
0x19: {  	s7 =	sld [smem:$0x3F97]  }
0x1a: {  	s8 =	sadd.s32 $0xFFFFE003, lr  }
0x1b: {  	s9 =	sadd.s32 $0xFFFFFEF7, lr;
	s5 =	simm.s32 $0xFFFFFFFF;
	p2 =	slt.u32 s8, $0xFFFFF086  }
0x1c: {  	p1 =	slt.u32 s9, $0xF7A;
	s5 =	simm.s32 @!p2 $0x0  }
0x1d: {  	s5 =	simm.s32 @p1 $0x1;
	p0 =	seq.s32 s7, s2  }
0x1e: {  	s7 =	smul.u32 @!p0 $0xF7A, s2;
	p2 =	seq.s32 @!p0 s5, $0x0  }
0x1f: {  	s9 =	smul.u32 $0xF7A, s1;
	s8 =	simm.s32 @!p0 $0x1BF5;
	p2 =	por !p2, p0  }
0x20: {  	[sflag:s8] =	ssyncset.s32 @!p0 $0xFFFFF086;
	s6 =	sadd.s32 @!p0 s3, s7;
	s7 =	simm.s32 @!p0 $0x108  }
0x21: {  	s3 =	sadd.s32 s3, s9;
	s6 =	sadd.s32 @!p0 $0x88, s6;
	s7 =	simm.s32 @p2 $0x1082  }
0x22: {  	[simem:s7], [sflag:s8] =	dma.local @!p0 [hbm:s6], $0xF7A  }
0x23: {  	s9 =	sor.u32 $0xD0000000, s2;
	s6 =	simm.s32 $0x108;
	_ =	swait.ge @!p0 [sflag:s8], $0x0  }
0x24: {  	s3 =	sadd.s32 $0x88, s3;
	s6 =	simm.s32 @!p1 $0x1082;
	[sflag:s4] =	ssyncset.s32 $0xFFFFF086  }
0x25: {  	[simem:s6], [sflag:s4] =	dma.local [hbm:s3], $0xF7A  }
0x26: {  	[smem:$0x3F97] =	sst s1;
	(tag) =	ssettag s2;
	_ =	strace s9  }
0x27: {  	s1 =	sld [smem:$0x3FA7]  }
0x28: {  	s2 =	sld [smem:$0x3FA8]  }
0x29: {  	s4 =	sld [smem:$0x3FAA]  }
0x2a: {  	p0 =	seq.s32 s5, $0x0;
	s5 =	sld [smem:$0x3FAB]  }
0x2b: {  	s6 =	sld [smem:$0x3FAC]  }
0x2c: {  	s7 =	sld [smem:$0x3FAD]  }
0x2d: {  	s3 =	simm.s32 $0x108;
	s8 =	sld [smem:$0x3FAE]  }
0x2e: {  	s3 =	simm.s32 @!p0 $0x1082;
	s9 =	sld [smem:$0x3FAF]  }
0x2f: {  	lr =	sadd.s32 s0, s3;
	s0 =	sld [smem:$0x3FA6]  }
0x30: {  	s3 =	sld [smem:$0x3FA9]  }
0x31: {  	[smem:$0x3FB2] =	sst s10  }
0x32: {  	s10 =	sld [smem:$0x3FB0];
	_ =	sdelay $0x3  }
0x33: {  	p0 =	seq.s32 s10, $0x1;
	s10 =	sld [smem:$0x3FB2];
	_ =	sdelay $0x3  }
0x34: {  	[smem:$0x3FB2] =	sst s10  }
0x35: {  	s10 =	sld [smem:$0x3FB1];
	_ =	sdelay $0x3  }
0x36: {  	p1 =	seq.s32 s10, $0x1;
	s10 =	sld [smem:$0x3FB2];
	_ =	sdelay $0x3  }
0x37: {  	[smem:$0x3FB2] =	sst s10  }
0x38: {  	s10 =	sld [smem:$0x3FB3]  }
0x39: {  	_ = 	snop;
	(pc) =	sbr.ind lr, $3  }
0x3a: {  	_ = 	snop  }
0x3b: {  	_ = 	snop  }
0x3c: {  	p2 =	seq.s32 s10, $0x1;
	s10 =	sld [smem:$0x3FB2]  }
0x3d: {  	_ =	shalt  }
0x3e: {  	_ =	shalt  }
0x3f: {  	_ =	shalt  }
0x40: {  	_ =	shalt  }
0x41: {  	_ =	shalt  }
0x42: {  	_ =	shalt  }
0x43: {  	_ =	shalt  }
0x44: {  	_ =	shalt  }
0x45: {  	_ =	shalt  }
0x46: {  	_ =	shalt  }
0x47: {  	_ =	shalt  }
0x48: {  	_ =	shalt  }
0x49: {  	_ =	shalt  }
0x4a: {  	_ =	shalt  }
0x4b: {  	_ =	shalt  }
0x4c: {  	_ =	shalt  }
0x4d: {  	_ =	shalt  }
0x4e: {  	_ =	shalt  }
0x4f: {  	_ =	shalt  }
0x50: {  	_ =	shalt  }
0x51: {  	_ =	shalt  }
0x52: {  	_ =	shalt  }
0x53: {  	_ =	shalt  }
0x54: {  	_ =	shalt  }
0x55: {  	_ =	shalt  }
0x56: {  	_ =	shalt  }
0x57: {  	_ =	shalt  }
0x58: {  	_ =	shalt  }
0x59: {  	_ =	shalt  }
0x5a: {  	_ =	shalt  }
0x5b: {  	_ =	shalt  }
0x5c: {  	_ =	shalt  }
0x5d: {  	_ =	shalt  }
0x5e: {  	_ =	shalt  }
0x5f: {  	_ =	shalt  }
0x60: {  	_ =	shalt  }
0x61: {  	_ =	shalt  }
0x62: {  	_ =	shalt  }
0x63: {  	_ =	shalt  }
0x64: {  	_ =	shalt  }
0x65: {  	_ =	shalt  }
0x66: {  	_ =	shalt  }
0x67: {  	_ =	shalt  }
0x68: {  	_ =	shalt  }
0x69: {  	_ =	shalt  }
0x6a: {  	_ =	shalt  }
0x6b: {  	_ =	shalt  }
0x6c: {  	_ =	shalt  }
0x6d: {  	_ =	shalt  }
0x6e: {  	_ =	shalt  }
0x6f: {  	_ =	shalt  }
0x70: {  	_ =	shalt  }
0x71: {  	_ =	shalt  }
0x72: {  	_ =	shalt  }
0x73: {  	_ =	shalt  }
0x74: {  	_ =	shalt  }
0x75: {  	_ =	shalt  }
0x76: {  	_ =	shalt  }
0x77: {  	_ =	shalt  }
0x78: {  	_ =	shalt  }
0x79: {  	_ =	shalt  }
0x7a: {  	_ =	shalt  }
0x7b: {  	_ =	shalt  }
0x7c: {  	_ =	shalt  }
0x7d: {  	_ =	shalt  }
0x7e: {  	_ =	shalt  }
0x7f: {  	_ =	shalt  }
0x80: {  	_ =	shalt  }
0x81: {  	_ =	shalt  }
0x82: {  	_ =	shalt  }
0x83: {  	_ =	shalt  }
0x84: {  	_ =	shalt  }
0x85: {  	_ =	shalt  }
0x86: {  	_ =	shalt  }
0x87: {  	_ =	shalt  }
.Lfunc_end0:
.L_simem_size_0:
called_computation.1_lowered:
.L_overlay_start_0:
0x88: {  	s2 =	sld [smem:$0x3FD9]  }
0x89: {  	s3 =	sld [smem:$0x3FFE];
	_ =	sdelay $0x1  }
0x8a: {  	s1 =	srdreg.scid  }
0x8b: {  	s0 =	sand.u32 $0x1, s1  }
0x8c: {  	s16 =	sshll.u32 s0, $0xA;
	s2 =	sadd.s32 s3, s2  }
0x8d: {  	s2 =	sadd.s32 s2, s16  }
0x8e: {  	[smem:$0x3FBE] =	sst s2  }
0x8f: {  	_ = 	snop  }
0x90: {  	(tm) =	ssettm $0x1  }
0x91: {  	s17 =	sld [smem:$0x3FFB];
	_ =	sdelay $0x3  }
0x92: {  	_ =	strace s17  }
0x93: {  	s2 =	sld [smem:$0x3FFC];
	_ =	sdelay $0x3  }
0x94: {  	_ =	strace s2  }
0x95: {  	s2 =	sld [smem:$0x3FFD];
	_ =	sdelay $0x3  }
0x96: {  	_ =	strace s2  }
0x97: {  	_ =	strace $0x8FFFFFFF  }
0x98: {  	s18 =	sld [smem:$0x3FDB];
	_ =	sdelay $0x1  }
0x99: {  	s19 =	simm.s32 $_scs_section_size  }
0x9a: {  	s4 =	simm.s32 $_size__tile_overlayer_lowered;
	s5 =	simm.s32 $_tile_overlayer_lowered  }
0x9b: {  	s22 =	simm.s32 $0x1BFF;
	s21 =	sshll.u32 s5, $0x1;
	s2 =	sadd.s32 s19, s18  }
0x9c: {  	s6 =	simm.s32 $0x0;
	s20 =	sshll.u32 s4, $0x1;
	s4 =	sadd.s32 s21, s2  }
0x9d: {  	[timem:s6], [sflag:s22] =	dma.local [hbm:s4], s20  }
0x9e: {  	_ =	swait.ge [sflag:s22], s20  }
0x9f: {  	s3 =	ssub.s32 $0x0, s20;
	[sflag:s22] =	ssyncset.done $0x0  }
0xa0: {  	[sflag:s22] =	ssyncadd.s32 s3;
	_ =	sdelay $0x1  }
0xa1: {  	s23 =	simm.s32 $0x1B8B  }
0xa2: {  	_ =	swait.ge [sflag:s23], $0x1  }
0xa3: {  	[sflag:s23] =	ssyncset.done $0x0  }
0xa4: {  	s25 =	simm.s32 $0x1B8E;
	s24 =	sld [smem:$0x3FFE];
	[sflag:s23] =	ssyncadd.s32 $0xFFFFFFFF  }
0xa5: {  	s26 =	simm.s32 $execute0_lowered;
	[smem:$0x3FD2] =	sst s25  }
0xa6: {  	s4 =	sshll.u32 s26, $0x1;
	_ =	strace $0x80000049;
	[dreg:$0x1] =	wrdreg $0xFFFFFFFF  }
0xa7: {  	s28 =	simm.s32 $_size_execute0_lowered;
	s2 =	sadd.s32 s2, s4;
	[dreg:$0x0] =	wrdreg $0x0  }
0xa8: {  	s4 =	sshll.u32 s28, $0x1;
	[dreg:$0x2] =	wrdreg s2  }
0xa9: {  	[dreg:$0x3] =	wrdreg s4  }
0xaa: {  	[dreg:$0x4] =	wrdreg $0xC0  }
0xab: {  	_ =	task [dreg:s6], $0x5FFFF  }
0xac: {  	[dreg:$0x1] =	wrdreg $0xFFFFFFFF  }
0xad: {  	[dreg:$0x0] =	wrdreg $0x60  }
0xae: {  	[dreg:$0x2] =	wrdreg s24  }
0xaf: {  	[dreg:$0x3] =	wrdreg $0x108000  }
0xb0: {  	[dreg:$0x4] =	wrdreg $0x9  }
0xb1: {  	_ =	task.clear_ibuf [dreg:s6], $0x5FFFF;
	_ =	strace $0x90000049  }
0xb2: {  	s29 =	simm.s32 $0x9;
	_ =	strace $0x8000004B  }
0xb3: {  	_ =	swait.ge [sflag:s29], $0x1  }
0xb4: {  	[sflag:s29] =	ssyncadd.s32 $0xFFFFFFFF  }
0xb5: {  	_ =	strace $0x9000004B  }
0xb6: {  	_ =	sfence  }
0xb7: {  	s30 =	sld [smem:$0x0];
	_ =	sdelay $0x2  }
0xb8: {  	s31 =	sshll.u32 s1, $0xD;
	s1 =	sshrl.u32 s1, $0x2  }
0xb9: {  	s3 =	sand.u32 $0x4000, s31;
	s1 =	sadd.s32 s1, s30  }
0xba: {  	s0 =	sor.u32 s3, s0;
	s1 =	sshll.u32 s1, $0x11  }
0xbb: {  	s0 =	sor.u32 s1, s0  }
0xbc: {  	s0 =	sadd.s32 $0x8F2B, s0  }
0xbd: {  	[sflag:s0] =	ssyncadd.remote.s32 $0x1  }
0xbe: {  	_ =	sfence.sel $0xFFFF  }
0xbf: {  	[dreg:$0x0] =	wrdreg $0xFFFFFFFF;
	(pc) =	sbr.abs _section_cstart, $3  }
0xc0: {  	[dreg:$0x1] =	wrdreg $0xFFFFFFFF  }
0xc1: {  	_ =	task.clear_ibuf [dreg:s6], $0x2FFFF;
	_ =	strace $0x9FFFFFFF  }
0xc2: {  	(tm) =	ssettm $0x7FFFFFFF  }
0xc3: {  	_ =	shalt  }
tec
execute0_lowered:
.L_overlay_start_1:
0x0: {  	(tag) =	ssettag $0x1  }
0x1: {  	s0 =	rddreg [dreg:$0x0]  }
0x2: {  	s2 =	rddreg [dreg:$0x1]  }
0x3: {  	s1 =	srdreg.scid;
	s11 =	stileid.u32  }
0x4: {  	s3 =	simm.s32 $0x0;
	s20 =	simm.s32 $0x100;
	s13 =	simm.s32 $0x800  }
0x5: {  	s21 =	simm.s32 $0x180;
	s14 =	simm.s32 $0x2800;
	s22 =	simm.s32 $0x480  }
0x6: {  	s23 =	simm.s32 $0x500;
	s24 =	simm.s32 $0x580;
	s25 =	simm.s32 $0x280  }
0x7: {  	s26 =	simm.s32 $0x300;
	s28 =	simm.s32 $0x680;
	s29 =	simm.s32 $0x700  }
0x8: {  	s30 =	simm.s32 $0x780;
	s31 =	simm.s32 $0x3;
	s1 =	sand.u32 $0x1, s1  }
0x9: {  	s5 =	smul.u32 $0xA000, s11;
	[smem:$0x7FF] =	sst s3;
	s12 =	sadd.s32 $0x29A00, s0  }
0xa: {  	s7 =	smul.u32 $0x5000, s11;
	_ =	strace $0x8000004A;
	[dreg:$0xe] =	wrdreg s12  }
0xb: {  	s4 =	sadd.s32 $0x16000, s0;
	s8 =	sadd.s32 $0xC000, s0;
	[dreg:$0x7] =	wrdreg s20  }
0xc: {  	s10 =	sadd.s32 $0x2000, s0;
	s16 =	sshll.u32 s11, $0x6;
	[dreg:$0x8] =	wrdreg s21  }
0xd: {  	s11 =	simm.s32 $0x400;
	s6 =	smul.u32 $0xA0000, s1;
	[dreg:$0x9] =	wrdreg s22  }
0xe: {  	s9 =	smul.u32 $0x2800, s1;
	s1 =	ssub.s32 $0x2, s1;
	[dreg:$0xa] =	wrdreg s23  }
0xf: {  	s12 =	simm.s32 $0x80;
	[dreg:$0xb] =	wrdreg s24;
	s20 =	simm.s32 $0x5  }
0x10: {  	s21 =	simm.s32 $0x8800;
	[dreg:$0xc] =	wrdreg s25;
	s22 =	simm.s32 $0xA800  }
0x11: {  	[dreg:$0xd] =	wrdreg s26;
	s23 =	simm.s32 $0xC800;
	s24 =	simm.s32 $0x380  }
0x12: {  	s25 =	simm.s32 $0xE800;
	s26 =	simm.s32 $0x2;
	s15 =	sshrl.u32 s1, $0x1  }
0x13: {  	s6 =	sadd.s32 s5, s6;
	s7 =	sadd.s32 s9, s7;
	s1 =	ssub.s32 s1, s15  }
0x14: {  	s5 =	sadd.s32 s5, s2;
	s15 =	simm.s32 $0x4800;
	s6 =	sshrl.u32 s6, $0x3  }
0x15: {  	s9 =	sor.u32 $0x200, s7;
	s7 =	sshrl.u32 s7, $0x3;
	s1 =	smax.u32 s1, $0x1  }
0x16: {  	s5 =	sshrl.u32 s5, $0x3;
	s0 =	sadd.s32 s6, s0;
	[dreg:$0x11] =	wrdreg s1  }
0x17: {  	s9 =	sshrl.u32 s9, $0x3;
	s18 =	sadd.s32 s7, s10;
	[dreg:$0x12] =	wrdreg s5  }
0x18: {  	s6 =	sor.u32 $0x1C06, s16;
	s19 =	sadd.s32 s7, s8;
	[dreg:$0x5] =	wrdreg s18  }
0x19: {  	s16 =	simm.s32 $0x6800;
	s7 =	simm.s32 $0x0;
	[dreg:$0x6] =	wrdreg s19  }
0x1a: {  	s17 =	sadd.s32 s9, s10;
	s9 =	sadd.s32 s9, s8;
	[dreg:$0xf] =	wrdreg s6  }
0x1b: {  	s0 =	sadd.s32 $0x2AE00, s0;
	s10 =	simm.s32 $0x6;
	[dreg:$0x3] =	wrdreg s17  }
0x1c: {  	s18 =	simm.s32 $0x600;
	s19 =	simm.s32 $0x1;
	[dreg:$0x10] =	wrdreg s0  }
0x1d: {  	[dreg:$0x4] =	wrdreg s9;
	s17 =	simm.s32 $0x200;
	s0 =	simm.s32 $0x4  }
.LBB2_1:
0x1e: {  	[dreg:$0x13] =	wrdreg s7  }
0x1f: {  	s1 =	rddreg [dreg:$0xe]  }
0x20: {  	[spmem:s5], [sflag:s6] =	dma.local [hbm:s1], $0x1400  }
0x21: {  	_ =	swait.ge [sflag:s10], $0x1400  }
0x22: {  	[sflag:s10] =	ssyncset.done $0x0  }
0x23: {  	[sflag:s10] =	ssyncadd.s32 $0xFFFFEC00  }
0x24: {  	[bflag:$0x0] =	sbarrier.arrive $0xFFFF  }
0x25: {  	s7 =	rddreg [dreg:$0x6]  }
0x26: {  	s5 =	sadd.s32 $0x0, s7  }
0x27: {  	[tilespmem:s3], [sflag:$0x6] =	stream.linear.gather [hbm4b:s5+s3], $0x200, $0x38;
	[tilespmem:$0x1A800] =	vst v63  }
0x28: {  	_ =	swait.ge [sflag:s10], $0x200  }
0x29: {  	s8 =	rddreg [dreg:$0x5];
	[sflag:s10] =	ssyncset.done $0x0  }
0x2a: {  	[sflag:s10] =	ssyncadd.s32 $0xFFFFFE00;
	s5 =	sadd.s32 $0x0, s8  }
0x2b: {  	[tilespmem:s11], [sflag:$0x6] =	stream.linear.gather [hbm4b:s5+s3], $0x200, $0x38;
	[tilespmem:$0x1A800] =	vst v63  }
0x2c: {  	_ =	swait.ge [sflag:s10], $0x200  }
0x2d: {  	[sflag:s10] =	ssyncset.done $0x0  }
0x2e: {  	[sflag:s10] =	ssyncadd.s32 $0xFFFFFE00  }
0x2f: {  	[tilespmem:s13], [sflag:$0x1] =	stream.indirect.gather [hbm4b:s4+s12], $0x40, s3, s12, $0xb8;
	[tilespmem:$0x1A800] =	vst v63  }
0x30: {  	s9 =	rddreg [dreg:$0x4]  }
0x31: {  	[tilespmem:s14], [sflag:$0x1] =	stream.indirect.gather [hbm4b:s4+s12], $0x40, s12, s12, $0xb8;
	[tilespmem:$0x1A800] =	vst v63  }
0x32: {  	s1 =	rddreg [dreg:$0x7]  }
0x33: {  	[tilespmem:s15], [sflag:$0x1] =	stream.indirect.gather [hbm4b:s4+s12], $0x40, s1, s12, $0xb8;
	[tilespmem:$0x1A800] =	vst v63  }
0x34: {  	s8 =	rddreg [dreg:$0x8]  }
0x35: {  	[tilespmem:s16], [sflag:$0x1] =	stream.indirect.gather [hbm4b:s4+s12], $0x40, s8, s12, $0xb8;
	[tilespmem:$0x1A800] =	vst v63  }
0x36: {  	s6 =	rddreg [dreg:$0x3];
	s5 =	sadd.s32 $0x0, s9  }
0x37: {  	[tilespmem:s17], [sflag:$0x5] =	stream.linear.gather [hbm4b:s5+s3], $0x200, $0x38;
	[tilespmem:$0x1A800] =	vst v63  }
0x38: {  	s8 =	sadd.s32 $0x0, s6  }
0x39: {  	[tilespmem:s18], [sflag:$0x5] =	stream.linear.gather [hbm4b:s8+s3], $0x200, $0x38;
	[tilespmem:$0x1A800] =	vst v63  }
0x3a: {  	_ =	swait.ge [sflag:s19], $0x2000  }
0x3b: {  	[sflag:s19] =	ssyncset.done $0x0  }
0x3c: {  	[sflag:s19] =	ssyncadd.s32 $0xFFFFE000  }
0x3d: {  	_ =	swait.ge [sflag:s19], $0x2000  }
0x3e: {  	[sflag:s19] =	ssyncset.done $0x0  }
0x3f: {  	[sflag:s19] =	ssyncadd.s32 $0xFFFFE000  }
0x40: {  	_ =	swait.ge [sflag:s19], $0x2000  }
0x41: {  	[sflag:s19] =	ssyncset.done $0x0  }
0x42: {  	[sflag:s19] =	ssyncadd.s32 $0xFFFFE000  }
0x43: {  	_ =	swait.ge [sflag:s19], $0x2000  }
0x44: {  	[sflag:s19] =	ssyncset.done $0x0  }
0x45: {  	[sflag:s19] =	ssyncadd.s32 $0xFFFFE000  }
0x46: {  	[spmem:s2] =	stream.indirect.scatter.add.f32 [tilespmem:s13], [sflag:$0x3], $0x40, s11, s12, $0xb8;
	[tilespmem:$0x1A800] =	vst v63  }
0x47: {  	s9 =	rddreg [dreg:$0x9]  }
0x48: {  	[spmem:s2] =	stream.indirect.scatter.add.f32 [tilespmem:s14], [sflag:$0x3], $0x40, s9, s12, $0xb8;
	[tilespmem:$0x1A800] =	vst v63  }
0x49: {  	s1 =	rddreg [dreg:$0xa]  }
0x4a: {  	[spmem:s2] =	stream.indirect.scatter.add.f32 [tilespmem:s15], [sflag:$0x3], $0x40, s1, s12, $0xb8;
	[tilespmem:$0x1A800] =	vst v63  }
0x4b: {  	s6 =	rddreg [dreg:$0xb]  }
0x4c: {  	[spmem:s2] =	stream.indirect.scatter.add.f32 [tilespmem:s16], [sflag:$0x3], $0x40, s6, s12, $0xb8;
	[tilespmem:$0x1A800] =	vst v63  }
0x4d: {  	_ =	swait.ge [sflag:s20], $0x200  }
0x4e: {  	[sflag:s20] =	ssyncset.done $0x0  }
0x4f: {  	[sflag:s20] =	ssyncadd.s32 $0xFFFFFE00  }
0x50: {  	_ =	swait.ge [sflag:s20], $0x200  }
0x51: {  	[sflag:s20] =	ssyncset.done $0x0  }
0x52: {  	[sflag:s20] =	ssyncadd.s32 $0xFFFFFE00  }
0x53: {  	[tilespmem:s21], [sflag:$0x2] =	stream.indirect.gather [hbm4b:s4+s12], $0x40, s17, s12, $0xb8;
	[tilespmem:$0x1A800] =	vst v63  }
0x54: {  	s8 =	rddreg [dreg:$0xc]  }
0x55: {  	[tilespmem:s22], [sflag:$0x2] =	stream.indirect.gather [hbm4b:s4+s12], $0x40, s8, s12, $0xb8;
	[tilespmem:$0x1A800] =	vst v63  }
0x56: {  	s9 =	rddreg [dreg:$0xd]  }
0x57: {  	[tilespmem:s23], [sflag:$0x2] =	stream.indirect.gather [hbm4b:s4+s12], $0x40, s9, s12, $0xb8;
	[tilespmem:$0x1A800] =	vst v63  }
0x58: {  	_ = 	snop  }
0x59: {  	[tilespmem:s25], [sflag:$0x2] =	stream.indirect.gather [hbm4b:s4+s12], $0x40, s24, s12, $0xb8;
	[tilespmem:$0x1A800] =	vst v63  }
0x5a: {  	_ =	swait.ge [sflag:s26], $0x2000  }
0x5b: {  	[sflag:s26] =	ssyncset.done $0x0  }
0x5c: {  	[sflag:s26] =	ssyncadd.s32 $0xFFFFE000  }
0x5d: {  	_ =	swait.ge [sflag:s26], $0x2000  }
0x5e: {  	[sflag:s26] =	ssyncset.done $0x0  }
0x5f: {  	[sflag:s26] =	ssyncadd.s32 $0xFFFFE000  }
0x60: {  	_ =	swait.ge [sflag:s26], $0x2000  }
0x61: {  	[sflag:s26] =	ssyncset.done $0x0  }
0x62: {  	[sflag:s26] =	ssyncadd.s32 $0xFFFFE000  }
0x63: {  	_ =	swait.ge [sflag:s26], $0x2000  }
0x64: {  	[sflag:s26] =	ssyncset.done $0x0  }
0x65: {  	[sflag:s26] =	ssyncadd.s32 $0xFFFFE000  }
0x66: {  	[spmem:s2] =	stream.indirect.scatter.add.f32 [tilespmem:s21], [sflag:$0x4], $0x40, s18, s12, $0xb8;
	[tilespmem:$0x1A800] =	vst v63  }
0x67: {  	_ = 	snop  }
0x68: {  	[spmem:s2] =	stream.indirect.scatter.add.f32 [tilespmem:s22], [sflag:$0x4], $0x40, s28, s12, $0xb8;
	[tilespmem:$0x1A800] =	vst v63  }
0x69: {  	_ = 	snop  }
0x6a: {  	[spmem:s2] =	stream.indirect.scatter.add.f32 [tilespmem:s23], [sflag:$0x4], $0x40, s29, s12, $0xb8;
	[tilespmem:$0x1A800] =	vst v63  }
0x6b: {  	_ = 	snop  }
0x6c: {  	[spmem:s2] =	stream.indirect.scatter.add.f32 [tilespmem:s25], [sflag:$0x4], $0x40, s30, s12, $0xb8;
	[tilespmem:$0x1A800] =	vst v63  }
0x6d: {  	_ =	swait.ge [sflag:s31], $0x2000  }
0x6e: {  	[sflag:s31] =	ssyncset.done $0x0  }
0x6f: {  	[sflag:s31] =	ssyncadd.s32 $0xFFFFE000  }
0x70: {  	_ =	swait.ge [sflag:s31], $0x2000  }
0x71: {  	[sflag:s31] =	ssyncset.done $0x0  }
0x72: {  	[sflag:s31] =	ssyncadd.s32 $0xFFFFE000  }
0x73: {  	_ =	swait.ge [sflag:s31], $0x2000  }
0x74: {  	[sflag:s31] =	ssyncset.done $0x0  }
0x75: {  	[sflag:s31] =	ssyncadd.s32 $0xFFFFE000  }
0x76: {  	_ =	swait.ge [sflag:s31], $0x2000  }
0x77: {  	[sflag:s31] =	ssyncset.done $0x0  }
0x78: {  	[sflag:s31] =	ssyncadd.s32 $0xFFFFE000  }
0x79: {  	_ =	swait.ge [sflag:s0], $0x2000  }
0x7a: {  	[sflag:s0] =	ssyncset.done $0x0  }
0x7b: {  	[sflag:s0] =	ssyncadd.s32 $0xFFFFE000  }
0x7c: {  	_ =	swait.ge [sflag:s0], $0x2000  }
0x7d: {  	[sflag:s0] =	ssyncset.done $0x0  }
0x7e: {  	[sflag:s0] =	ssyncadd.s32 $0xFFFFE000  }
0x7f: {  	_ =	swait.ge [sflag:s0], $0x2000  }
0x80: {  	[sflag:s0] =	ssyncset.done $0x0  }
0x81: {  	[sflag:s0] =	ssyncadd.s32 $0xFFFFE000  }
0x82: {  	s7 =	simm.s32 $0x100;
	_ =	swait.ge [sflag:s0], $0x2000  }
0x83: {  	s5 =	simm.s32 $0x80;
	s8 =	rddreg [dreg:$0x6];
	[sflag:s0] =	ssyncset.done $0x0  }
.LBB2_2:
0x84: {  	[sflag:s0] =	ssyncadd.s32 $0xFFFFE000;
	s8 =	sadd.s32 s5, s8  }
0x85: {  	[tilespmem:s3], [sflag:$0x6] =	stream.linear.gather [hbm4b:s8+s3], $0x200, $0x38;
	[tilespmem:$0x1A800] =	vst v63  }
0x86: {  	_ =	swait.ge [sflag:s10], $0x200  }
0x87: {  	s1 =	rddreg [dreg:$0x5];
	[sflag:s10] =	ssyncset.done $0x0  }
0x88: {  	[sflag:s10] =	ssyncadd.s32 $0xFFFFFE00;
	s8 =	sadd.s32 s5, s1  }
0x89: {  	[tilespmem:s11], [sflag:$0x6] =	stream.linear.gather [hbm4b:s8+s3], $0x200, $0x38;
	[tilespmem:$0x1A800] =	vst v63  }
0x8a: {  	_ =	swait.ge [sflag:s10], $0x200  }
0x8b: {  	[sflag:s10] =	ssyncset.done $0x0  }
0x8c: {  	[sflag:s10] =	ssyncadd.s32 $0xFFFFFE00  }
0x8d: {  	[tilespmem:s13], [sflag:$0x1] =	stream.indirect.gather [hbm4b:s4+s12], $0x40, s3, s12, $0xb8;
	[tilespmem:$0x1A800] =	vst v63  }
0x8e: {  	s8 =	rddreg [dreg:$0x4]  }
0x8f: {  	[tilespmem:s14], [sflag:$0x1] =	stream.indirect.gather [hbm4b:s4+s12], $0x40, s12, s12, $0xb8;
	[tilespmem:$0x1A800] =	vst v63  }
0x90: {  	s9 =	rddreg [dreg:$0x7]  }
0x91: {  	[tilespmem:s15], [sflag:$0x1] =	stream.indirect.gather [hbm4b:s4+s12], $0x40, s9, s12, $0xb8;
	[tilespmem:$0x1A800] =	vst v63  }
0x92: {  	s1 =	rddreg [dreg:$0x8]  }
0x93: {  	[tilespmem:s16], [sflag:$0x1] =	stream.indirect.gather [hbm4b:s4+s12], $0x40, s1, s12, $0xb8;
	[tilespmem:$0x1A800] =	vst v63  }
0x94: {  	s8 =	sadd.s32 s5, s8;
	s9 =	rddreg [dreg:$0x3]  }
0x95: {  	[tilespmem:s17], [sflag:$0x5] =	stream.linear.gather [hbm4b:s8+s3], $0x200, $0x38;
	[tilespmem:$0x1A800] =	vst v63  }
0x96: {  	s9 =	sadd.s32 s5, s9  }
0x97: {  	[tilespmem:s18], [sflag:$0x5] =	stream.linear.gather [hbm4b:s9+s3], $0x200, $0x38;
	[tilespmem:$0x1A800] =	vst v63  }
0x98: {  	_ =	swait.ge [sflag:s19], $0x2000  }
0x99: {  	[sflag:s19] =	ssyncset.done $0x0  }
0x9a: {  	[sflag:s19] =	ssyncadd.s32 $0xFFFFE000  }
0x9b: {  	_ =	swait.ge [sflag:s19], $0x2000  }
0x9c: {  	[sflag:s19] =	ssyncset.done $0x0  }
0x9d: {  	[sflag:s19] =	ssyncadd.s32 $0xFFFFE000  }
0x9e: {  	_ =	swait.ge [sflag:s19], $0x2000  }
0x9f: {  	[sflag:s19] =	ssyncset.done $0x0  }
0xa0: {  	[sflag:s19] =	ssyncadd.s32 $0xFFFFE000  }
0xa1: {  	_ =	swait.ge [sflag:s19], $0x2000  }
0xa2: {  	[sflag:s19] =	ssyncset.done $0x0  }
0xa3: {  	s6 =	smov.u32 s7;
	[sflag:s19] =	ssyncadd.s32 $0xFFFFE000  }
0xa4: {  	[spmem:s2] =	stream.indirect.scatter.add.f32 [tilespmem:s13], [sflag:$0x3], $0x40, s11, s12, $0xb8;
	[tilespmem:$0x1A800] =	vst v63  }
0xa5: {  	s5 =	smov.u32 s6;
	s6 =	rddreg [dreg:$0x9]  }
0xa6: {  	[spmem:s2] =	stream.indirect.scatter.add.f32 [tilespmem:s14], [sflag:$0x3], $0x40, s6, s12, $0xb8;
	[tilespmem:$0x1A800] =	vst v63  }
0xa7: {  	s8 =	rddreg [dreg:$0xa]  }
0xa8: {  	[spmem:s2] =	stream.indirect.scatter.add.f32 [tilespmem:s15], [sflag:$0x3], $0x40, s8, s12, $0xb8;
	[tilespmem:$0x1A800] =	vst v63  }
0xa9: {  	s9 =	rddreg [dreg:$0xb]  }
0xaa: {  	[spmem:s2] =	stream.indirect.scatter.add.f32 [tilespmem:s16], [sflag:$0x3], $0x40, s9, s12, $0xb8;
	[tilespmem:$0x1A800] =	vst v63  }
0xab: {  	_ =	swait.ge [sflag:s20], $0x200  }
0xac: {  	[sflag:s20] =	ssyncset.done $0x0  }
0xad: {  	[sflag:s20] =	ssyncadd.s32 $0xFFFFFE00  }
0xae: {  	_ =	swait.ge [sflag:s20], $0x200  }
0xaf: {  	[sflag:s20] =	ssyncset.done $0x0  }
0xb0: {  	[sflag:s20] =	ssyncadd.s32 $0xFFFFFE00  }
0xb1: {  	[tilespmem:s21], [sflag:$0x2] =	stream.indirect.gather [hbm4b:s4+s12], $0x40, s17, s12, $0xb8;
	[tilespmem:$0x1A800] =	vst v63  }
0xb2: {  	s8 =	rddreg [dreg:$0xc]  }
0xb3: {  	[tilespmem:s22], [sflag:$0x2] =	stream.indirect.gather [hbm4b:s4+s12], $0x40, s8, s12, $0xb8;
	[tilespmem:$0x1A800] =	vst v63  }
0xb4: {  	s9 =	rddreg [dreg:$0xd]  }
0xb5: {  	[tilespmem:s23], [sflag:$0x2] =	stream.indirect.gather [hbm4b:s4+s12], $0x40, s9, s12, $0xb8;
	[tilespmem:$0x1A800] =	vst v63  }
0xb6: {  	_ = 	snop  }
0xb7: {  	[tilespmem:s25], [sflag:$0x2] =	stream.indirect.gather [hbm4b:s4+s12], $0x40, s24, s12, $0xb8;
	[tilespmem:$0x1A800] =	vst v63  }
0xb8: {  	_ =	swait.ge [sflag:s26], $0x2000  }
0xb9: {  	[sflag:s26] =	ssyncset.done $0x0  }
0xba: {  	[sflag:s26] =	ssyncadd.s32 $0xFFFFE000  }
0xbb: {  	_ =	swait.ge [sflag:s26], $0x2000  }
0xbc: {  	[sflag:s26] =	ssyncset.done $0x0  }
0xbd: {  	[sflag:s26] =	ssyncadd.s32 $0xFFFFE000  }
0xbe: {  	_ =	swait.ge [sflag:s26], $0x2000  }
0xbf: {  	[sflag:s26] =	ssyncset.done $0x0  }
0xc0: {  	[sflag:s26] =	ssyncadd.s32 $0xFFFFE000  }
0xc1: {  	_ =	swait.ge [sflag:s26], $0x2000  }
0xc2: {  	[sflag:s26] =	ssyncset.done $0x0  }
0xc3: {  	[sflag:s26] =	ssyncadd.s32 $0xFFFFE000  }
0xc4: {  	[spmem:s2] =	stream.indirect.scatter.add.f32 [tilespmem:s21], [sflag:$0x4], $0x40, s18, s12, $0xb8;
	[tilespmem:$0x1A800] =	vst v63  }
0xc5: {  	_ = 	snop  }
0xc6: {  	[spmem:s2] =	stream.indirect.scatter.add.f32 [tilespmem:s22], [sflag:$0x4], $0x40, s28, s12, $0xb8;
	[tilespmem:$0x1A800] =	vst v63  }
0xc7: {  	_ = 	snop  }
0xc8: {  	[spmem:s2] =	stream.indirect.scatter.add.f32 [tilespmem:s23], [sflag:$0x4], $0x40, s29, s12, $0xb8;
	[tilespmem:$0x1A800] =	vst v63  }
0xc9: {  	_ = 	snop  }
0xca: {  	[spmem:s2] =	stream.indirect.scatter.add.f32 [tilespmem:s25], [sflag:$0x4], $0x40, s30, s12, $0xb8;
	[tilespmem:$0x1A800] =	vst v63  }
0xcb: {  	_ =	swait.ge [sflag:s31], $0x2000  }
0xcc: {  	[sflag:s31] =	ssyncset.done $0x0  }
0xcd: {  	[sflag:s31] =	ssyncadd.s32 $0xFFFFE000  }
0xce: {  	_ =	swait.ge [sflag:s31], $0x2000  }
0xcf: {  	[sflag:s31] =	ssyncset.done $0x0  }
0xd0: {  	[sflag:s31] =	ssyncadd.s32 $0xFFFFE000  }
0xd1: {  	_ =	swait.ge [sflag:s31], $0x2000  }
0xd2: {  	[sflag:s31] =	ssyncset.done $0x0  }
0xd3: {  	[sflag:s31] =	ssyncadd.s32 $0xFFFFE000  }
0xd4: {  	_ =	swait.ge [sflag:s31], $0x2000  }
0xd5: {  	[sflag:s31] =	ssyncset.done $0x0  }
0xd6: {  	[sflag:s31] =	ssyncadd.s32 $0xFFFFE000  }
0xd7: {  	_ =	swait.ge [sflag:s0], $0x2000  }
0xd8: {  	[sflag:s0] =	ssyncset.done $0x0  }
0xd9: {  	[sflag:s0] =	ssyncadd.s32 $0xFFFFE000  }
0xda: {  	_ =	swait.ge [sflag:s0], $0x2000  }
0xdb: {  	[sflag:s0] =	ssyncset.done $0x0  }
0xdc: {  	p0 =	sne.s32 s7, $0x480;
	[sflag:s0] =	ssyncadd.s32 $0xFFFFE000  }
.Ltmp0:
0xdd: {  	_ =	swait.ge [sflag:s0], $0x2000;
	(pc) =	sbr.rel @p0 .LBB2_2-.Ltmp0, $4  }
0xde: {  	[sflag:s0] =	ssyncset.done $0x0  }
0xdf: {  	[sflag:s0] =	ssyncadd.s32 $0xFFFFE000  }
0xe0: {  	_ =	swait.ge [sflag:s0], $0x2000  }
0xe1: {  	s7 =	sadd.s32 $0x80, s7;
	s8 =	rddreg [dreg:$0x6];
	[sflag:s0] =	ssyncset.done $0x0  }
0xe2: {  	[sflag:s0] =	ssyncadd.s32 $0xFFFFE000;
	s1 =	sadd.s32 s5, s8  }
0xe3: {  	[tilespmem:s3], [sflag:$0x6] =	stream.linear.gather [hbm4b:s1+s3], $0x200, $0x38;
	[tilespmem:$0x1A800] =	vst v63  }
0xe4: {  	_ =	swait.ge [sflag:s10], $0x200  }
0xe5: {  	s6 =	rddreg [dreg:$0x5];
	[sflag:s10] =	ssyncset.done $0x0  }
0xe6: {  	[sflag:s10] =	ssyncadd.s32 $0xFFFFFE00;
	s1 =	sadd.s32 s5, s6  }
0xe7: {  	[tilespmem:s11], [sflag:$0x6] =	stream.linear.gather [hbm4b:s1+s3], $0x200, $0x38;
	[tilespmem:$0x1A800] =	vst v63  }
0xe8: {  	_ =	swait.ge [sflag:s10], $0x200  }
0xe9: {  	[sflag:s10] =	ssyncset.done $0x0  }
0xea: {  	[sflag:s10] =	ssyncadd.s32 $0xFFFFFE00  }
0xeb: {  	[tilespmem:s13], [sflag:$0x1] =	stream.indirect.gather [hbm4b:s4+s12], $0x40, s3, s12, $0xb8;
	[tilespmem:$0x1A800] =	vst v63  }
0xec: {  	s7 =	rddreg [dreg:$0x7]  }
0xed: {  	[tilespmem:s14], [sflag:$0x1] =	stream.indirect.gather [hbm4b:s4+s12], $0x40, s12, s12, $0xb8;
	[tilespmem:$0x1A800] =	vst v63  }
0xee: {  	s6 =	rddreg [dreg:$0x8]  }
0xef: {  	[tilespmem:s15], [sflag:$0x1] =	stream.indirect.gather [hbm4b:s4+s12], $0x40, s7, s12, $0xb8;
	[tilespmem:$0x1A800] =	vst v63  }
0xf0: {  	s8 =	rddreg [dreg:$0x4]  }
0xf1: {  	[tilespmem:s16], [sflag:$0x1] =	stream.indirect.gather [hbm4b:s4+s12], $0x40, s6, s12, $0xb8;
	[tilespmem:$0x1A800] =	vst v63  }
0xf2: {  	s9 =	rddreg [dreg:$0x3];
	s1 =	sadd.s32 s5, s8  }
0xf3: {  	[tilespmem:s17], [sflag:$0x5] =	stream.linear.gather [hbm4b:s1+s3], $0x200, $0x38;
	[tilespmem:$0x1A800] =	vst v63  }
0xf4: {  	s6 =	sadd.s32 s5, s9  }
0xf5: {  	[tilespmem:s18], [sflag:$0x5] =	stream.linear.gather [hbm4b:s6+s3], $0x200, $0x38;
	[tilespmem:$0x1A800] =	vst v63  }
0xf6: {  	_ =	swait.ge [sflag:s19], $0x2000  }
0xf7: {  	[sflag:s19] =	ssyncset.done $0x0  }
0xf8: {  	[sflag:s19] =	ssyncadd.s32 $0xFFFFE000  }
0xf9: {  	_ =	swait.ge [sflag:s19], $0x2000  }
0xfa: {  	[sflag:s19] =	ssyncset.done $0x0  }
0xfb: {  	[sflag:s19] =	ssyncadd.s32 $0xFFFFE000  }
0xfc: {  	_ =	swait.ge [sflag:s19], $0x2000  }
0xfd: {  	[sflag:s19] =	ssyncset.done $0x0  }
0xfe: {  	[sflag:s19] =	ssyncadd.s32 $0xFFFFE000  }
0xff: {  	_ =	swait.ge [sflag:s19], $0x2000  }
0x100: {  	[sflag:s19] =	ssyncset.done $0x0  }
0x101: {  	[sflag:s19] =	ssyncadd.s32 $0xFFFFE000  }
0x102: {  	[spmem:s2] =	stream.indirect.scatter.add.f32 [tilespmem:s13], [sflag:$0x3], $0x40, s11, s12, $0xb8;
	[tilespmem:$0x1A800] =	vst v63  }
0x103: {  	s7 =	rddreg [dreg:$0x9]  }
0x104: {  	[spmem:s2] =	stream.indirect.scatter.add.f32 [tilespmem:s14], [sflag:$0x3], $0x40, s7, s12, $0xb8;
	[tilespmem:$0x1A800] =	vst v63  }
0x105: {  	s8 =	rddreg [dreg:$0xa]  }
0x106: {  	[spmem:s2] =	stream.indirect.scatter.add.f32 [tilespmem:s15], [sflag:$0x3], $0x40, s8, s12, $0xb8;
	[tilespmem:$0x1A800] =	vst v63  }
0x107: {  	s9 =	rddreg [dreg:$0xb]  }
0x108: {  	[spmem:s2] =	stream.indirect.scatter.add.f32 [tilespmem:s16], [sflag:$0x3], $0x40, s9, s12, $0xb8;
	[tilespmem:$0x1A800] =	vst v63  }
0x109: {  	_ =	swait.ge [sflag:s20], $0x200  }
0x10a: {  	[sflag:s20] =	ssyncset.done $0x0  }
0x10b: {  	[sflag:s20] =	ssyncadd.s32 $0xFFFFFE00  }
0x10c: {  	_ =	swait.ge [sflag:s20], $0x200  }
0x10d: {  	[sflag:s20] =	ssyncset.done $0x0  }
0x10e: {  	[sflag:s20] =	ssyncadd.s32 $0xFFFFFE00  }
0x10f: {  	[tilespmem:s21], [sflag:$0x2] =	stream.indirect.gather [hbm4b:s4+s12], $0x40, s17, s12, $0xb8;
	[tilespmem:$0x1A800] =	vst v63  }
0x110: {  	s6 =	rddreg [dreg:$0xc]  }
0x111: {  	[tilespmem:s22], [sflag:$0x2] =	stream.indirect.gather [hbm4b:s4+s12], $0x40, s6, s12, $0xb8;
	[tilespmem:$0x1A800] =	vst v63  }
0x112: {  	s7 =	rddreg [dreg:$0xd]  }
0x113: {  	[tilespmem:s23], [sflag:$0x2] =	stream.indirect.gather [hbm4b:s4+s12], $0x40, s7, s12, $0xb8;
	[tilespmem:$0x1A800] =	vst v63  }
0x114: {  	_ = 	snop  }
0x115: {  	[tilespmem:s25], [sflag:$0x2] =	stream.indirect.gather [hbm4b:s4+s12], $0x40, s24, s12, $0xb8;
	[tilespmem:$0x1A800] =	vst v63  }
0x116: {  	_ =	swait.ge [sflag:s26], $0x2000  }
0x117: {  	[sflag:s26] =	ssyncset.done $0x0  }
0x118: {  	[sflag:s26] =	ssyncadd.s32 $0xFFFFE000  }
0x119: {  	_ =	swait.ge [sflag:s26], $0x2000  }
0x11a: {  	[sflag:s26] =	ssyncset.done $0x0  }
0x11b: {  	[sflag:s26] =	ssyncadd.s32 $0xFFFFE000  }
0x11c: {  	_ =	swait.ge [sflag:s26], $0x2000  }
0x11d: {  	[sflag:s26] =	ssyncset.done $0x0  }
0x11e: {  	[sflag:s26] =	ssyncadd.s32 $0xFFFFE000  }
0x11f: {  	_ =	swait.ge [sflag:s26], $0x2000  }
0x120: {  	[sflag:s26] =	ssyncset.done $0x0  }
0x121: {  	[sflag:s26] =	ssyncadd.s32 $0xFFFFE000  }
0x122: {  	[spmem:s2] =	stream.indirect.scatter.add.f32 [tilespmem:s21], [sflag:$0x4], $0x40, s18, s12, $0xb8;
	[tilespmem:$0x1A800] =	vst v63  }
0x123: {  	_ = 	snop  }
0x124: {  	[spmem:s2] =	stream.indirect.scatter.add.f32 [tilespmem:s22], [sflag:$0x4], $0x40, s28, s12, $0xb8;
	[tilespmem:$0x1A800] =	vst v63  }
0x125: {  	_ = 	snop  }
0x126: {  	[spmem:s2] =	stream.indirect.scatter.add.f32 [tilespmem:s23], [sflag:$0x4], $0x40, s29, s12, $0xb8;
	[tilespmem:$0x1A800] =	vst v63  }
0x127: {  	_ = 	snop  }
0x128: {  	[spmem:s2] =	stream.indirect.scatter.add.f32 [tilespmem:s25], [sflag:$0x4], $0x40, s30, s12, $0xb8;
	[tilespmem:$0x1A800] =	vst v63  }
0x129: {  	_ =	swait.ge [sflag:s31], $0x2000  }
0x12a: {  	[sflag:s31] =	ssyncset.done $0x0  }
0x12b: {  	[sflag:s31] =	ssyncadd.s32 $0xFFFFE000  }
0x12c: {  	_ =	swait.ge [sflag:s31], $0x2000  }
0x12d: {  	[sflag:s31] =	ssyncset.done $0x0  }
0x12e: {  	[sflag:s31] =	ssyncadd.s32 $0xFFFFE000  }
0x12f: {  	_ =	swait.ge [sflag:s31], $0x2000  }
0x130: {  	[sflag:s31] =	ssyncset.done $0x0  }
0x131: {  	[sflag:s31] =	ssyncadd.s32 $0xFFFFE000  }
0x132: {  	_ =	swait.ge [sflag:s31], $0x2000  }
0x133: {  	[sflag:s31] =	ssyncset.done $0x0  }
0x134: {  	[sflag:s31] =	ssyncadd.s32 $0xFFFFE000  }
0x135: {  	_ =	swait.ge [sflag:s0], $0x2000  }
0x136: {  	[sflag:s0] =	ssyncset.done $0x0  }
0x137: {  	[sflag:s0] =	ssyncadd.s32 $0xFFFFE000  }
0x138: {  	_ =	swait.ge [sflag:s0], $0x2000  }
0x139: {  	[sflag:s0] =	ssyncset.done $0x0  }
0x13a: {  	[sflag:s0] =	ssyncadd.s32 $0xFFFFE000  }
0x13b: {  	_ =	swait.ge [sflag:s0], $0x2000  }
0x13c: {  	[sflag:s0] =	ssyncset.done $0x0  }
0x13d: {  	[sflag:s0] =	ssyncadd.s32 $0xFFFFE000  }
0x13e: {  	_ =	swait.ge [sflag:s0], $0x2000  }
0x13f: {  	[sflag:s0] =	ssyncset.done $0x0  }
0x140: {  	[sflag:s0] =	ssyncadd.s32 $0xFFFFE000  }
0x141: {  	[bflag:$0x0] =	sbarrier.arrive $0xFFFF  }
0x142: {  	s6 =	rddreg [dreg:$0xf]  }
0x143: {  	s8 =	rddreg [dreg:$0x10]  }
0x144: {  	s5 =	rddreg [dreg:$0x12]  }
0x145: {  	[hbm:s8], [sflag:s6] =	dma.local [spmem:s5], $0x1400  }
0x146: {  	_ =	swait.ge [sflag:s10], $0x1400  }
0x147: {  	s7 =	rddreg [dreg:$0x13]  }
0x148: {  	s9 =	rddreg [dreg:$0x11];
	s7 =	sadd.s32 $0x1, s7  }
0x149: {  	p0 =	sne.s32 s7, s9  }
.Ltmp1:
0x14a: {  	_ = 	snop;
	(pc) =	sbr.rel @p0 .LBB2_1-.Ltmp1, $3  }
0x14b: {  	_ =	sdelay $0x1  }
0x14c: {  	[sflag:s10] =	ssyncset.done $0x0  }
0x14d: {  	[sflag:s10] =	ssyncadd.s32 $0xFFFFEC00  }
0x14e: {  	_ =	sfence.sel $0x180000  }
0x14f: {  	[bflag:$0x0] =	sbarrier.arrive $0xFFFF  }
0x150: {  	_ =	strace $0x9000004A  }
0x151: {  	s0 =	stileid.u32;
	[bflag:$0x2] =	sbarrier.arrive $0xFFFF  }
0x152: {  	p0 =	sne.s32 s0, $0x0;
	s0 =	rddreg [dreg:$0x2]  }
0x153: {  	s0 =	sadd.s32 @!p0 $0x100000, s0  }
0x154: {  	[sflag:s0] =	ssyncadd.tile.s32 @!p0 $0x1;
	_ =	shalt  }
.Lfunc_end2:
_tile_overlayer_lowered:
.L_overlay_start_2:
0x155: {  	(tag) =	ssettag $0x2  }
0x156: {  	s0 =	rddreg [dreg:$0x0];
	s2 =	stileid.u32  }
0x157: {  	s1 =	rddreg [dreg:$0x1];
	p0 =	sne.s32 s2, $0x0  }
0x158: {  	s3 =	rddreg [dreg:$0x2];
	[bflag:$0x3] =	sbarrier.arrive $0xFFFF;
	s2 =	simm.s32 @!p0 $0x1C06  }
0x159: {  	[timem:s3], [sflag:s2] =	dma.local @!p0 [hbm:s0], s1  }
0x15a: {  	s0 =	simm.s32 @!p0 $0x6  }
0x15b: {  	_ =	swait.ge @!p0 [sflag:s0], s1  }
0x15c: {  	s1 =	ssub.s32 @!p0 $0x0, s1;
	[sflag:s0] =	ssyncset.done @!p0 $0x0  }
0x15d: {  	[sflag:s0] =	ssyncadd.s32 @!p0 s1  }
0x15e: {  	[bflag:$0x3] =	sbarrier.arrive $0xFFFF  }
0x15f: {  	_ =	shalt  }

// kernel: kernel.7.cloned.1.call-start
scs
__scs_entry_jumppad:
0x0: {  	(pc) =	sbr.rel $0x88, $3  }
0x1: {  	(tag) =	ssettag $0x0;
	lr =	simm.s32 $0x1  }
0x2: {  	[smem:$0x3F97] =	sst lr;
	_ =	strace $0xD0000000  }
0x3: {  	_ = 	snop  }
0x4: {  	_ = 	snop  }
0x5: {  	_ = 	snop  }
0x6: {  	_ = 	snop  }
0x7: {  	_ = 	snop  }
__scs_overlays_trampoline_lowered:
0x8: {  	[smem:$0x3FA6] =	sst s0  }
0x9: {  	[smem:$0x3FA7] =	sst s1  }
0xa: {  	[smem:$0x3FA8] =	sst s2  }
0xb: {  	[smem:$0x3FA9] =	sst s3  }
0xc: {  	[smem:$0x3FAA] =	sst s4  }
0xd: {  	[smem:$0x3FAB] =	sst s5  }
0xe: {  	[smem:$0x3FAC] =	sst s6  }
0xf: {  	[smem:$0x3FAD] =	sst s7  }
0x10: {  	[smem:$0x3FAE] =	sst s8  }
0x11: {  	[smem:$0x3FAF] =	sst s9;
	s0 =	simm.s32 @!p0 $0x0  }
0x12: {  	s1 =	sld [smem:$0x3F95];
	s0 =	simm.s32 @p0 $0x1  }
0x13: {  	[smem:$0x3FB0] =	sst s0;
	s0 =	simm.s32 @!p1 $0x0  }
0x14: {  	s2 =	sld [smem:$0x3F94];
	s0 =	simm.s32 @p1 $0x1  }
0x15: {  	[smem:$0x3FB1] =	sst s0;
	s0 =	simm.s32 @!p2 $0x0  }
0x16: {  	s3 =	sld [smem:$0x3FDB];
	s0 =	simm.s32 @p2 $0x1  }
0x17: {  	s4 =	simm.s32 $0x1BF5;
	[smem:$0x3FB3] =	sst s0  }
0x18: {  	s0 =	sld [smem:$0x3F96];
	_ =	swait.ge [sflag:s4], $0x0  }
0x19: {  	s7 =	sld [smem:$0x3F97]  }
0x1a: {  	s8 =	sadd.s32 $0xFFFFE003, lr  }
0x1b: {  	s9 =	sadd.s32 $0xFFFFFEF7, lr;
	s5 =	simm.s32 $0xFFFFFFFF;
	p2 =	slt.u32 s8, $0xFFFFF086  }
0x1c: {  	p1 =	slt.u32 s9, $0xF7A;
	s5 =	simm.s32 @!p2 $0x0  }
0x1d: {  	s5 =	simm.s32 @p1 $0x1;
	p0 =	seq.s32 s7, s2  }
0x1e: {  	s7 =	smul.u32 @!p0 $0xF7A, s2;
	p2 =	seq.s32 @!p0 s5, $0x0  }
0x1f: {  	s9 =	smul.u32 $0xF7A, s1;
	s8 =	simm.s32 @!p0 $0x1BF5;
	p2 =	por !p2, p0  }
0x20: {  	[sflag:s8] =	ssyncset.s32 @!p0 $0xFFFFF086;
	s6 =	sadd.s32 @!p0 s3, s7;
	s7 =	simm.s32 @!p0 $0x108  }
0x21: {  	s3 =	sadd.s32 s3, s9;
	s6 =	sadd.s32 @!p0 $0x88, s6;
	s7 =	simm.s32 @p2 $0x1082  }
0x22: {  	[simem:s7], [sflag:s8] =	dma.local @!p0 [hbm:s6], $0xF7A  }
0x23: {  	s9 =	sor.u32 $0xD0000000, s2;
	s6 =	simm.s32 $0x108;
	_ =	swait.ge @!p0 [sflag:s8], $0x0  }
0x24: {  	s3 =	sadd.s32 $0x88, s3;
	s6 =	simm.s32 @!p1 $0x1082;
	[sflag:s4] =	ssyncset.s32 $0xFFFFF086  }
0x25: {  	[simem:s6], [sflag:s4] =	dma.local [hbm:s3], $0xF7A  }
0x26: {  	[smem:$0x3F97] =	sst s1;
	(tag) =	ssettag s2;
	_ =	strace s9  }
0x27: {  	s1 =	sld [smem:$0x3FA7]  }
0x28: {  	s2 =	sld [smem:$0x3FA8]  }
0x29: {  	s4 =	sld [smem:$0x3FAA]  }
0x2a: {  	p0 =	seq.s32 s5, $0x0;
	s5 =	sld [smem:$0x3FAB]  }
0x2b: {  	s6 =	sld [smem:$0x3FAC]  }
0x2c: {  	s7 =	sld [smem:$0x3FAD]  }
0x2d: {  	s3 =	simm.s32 $0x108;
	s8 =	sld [smem:$0x3FAE]  }
0x2e: {  	s3 =	simm.s32 @!p0 $0x1082;
	s9 =	sld [smem:$0x3FAF]  }
0x2f: {  	lr =	sadd.s32 s0, s3;
	s0 =	sld [smem:$0x3FA6]  }
0x30: {  	s3 =	sld [smem:$0x3FA9]  }
0x31: {  	[smem:$0x3FB2] =	sst s10  }
0x32: {  	s10 =	sld [smem:$0x3FB0];
	_ =	sdelay $0x3  }
0x33: {  	p0 =	seq.s32 s10, $0x1;
	s10 =	sld [smem:$0x3FB2];
	_ =	sdelay $0x3  }
0x34: {  	[smem:$0x3FB2] =	sst s10  }
0x35: {  	s10 =	sld [smem:$0x3FB1];
	_ =	sdelay $0x3  }
0x36: {  	p1 =	seq.s32 s10, $0x1;
	s10 =	sld [smem:$0x3FB2];
	_ =	sdelay $0x3  }
0x37: {  	[smem:$0x3FB2] =	sst s10  }
0x38: {  	s10 =	sld [smem:$0x3FB3]  }
0x39: {  	_ = 	snop;
	(pc) =	sbr.ind lr, $3  }
0x3a: {  	_ = 	snop  }
0x3b: {  	_ = 	snop  }
0x3c: {  	p2 =	seq.s32 s10, $0x1;
	s10 =	sld [smem:$0x3FB2]  }
0x3d: {  	_ =	shalt  }
0x3e: {  	_ =	shalt  }
0x3f: {  	_ =	shalt  }
0x40: {  	_ =	shalt  }
0x41: {  	_ =	shalt  }
0x42: {  	_ =	shalt  }
0x43: {  	_ =	shalt  }
0x44: {  	_ =	shalt  }
0x45: {  	_ =	shalt  }
0x46: {  	_ =	shalt  }
0x47: {  	_ =	shalt  }
0x48: {  	_ =	shalt  }
0x49: {  	_ =	shalt  }
0x4a: {  	_ =	shalt  }
0x4b: {  	_ =	shalt  }
0x4c: {  	_ =	shalt  }
0x4d: {  	_ =	shalt  }
0x4e: {  	_ =	shalt  }
0x4f: {  	_ =	shalt  }
0x50: {  	_ =	shalt  }
0x51: {  	_ =	shalt  }
0x52: {  	_ =	shalt  }
0x53: {  	_ =	shalt  }
0x54: {  	_ =	shalt  }
0x55: {  	_ =	shalt  }
0x56: {  	_ =	shalt  }
0x57: {  	_ =	shalt  }
0x58: {  	_ =	shalt  }
0x59: {  	_ =	shalt  }
0x5a: {  	_ =	shalt  }
0x5b: {  	_ =	shalt  }
0x5c: {  	_ =	shalt  }
0x5d: {  	_ =	shalt  }
0x5e: {  	_ =	shalt  }
0x5f: {  	_ =	shalt  }
0x60: {  	_ =	shalt  }
0x61: {  	_ =	shalt  }
0x62: {  	_ =	shalt  }
0x63: {  	_ =	shalt  }
0x64: {  	_ =	shalt  }
0x65: {  	_ =	shalt  }
0x66: {  	_ =	shalt  }
0x67: {  	_ =	shalt  }
0x68: {  	_ =	shalt  }
0x69: {  	_ =	shalt  }
0x6a: {  	_ =	shalt  }
0x6b: {  	_ =	shalt  }
0x6c: {  	_ =	shalt  }
0x6d: {  	_ =	shalt  }
0x6e: {  	_ =	shalt  }
0x6f: {  	_ =	shalt  }
0x70: {  	_ =	shalt  }
0x71: {  	_ =	shalt  }
0x72: {  	_ =	shalt  }
0x73: {  	_ =	shalt  }
0x74: {  	_ =	shalt  }
0x75: {  	_ =	shalt  }
0x76: {  	_ =	shalt  }
0x77: {  	_ =	shalt  }
0x78: {  	_ =	shalt  }
0x79: {  	_ =	shalt  }
0x7a: {  	_ =	shalt  }
0x7b: {  	_ =	shalt  }
0x7c: {  	_ =	shalt  }
0x7d: {  	_ =	shalt  }
0x7e: {  	_ =	shalt  }
0x7f: {  	_ =	shalt  }
0x80: {  	_ =	shalt  }
0x81: {  	_ =	shalt  }
0x82: {  	_ =	shalt  }
0x83: {  	_ =	shalt  }
0x84: {  	_ =	shalt  }
0x85: {  	_ =	shalt  }
0x86: {  	_ =	shalt  }
0x87: {  	_ =	shalt  }
.Lfunc_end0:
.L_simem_size_0:
called_computation_lowered:
.L_overlay_start_0:
0x88: {  	s2 =	sld [smem:$0x3FD9]  }
0x89: {  	s3 =	sld [smem:$0x3FFE];
	_ =	sdelay $0x1  }
0x8a: {  	s1 =	srdreg.scid  }
0x8b: {  	s0 =	sand.u32 $0x1, s1  }
0x8c: {  	s17 =	sshll.u32 s0, $0xA;
	s2 =	sadd.s32 s3, s2  }
0x8d: {  	s2 =	sadd.s32 s2, s17  }
0x8e: {  	[smem:$0x3FBE] =	sst s2  }
0x8f: {  	_ = 	snop  }
0x90: {  	s2 =	sld [smem:$0x3FD0];
	(tm) =	ssettm $0x1  }
0x91: {  	s18 =	sld [smem:$0x3FFB];
	_ =	sdelay $0x3  }
0x92: {  	_ =	strace s18  }
0x93: {  	s3 =	sld [smem:$0x3FFC];
	_ =	sdelay $0x3  }
0x94: {  	_ =	strace s3  }
0x95: {  	s3 =	sld [smem:$0x3FFD];
	_ =	sdelay $0x3  }
0x96: {  	_ =	strace s3  }
0x97: {  	_ =	strace $0x8FFFFFFF  }
0x98: {  	s19 =	sld [smem:$0x3FDB];
	_ =	sdelay $0x1  }
0x99: {  	s4 =	simm.s32 $_scs_section_size  }
0x9a: {  	s5 =	simm.s32 $_size__tile_overlayer_lowered;
	s6 =	simm.s32 $_tile_overlayer_lowered  }
0x9b: {  	s22 =	simm.s32 $0x1BFF;
	s21 =	sshll.u32 s6, $0x1;
	s3 =	sadd.s32 s4, s19  }
0x9c: {  	s7 =	simm.s32 $0x0;
	s20 =	sshll.u32 s5, $0x1;
	s5 =	sadd.s32 s21, s3  }
0x9d: {  	[timem:s7], [sflag:s22] =	dma.local [hbm:s5], s20  }
0x9e: {  	_ =	swait.ge [sflag:s22], s20  }
0x9f: {  	s4 =	ssub.s32 $0x0, s20;
	[sflag:s22] =	ssyncset.done $0x0  }
0xa0: {  	[sflag:s22] =	ssyncadd.s32 s4;
	_ =	sdelay $0x1  }
0xa1: {  	s23 =	simm.s32 $0x1B8B  }
0xa2: {  	_ =	swait.ge [sflag:s23], $0x1  }
0xa3: {  	[sflag:s23] =	ssyncset.done $0x0  }
0xa4: {  	s25 =	simm.s32 $0x1B8E;
	s24 =	sld [smem:$0x3FFE];
	[sflag:s23] =	ssyncadd.s32 $0xFFFFFFFF  }
0xa5: {  	s26 =	simm.s32 $execute0_lowered;
	[smem:$0x3FD2] =	sst s25  }
0xa6: {  	s5 =	sshll.u32 s26, $0x1;
	_ =	strace $0x80000046;
	[dreg:$0x1] =	wrdreg $0xFFFFFFFF  }
0xa7: {  	s28 =	simm.s32 $_size_execute0_lowered;
	s3 =	sadd.s32 s3, s5;
	[dreg:$0x0] =	wrdreg $0x0  }
0xa8: {  	s5 =	sshll.u32 s28, $0x1;
	[dreg:$0x2] =	wrdreg s3  }
0xa9: {  	[dreg:$0x3] =	wrdreg s5  }
0xaa: {  	[dreg:$0x4] =	wrdreg $0xC0  }
0xab: {  	_ =	task [dreg:s7], $0x5FFFF  }
0xac: {  	[dreg:$0x1] =	wrdreg $0xFFFFFFFF  }
0xad: {  	[dreg:$0x0] =	wrdreg $0x60  }
0xae: {  	[dreg:$0x2] =	wrdreg s24  }
0xaf: {  	[dreg:$0x3] =	wrdreg s2  }
0xb0: {  	[dreg:$0x4] =	wrdreg $0x108000  }
0xb1: {  	[dreg:$0x5] =	wrdreg $0x1B0000  }
0xb2: {  	[dreg:$0x6] =	wrdreg $0x9  }
0xb3: {  	_ =	task.clear_ibuf [dreg:s7], $0x7FFFF;
	_ =	strace $0x90000046  }
0xb4: {  	s29 =	simm.s32 $0x9;
	_ =	strace $0x80000048  }
0xb5: {  	_ =	swait.ge [sflag:s29], $0x1  }
0xb6: {  	[sflag:s29] =	ssyncadd.s32 $0xFFFFFFFF  }
0xb7: {  	_ =	strace $0x90000048  }
0xb8: {  	_ =	sfence  }
0xb9: {  	s30 =	sld [smem:$0x0];
	_ =	sdelay $0x2  }
0xba: {  	s31 =	sshll.u32 s1, $0xD;
	s1 =	sshrl.u32 s1, $0x2  }
0xbb: {  	s3 =	sand.u32 $0x4000, s31;
	s1 =	sadd.s32 s1, s30  }
0xbc: {  	s0 =	sor.u32 s3, s0;
	s1 =	sshll.u32 s1, $0x11  }
0xbd: {  	s0 =	sor.u32 s1, s0  }
0xbe: {  	s0 =	sadd.s32 $0x8F2B, s0  }
0xbf: {  	[sflag:s0] =	ssyncadd.remote.s32 $0x1  }
0xc0: {  	_ =	sfence.sel $0xFFFF  }
0xc1: {  	[dreg:$0x0] =	wrdreg $0xFFFFFFFF;
	(pc) =	sbr.abs _section_cstart, $3  }
0xc2: {  	[dreg:$0x1] =	wrdreg $0xFFFFFFFF  }
0xc3: {  	_ =	task.clear_ibuf [dreg:s7], $0x2FFFF;
	_ =	strace $0x9FFFFFFF  }
0xc4: {  	(tm) =	ssettm $0x7FFFFFFF  }
0xc5: {  	_ =	shalt  }
tec
execute0_lowered:
.L_overlay_start_1:
0x0: {  	(tag) =	ssettag $0x1  }
0x1: {  	s0 =	rddreg [dreg:$0x0]  }
0x2: {  	s3 =	rddreg [dreg:$0x2]  }
0x3: {  	s4 =	rddreg [dreg:$0x3]  }
0x4: {  	s1 =	srdreg.scid;
	s15 =	stileid.u32;
	s5 =	simm.s32 $0x0  }
0x5: {  	s22 =	simm.s32 $0x100;
	s23 =	simm.s32 $0x180;
	s24 =	simm.s32 $0x280  }
0x6: {  	s30 =	simm.s32 $0x5;
	s31 =	simm.s32 $0x8800;
	s28 =	simm.s32 $0x4800  }
0x7: {  	s29 =	simm.s32 $0x6800;
	s1 =	sand.u32 $0x1, s1;
	s2 =	smul.u32 $0xA000, s15  }
0x8: {  	[smem:$0x7FF] =	sst s5;
	s6 =	sadd.s32 $0x16000, s0;
	s8 =	smul.u32 $0x2800, s15  }
0x9: {  	s9 =	sadd.s32 $0xC000, s0;
	s12 =	sadd.s32 $0x29A00, s0;
	s25 =	smul.u32 $0x5000, s15  }
0xa: {  	s13 =	sadd.s32 $0x2AE00, s0;
	_ =	strace $0x80000047;
	[dreg:$0xe] =	wrdreg s12  }
0xb: {  	s10 =	sadd.s32 $0x2000, s0;
	s7 =	smul.u32 $0xA0000, s1;
	[dreg:$0xf] =	wrdreg s13  }
0xc: {  	s16 =	sshll.u32 s15, $0x6;
	s11 =	smul.u32 $0x28000, s1;
	[dreg:$0x9] =	wrdreg s22  }
0xd: {  	s15 =	simm.s32 $0x6;
	s26 =	smul.u32 $0x2800, s1;
	[dreg:$0xa] =	wrdreg s23  }
0xe: {  	s1 =	ssub.s32 $0x2, s1;
	[dreg:$0xb] =	wrdreg s24;
	s24 =	simm.s32 $0x600  }
0xf: {  	s13 =	simm.s32 $0x4;
	s14 =	sshrl.u32 s1, $0x1;
	s7 =	sadd.s32 s2, s7  }
0x10: {  	s11 =	sadd.s32 s8, s11;
	s12 =	sadd.s32 s26, s25;
	s1 =	ssub.s32 s1, s14  }
0x11: {  	s2 =	sadd.s32 s2, s3;
	s8 =	sadd.s32 s8, s4;
	s25 =	simm.s32 $0x300  }
0x12: {  	s26 =	simm.s32 $0x380;
	s7 =	sshrl.u32 s7, $0x3;
	[dreg:$0x11] =	wrdreg s8  }
0x13: {  	s11 =	sshrl.u32 s11, $0x3;
	s14 =	sor.u32 $0x200, s12;
	[dreg:$0xc] =	wrdreg s25  }
0x14: {  	s19 =	sshrl.u32 s12, $0x3;
	s1 =	smax.u32 s1, $0x1;
	[dreg:$0xd] =	wrdreg s26  }
0x15: {  	s25 =	simm.s32 $0x1;
	s8 =	simm.s32 $0x680;
	s12 =	simm.s32 $0x3  }
0x16: {  	s7 =	sadd.s32 s7, s0;
	s20 =	sadd.s32 s19, s10;
	[dreg:$0x14] =	wrdreg s1  }
0x17: {  	s0 =	sadd.s32 s11, s0;
	s21 =	sadd.s32 s19, s9;
	[dreg:$0x7] =	wrdreg s20  }
0x18: {  	s11 =	sshrl.u32 s14, $0x3;
	s14 =	sor.u32 $0x1C06, s16;
	[dreg:$0x8] =	wrdreg s21  }
0x19: {  	s19 =	sshrl.u32 s2, $0x3;
	s16 =	simm.s32 $0x1A800;
	[dreg:$0x10] =	wrdreg s14  }
0x1a: {  	s2 =	simm.s32 $0xC800;
	s17 =	sadd.s32 s11, s10;
	[dreg:$0x15] =	wrdreg s19  }
0x1b: {  	s1 =	simm.s32 $0xE800;
	s7 =	sadd.s32 $0x35400, s7;
	[dreg:$0x5] =	wrdreg s17  }
0x1c: {  	s18 =	sadd.s32 s11, s9;
	s0 =	sadd.s32 $0x2B400, s0;
	[dreg:$0x12] =	wrdreg s7  }
0x1d: {  	s10 =	simm.s32 $0x700;
	s11 =	simm.s32 $0x780;
	[dreg:$0x6] =	wrdreg s18  }
0x1e: {  	s20 =	simm.s32 $0x0;
	[dreg:$0x13] =	wrdreg s0;
	s17 =	simm.s32 $0x400  }
0x1f: {  	s18 =	simm.s32 $0x80;
	s0 =	simm.s32 $0xA800;
	s7 =	simm.s32 $0x2  }
.LBB2_1:
0x20: {  	[dreg:$0x16] =	wrdreg s20  }
0x21: {  	s9 =	rddreg [dreg:$0xe]  }
0x22: {  	[spmem:s19], [sflag:s14] =	dma.local [hbm:s9], $0x1400  }
0x23: {  	_ =	swait.ge [sflag:s15], $0x1400  }
0x24: {  	s22 =	rddreg [dreg:$0x11]  }
0x25: {  	[sflag:s15] =	ssyncset.done $0x0;
	s26 =	rddreg [dreg:$0xf];
	s23 =	sshrl.u32 s22, $0x3  }
0x26: {  	[sflag:s15] =	ssyncadd.s32 $0xFFFFEC00;
	[dreg:$0x17] =	wrdreg s23  }
0x27: {  	[spmem:s23], [sflag:s14] =	dma.local [hbm:s26], $0x500  }
0x28: {  	_ =	swait.ge [sflag:s15], $0x500  }
0x29: {  	[sflag:s15] =	ssyncset.done $0x0  }
0x2a: {  	[sflag:s15] =	ssyncadd.s32 $0xFFFFFB00  }
0x2b: {  	s20 =	rddreg [dreg:$0x1]  }
0x2c: {  	[tilespmem:s16], [sflag:$0x6] =	stream.linear.gather [hbm4b:s20+s5], $0x800, $0x38;
	[tilespmem:$0x1D800] =	vst v63  }
0x2d: {  	_ =	swait.ge [sflag:s15], $0x800  }
0x2e: {  	[sflag:s15] =	ssyncset.done $0x0  }
0x2f: {  	[sflag:s15] =	ssyncadd.s32 $0xFFFFF800  }
0x30: {  	[bflag:$0x0] =	sbarrier.arrive $0xFFFF  }
0x31: {  	s21 =	rddreg [dreg:$0x8]  }
0x32: {  	s9 =	sadd.s32 $0x0, s21  }
0x33: {  	[tilespmem:s5], [sflag:$0x6] =	stream.linear.gather [hbm4b:s9+s5], $0x200, $0x38;
	[tilespmem:$0x1D800] =	vst v63  }
0x34: {  	_ =	swait.ge [sflag:s15], $0x200  }
0x35: {  	s22 =	rddreg [dreg:$0x7];
	[sflag:s15] =	ssyncset.done $0x0  }
0x36: {  	[sflag:s15] =	ssyncadd.s32 $0xFFFFFE00;
	s9 =	sadd.s32 $0x0, s22  }
0x37: {  	[tilespmem:s17], [sflag:$0x6] =	stream.linear.gather [hbm4b:s9+s5], $0x200, $0x38;
	[tilespmem:$0x1D800] =	vst v63  }
0x38: {  	_ =	swait.ge [sflag:s15], $0x200  }
0x39: {  	[sflag:s15] =	ssyncset.done $0x0  }
0x3a: {  	s20 =	simm.s32 $0x800;
	[sflag:s15] =	ssyncadd.s32 $0xFFFFFE00  }
0x3b: {  	[tilespmem:s20], [sflag:$0x1] =	stream.indirect.gather [hbm4b:s6+s18], $0x40, s5, s18, $0xb8;
	[tilespmem:$0x1D800] =	vst v63  }
0x3c: {  	s21 =	simm.s32 $0x2800;
	s9 =	rddreg [dreg:$0x6]  }
0x3d: {  	[tilespmem:s21], [sflag:$0x1] =	stream.indirect.gather [hbm4b:s6+s18], $0x40, s18, s18, $0xb8;
	[tilespmem:$0x1D800] =	vst v63  }
0x3e: {  	s22 =	simm.s32 $0x4800;
	s23 =	rddreg [dreg:$0x9]  }
0x3f: {  	[tilespmem:s22], [sflag:$0x1] =	stream.indirect.gather [hbm4b:s6+s18], $0x40, s23, s18, $0xb8;
	[tilespmem:$0x1D800] =	vst v63  }
0x40: {  	s19 =	rddreg [dreg:$0xa];
	s23 =	simm.s32 $0x6800  }
0x41: {  	[tilespmem:s23], [sflag:$0x1] =	stream.indirect.gather [hbm4b:s6+s18], $0x40, s19, s18, $0xb8;
	[tilespmem:$0x1D800] =	vst v63  }
0x42: {  	s26 =	rddreg [dreg:$0x5];
	s9 =	sadd.s32 $0x0, s9;
	s19 =	simm.s32 $0x200  }
0x43: {  	[tilespmem:s19], [sflag:$0x5] =	stream.linear.gather [hbm4b:s9+s5], $0x200, $0x38;
	[tilespmem:$0x1D800] =	vst v63  }
0x44: {  	s26 =	sadd.s32 $0x0, s26  }
0x45: {  	[tilespmem:s24], [sflag:$0x5] =	stream.linear.gather [hbm4b:s26+s5], $0x200, $0x38;
	[tilespmem:$0x1D800] =	vst v63  }
0x46: {  	_ =	swait.ge [sflag:s25], $0x2000  }
0x47: {  	[sflag:s25] =	ssyncset.done $0x0  }
0x48: {  	[sflag:s25] =	ssyncadd.s32 $0xFFFFE000  }
0x49: {  	_ =	swait.ge [sflag:s25], $0x2000  }
0x4a: {  	[sflag:s25] =	ssyncset.done $0x0  }
0x4b: {  	[sflag:s25] =	ssyncadd.s32 $0xFFFFE000  }
0x4c: {  	_ =	swait.ge [sflag:s25], $0x2000  }
0x4d: {  	[sflag:s25] =	ssyncset.done $0x0  }
0x4e: {  	[sflag:s25] =	ssyncadd.s32 $0xFFFFE000  }
0x4f: {  	_ =	swait.ge [sflag:s25], $0x2000  }
0x50: {  	[sflag:s25] =	ssyncset.done $0x0  }
0x51: {  	[sflag:s25] =	ssyncadd.s32 $0xFFFFE000  }
0x52: {  	[spmem:s3] =	stream.indirect.scatter.add.f32 [tilespmem:s20], [sflag:$0x3], $0x40, s17, s18, $0xb8;
	[tilespmem:$0x1D800] =	vst v63  }
0x53: {  	_ = 	snop  }
0x54: {  	[spmem:s4] =	stream.indirect.scatter.add.f32 [tilespmem:s16], [sflag:$0x3], $0x10, s17, s18, $0xb8;
	[tilespmem:$0x1D800] =	vst v63  }
0x55: {  	s14 =	simm.s32 $0x480  }
0x56: {  	[spmem:s3] =	stream.indirect.scatter.add.f32 [tilespmem:s21], [sflag:$0x3], $0x40, s14, s18, $0xb8;
	[tilespmem:$0x1D800] =	vst v63  }
0x57: {  	_ = 	snop  }
0x58: {  	[spmem:s4] =	stream.indirect.scatter.add.f32 [tilespmem:s16], [sflag:$0x3], $0x10, s14, s18, $0xb8;
	[tilespmem:$0x1D800] =	vst v63  }
0x59: {  	s20 =	simm.s32 $0x500  }
0x5a: {  	[spmem:s3] =	stream.indirect.scatter.add.f32 [tilespmem:s22], [sflag:$0x3], $0x40, s20, s18, $0xb8;
	[tilespmem:$0x1D800] =	vst v63  }
0x5b: {  	_ = 	snop  }
0x5c: {  	[spmem:s4] =	stream.indirect.scatter.add.f32 [tilespmem:s16], [sflag:$0x3], $0x10, s20, s18, $0xb8;
	[tilespmem:$0x1D800] =	vst v63  }
0x5d: {  	s21 =	simm.s32 $0x580  }
0x5e: {  	[spmem:s3] =	stream.indirect.scatter.add.f32 [tilespmem:s23], [sflag:$0x3], $0x40, s21, s18, $0xb8;
	[tilespmem:$0x1D800] =	vst v63  }
0x5f: {  	_ = 	snop  }
0x60: {  	[spmem:s4] =	stream.indirect.scatter.add.f32 [tilespmem:s16], [sflag:$0x3], $0x10, s21, s18, $0xb8;
	[tilespmem:$0x1D800] =	vst v63  }
0x61: {  	_ =	swait.ge [sflag:s30], $0x200  }
0x62: {  	[sflag:s30] =	ssyncset.done $0x0  }
0x63: {  	[sflag:s30] =	ssyncadd.s32 $0xFFFFFE00  }
0x64: {  	_ =	swait.ge [sflag:s30], $0x200  }
0x65: {  	[sflag:s30] =	ssyncset.done $0x0  }
0x66: {  	[sflag:s30] =	ssyncadd.s32 $0xFFFFFE00  }
0x67: {  	[tilespmem:s31], [sflag:$0x2] =	stream.indirect.gather [hbm4b:s6+s18], $0x40, s19, s18, $0xb8;
	[tilespmem:$0x1D800] =	vst v63  }
0x68: {  	s22 =	rddreg [dreg:$0xb]  }
0x69: {  	[tilespmem:s0], [sflag:$0x2] =	stream.indirect.gather [hbm4b:s6+s18], $0x40, s22, s18, $0xb8;
	[tilespmem:$0x1D800] =	vst v63  }
0x6a: {  	s23 =	rddreg [dreg:$0xc]  }
0x6b: {  	[tilespmem:s2], [sflag:$0x2] =	stream.indirect.gather [hbm4b:s6+s18], $0x40, s23, s18, $0xb8;
	[tilespmem:$0x1D800] =	vst v63  }
0x6c: {  	s26 =	rddreg [dreg:$0xd]  }
0x6d: {  	[tilespmem:s1], [sflag:$0x2] =	stream.indirect.gather [hbm4b:s6+s18], $0x40, s26, s18, $0xb8;
	[tilespmem:$0x1D800] =	vst v63  }
0x6e: {  	_ =	swait.ge [sflag:s7], $0x2000  }
0x6f: {  	[sflag:s7] =	ssyncset.done $0x0  }
0x70: {  	[sflag:s7] =	ssyncadd.s32 $0xFFFFE000  }
0x71: {  	_ =	swait.ge [sflag:s7], $0x2000  }
0x72: {  	[sflag:s7] =	ssyncset.done $0x0  }
0x73: {  	[sflag:s7] =	ssyncadd.s32 $0xFFFFE000  }
0x74: {  	_ =	swait.ge [sflag:s7], $0x2000  }
0x75: {  	[sflag:s7] =	ssyncset.done $0x0  }
0x76: {  	[sflag:s7] =	ssyncadd.s32 $0xFFFFE000  }
0x77: {  	_ =	swait.ge [sflag:s7], $0x2000  }
0x78: {  	[sflag:s7] =	ssyncset.done $0x0  }
0x79: {  	[sflag:s7] =	ssyncadd.s32 $0xFFFFE000  }
0x7a: {  	[spmem:s3] =	stream.indirect.scatter.add.f32 [tilespmem:s31], [sflag:$0x4], $0x40, s24, s18, $0xb8;
	[tilespmem:$0x1D800] =	vst v63  }
0x7b: {  	_ = 	snop  }
0x7c: {  	[spmem:s4] =	stream.indirect.scatter.add.f32 [tilespmem:s16], [sflag:$0x4], $0x10, s24, s18, $0xb8;
	[tilespmem:$0x1D800] =	vst v63  }
0x7d: {  	_ = 	snop  }
0x7e: {  	[spmem:s3] =	stream.indirect.scatter.add.f32 [tilespmem:s0], [sflag:$0x4], $0x40, s8, s18, $0xb8;
	[tilespmem:$0x1D800] =	vst v63  }
0x7f: {  	_ = 	snop  }
0x80: {  	[spmem:s4] =	stream.indirect.scatter.add.f32 [tilespmem:s16], [sflag:$0x4], $0x10, s8, s18, $0xb8;
	[tilespmem:$0x1D800] =	vst v63  }
0x81: {  	_ = 	snop  }
0x82: {  	[spmem:s3] =	stream.indirect.scatter.add.f32 [tilespmem:s2], [sflag:$0x4], $0x40, s10, s18, $0xb8;
	[tilespmem:$0x1D800] =	vst v63  }
0x83: {  	_ = 	snop  }
0x84: {  	[spmem:s4] =	stream.indirect.scatter.add.f32 [tilespmem:s16], [sflag:$0x4], $0x10, s10, s18, $0xb8;
	[tilespmem:$0x1D800] =	vst v63  }
0x85: {  	_ = 	snop  }
0x86: {  	[spmem:s3] =	stream.indirect.scatter.add.f32 [tilespmem:s1], [sflag:$0x4], $0x40, s11, s18, $0xb8;
	[tilespmem:$0x1D800] =	vst v63  }
0x87: {  	_ = 	snop  }
0x88: {  	[spmem:s4] =	stream.indirect.scatter.add.f32 [tilespmem:s16], [sflag:$0x4], $0x10, s11, s18, $0xb8;
	[tilespmem:$0x1D800] =	vst v63  }
0x89: {  	_ =	swait.ge [sflag:s12], $0x2000  }
0x8a: {  	[sflag:s12] =	ssyncset.done $0x0  }
0x8b: {  	[sflag:s12] =	ssyncadd.s32 $0xFFFFE000  }
0x8c: {  	_ =	swait.ge [sflag:s12], $0x800  }
0x8d: {  	[sflag:s12] =	ssyncset.done $0x0  }
0x8e: {  	[sflag:s12] =	ssyncadd.s32 $0xFFFFF800  }
0x8f: {  	_ =	swait.ge [sflag:s12], $0x2000  }
0x90: {  	[sflag:s12] =	ssyncset.done $0x0  }
0x91: {  	[sflag:s12] =	ssyncadd.s32 $0xFFFFE000  }
0x92: {  	_ =	swait.ge [sflag:s12], $0x800  }
0x93: {  	[sflag:s12] =	ssyncset.done $0x0  }
0x94: {  	[sflag:s12] =	ssyncadd.s32 $0xFFFFF800  }
0x95: {  	_ =	swait.ge [sflag:s12], $0x2000  }
0x96: {  	[sflag:s12] =	ssyncset.done $0x0  }
0x97: {  	[sflag:s12] =	ssyncadd.s32 $0xFFFFE000  }
0x98: {  	_ =	swait.ge [sflag:s12], $0x800  }
0x99: {  	[sflag:s12] =	ssyncset.done $0x0  }
0x9a: {  	[sflag:s12] =	ssyncadd.s32 $0xFFFFF800  }
0x9b: {  	_ =	swait.ge [sflag:s12], $0x2000  }
0x9c: {  	[sflag:s12] =	ssyncset.done $0x0  }
0x9d: {  	[sflag:s12] =	ssyncadd.s32 $0xFFFFE000  }
0x9e: {  	_ =	swait.ge [sflag:s12], $0x800  }
0x9f: {  	[sflag:s12] =	ssyncset.done $0x0  }
0xa0: {  	[sflag:s12] =	ssyncadd.s32 $0xFFFFF800  }
0xa1: {  	_ =	swait.ge [sflag:s13], $0x2000  }
0xa2: {  	[sflag:s13] =	ssyncset.done $0x0  }
0xa3: {  	[sflag:s13] =	ssyncadd.s32 $0xFFFFE000  }
0xa4: {  	_ =	swait.ge [sflag:s13], $0x800  }
0xa5: {  	[sflag:s13] =	ssyncset.done $0x0  }
0xa6: {  	[sflag:s13] =	ssyncadd.s32 $0xFFFFF800  }
0xa7: {  	_ =	swait.ge [sflag:s13], $0x2000  }
0xa8: {  	[sflag:s13] =	ssyncset.done $0x0  }
0xa9: {  	[sflag:s13] =	ssyncadd.s32 $0xFFFFE000  }
0xaa: {  	_ =	swait.ge [sflag:s13], $0x800  }
0xab: {  	[sflag:s13] =	ssyncset.done $0x0  }
0xac: {  	[sflag:s13] =	ssyncadd.s32 $0xFFFFF800  }
0xad: {  	_ =	swait.ge [sflag:s13], $0x2000  }
0xae: {  	[sflag:s13] =	ssyncset.done $0x0  }
0xaf: {  	[sflag:s13] =	ssyncadd.s32 $0xFFFFE000  }
0xb0: {  	_ =	swait.ge [sflag:s13], $0x800  }
0xb1: {  	[sflag:s13] =	ssyncset.done $0x0  }
0xb2: {  	[sflag:s13] =	ssyncadd.s32 $0xFFFFF800  }
0xb3: {  	_ =	swait.ge [sflag:s13], $0x2000  }
0xb4: {  	[sflag:s13] =	ssyncset.done $0x0  }
0xb5: {  	[sflag:s13] =	ssyncadd.s32 $0xFFFFE000  }
0xb6: {  	s9 =	simm.s32 $0x80;
	_ =	swait.ge [sflag:s13], $0x800  }
0xb7: {  	s14 =	simm.s32 $0x100;
	s19 =	rddreg [dreg:$0x8];
	[sflag:s13] =	ssyncset.done $0x0  }
.LBB2_2:
0xb8: {  	[sflag:s13] =	ssyncadd.s32 $0xFFFFF800;
	s19 =	sadd.s32 s9, s19  }
0xb9: {  	[tilespmem:s5], [sflag:$0x6] =	stream.linear.gather [hbm4b:s19+s5], $0x200, $0x38;
	[tilespmem:$0x1D800] =	vst v63  }
0xba: {  	_ =	swait.ge [sflag:s15], $0x200  }
0xbb: {  	s26 =	rddreg [dreg:$0x7];
	[sflag:s15] =	ssyncset.done $0x0  }
0xbc: {  	[sflag:s15] =	ssyncadd.s32 $0xFFFFFE00;
	s19 =	sadd.s32 s9, s26  }
0xbd: {  	[tilespmem:s17], [sflag:$0x6] =	stream.linear.gather [hbm4b:s19+s5], $0x200, $0x38;
	[tilespmem:$0x1D800] =	vst v63  }
0xbe: {  	_ =	swait.ge [sflag:s15], $0x200  }
0xbf: {  	[sflag:s15] =	ssyncset.done $0x0  }
0xc0: {  	s23 =	simm.s32 $0x800;
	[sflag:s15] =	ssyncadd.s32 $0xFFFFFE00  }
0xc1: {  	[tilespmem:s23], [sflag:$0x1] =	stream.indirect.gather [hbm4b:s6+s18], $0x40, s5, s18, $0xb8;
	[tilespmem:$0x1D800] =	vst v63  }
0xc2: {  	s26 =	simm.s32 $0x2800;
	s19 =	rddreg [dreg:$0x6]  }
0xc3: {  	[tilespmem:s26], [sflag:$0x1] =	stream.indirect.gather [hbm4b:s6+s18], $0x40, s18, s18, $0xb8;
	[tilespmem:$0x1D800] =	vst v63  }
0xc4: {  	s21 =	rddreg [dreg:$0x9]  }
0xc5: {  	[tilespmem:s28], [sflag:$0x1] =	stream.indirect.gather [hbm4b:s6+s18], $0x40, s21, s18, $0xb8;
	[tilespmem:$0x1D800] =	vst v63  }
0xc6: {  	s22 =	rddreg [dreg:$0xa]  }
0xc7: {  	[tilespmem:s29], [sflag:$0x1] =	stream.indirect.gather [hbm4b:s6+s18], $0x40, s22, s18, $0xb8;
	[tilespmem:$0x1D800] =	vst v63  }
0xc8: {  	s19 =	sadd.s32 s9, s19;
	s21 =	rddreg [dreg:$0x5];
	s22 =	simm.s32 $0x200  }
0xc9: {  	[tilespmem:s22], [sflag:$0x5] =	stream.linear.gather [hbm4b:s19+s5], $0x200, $0x38;
	[tilespmem:$0x1D800] =	vst v63  }
0xca: {  	s21 =	sadd.s32 s9, s21  }
0xcb: {  	[tilespmem:s24], [sflag:$0x5] =	stream.linear.gather [hbm4b:s21+s5], $0x200, $0x38;
	[tilespmem:$0x1D800] =	vst v63  }
0xcc: {  	_ =	swait.ge [sflag:s25], $0x2000  }
0xcd: {  	[sflag:s25] =	ssyncset.done $0x0  }
0xce: {  	[sflag:s25] =	ssyncadd.s32 $0xFFFFE000  }
0xcf: {  	_ =	swait.ge [sflag:s25], $0x2000  }
0xd0: {  	[sflag:s25] =	ssyncset.done $0x0  }
0xd1: {  	[sflag:s25] =	ssyncadd.s32 $0xFFFFE000  }
0xd2: {  	_ =	swait.ge [sflag:s25], $0x2000  }
0xd3: {  	[sflag:s25] =	ssyncset.done $0x0  }
0xd4: {  	[sflag:s25] =	ssyncadd.s32 $0xFFFFE000  }
0xd5: {  	_ =	swait.ge [sflag:s25], $0x2000  }
0xd6: {  	[sflag:s25] =	ssyncset.done $0x0  }
0xd7: {  	[sflag:s25] =	ssyncadd.s32 $0xFFFFE000  }
0xd8: {  	[spmem:s3] =	stream.indirect.scatter.add.f32 [tilespmem:s23], [sflag:$0x3], $0x40, s17, s18, $0xb8;
	[tilespmem:$0x1D800] =	vst v63  }
0xd9: {  	_ = 	snop  }
0xda: {  	[spmem:s4] =	stream.indirect.scatter.add.f32 [tilespmem:s16], [sflag:$0x3], $0x10, s17, s18, $0xb8;
	[tilespmem:$0x1D800] =	vst v63  }
0xdb: {  	s23 =	simm.s32 $0x480  }
0xdc: {  	[spmem:s3] =	stream.indirect.scatter.add.f32 [tilespmem:s26], [sflag:$0x3], $0x40, s23, s18, $0xb8;
	[tilespmem:$0x1D800] =	vst v63  }
0xdd: {  	_ = 	snop  }
0xde: {  	[spmem:s4] =	stream.indirect.scatter.add.f32 [tilespmem:s16], [sflag:$0x3], $0x10, s23, s18, $0xb8;
	[tilespmem:$0x1D800] =	vst v63  }
0xdf: {  	s26 =	simm.s32 $0x500  }
0xe0: {  	[spmem:s3] =	stream.indirect.scatter.add.f32 [tilespmem:s28], [sflag:$0x3], $0x40, s26, s18, $0xb8;
	[tilespmem:$0x1D800] =	vst v63  }
0xe1: {  	s20 =	smov.u32 s14  }
0xe2: {  	[spmem:s4] =	stream.indirect.scatter.add.f32 [tilespmem:s16], [sflag:$0x3], $0x10, s26, s18, $0xb8;
	[tilespmem:$0x1D800] =	vst v63  }
0xe3: {  	s9 =	smov.u32 s20;
	s20 =	simm.s32 $0x580  }
0xe4: {  	[spmem:s3] =	stream.indirect.scatter.add.f32 [tilespmem:s29], [sflag:$0x3], $0x40, s20, s18, $0xb8;
	[tilespmem:$0x1D800] =	vst v63  }
0xe5: {  	_ = 	snop  }
0xe6: {  	[spmem:s4] =	stream.indirect.scatter.add.f32 [tilespmem:s16], [sflag:$0x3], $0x10, s20, s18, $0xb8;
	[tilespmem:$0x1D800] =	vst v63  }
0xe7: {  	_ =	swait.ge [sflag:s30], $0x200  }
0xe8: {  	[sflag:s30] =	ssyncset.done $0x0  }
0xe9: {  	[sflag:s30] =	ssyncadd.s32 $0xFFFFFE00  }
0xea: {  	_ =	swait.ge [sflag:s30], $0x200  }
0xeb: {  	[sflag:s30] =	ssyncset.done $0x0  }
0xec: {  	[sflag:s30] =	ssyncadd.s32 $0xFFFFFE00  }
0xed: {  	[tilespmem:s31], [sflag:$0x2] =	stream.indirect.gather [hbm4b:s6+s18], $0x40, s22, s18, $0xb8;
	[tilespmem:$0x1D800] =	vst v63  }
0xee: {  	s21 =	rddreg [dreg:$0xb]  }
0xef: {  	[tilespmem:s0], [sflag:$0x2] =	stream.indirect.gather [hbm4b:s6+s18], $0x40, s21, s18, $0xb8;
	[tilespmem:$0x1D800] =	vst v63  }
0xf0: {  	s23 =	rddreg [dreg:$0xc]  }
0xf1: {  	[tilespmem:s2], [sflag:$0x2] =	stream.indirect.gather [hbm4b:s6+s18], $0x40, s23, s18, $0xb8;
	[tilespmem:$0x1D800] =	vst v63  }
0xf2: {  	s26 =	rddreg [dreg:$0xd]  }
0xf3: {  	[tilespmem:s1], [sflag:$0x2] =	stream.indirect.gather [hbm4b:s6+s18], $0x40, s26, s18, $0xb8;
	[tilespmem:$0x1D800] =	vst v63  }
0xf4: {  	_ =	swait.ge [sflag:s7], $0x2000  }
0xf5: {  	[sflag:s7] =	ssyncset.done $0x0  }
0xf6: {  	[sflag:s7] =	ssyncadd.s32 $0xFFFFE000  }
0xf7: {  	_ =	swait.ge [sflag:s7], $0x2000  }
0xf8: {  	[sflag:s7] =	ssyncset.done $0x0  }
0xf9: {  	[sflag:s7] =	ssyncadd.s32 $0xFFFFE000  }
0xfa: {  	_ =	swait.ge [sflag:s7], $0x2000  }
0xfb: {  	[sflag:s7] =	ssyncset.done $0x0  }
0xfc: {  	[sflag:s7] =	ssyncadd.s32 $0xFFFFE000  }
0xfd: {  	_ =	swait.ge [sflag:s7], $0x2000  }
0xfe: {  	[sflag:s7] =	ssyncset.done $0x0  }
0xff: {  	[sflag:s7] =	ssyncadd.s32 $0xFFFFE000  }
0x100: {  	[spmem:s3] =	stream.indirect.scatter.add.f32 [tilespmem:s31], [sflag:$0x4], $0x40, s24, s18, $0xb8;
	[tilespmem:$0x1D800] =	vst v63  }
0x101: {  	_ = 	snop  }
0x102: {  	[spmem:s4] =	stream.indirect.scatter.add.f32 [tilespmem:s16], [sflag:$0x4], $0x10, s24, s18, $0xb8;
	[tilespmem:$0x1D800] =	vst v63  }
0x103: {  	_ = 	snop  }
0x104: {  	[spmem:s3] =	stream.indirect.scatter.add.f32 [tilespmem:s0], [sflag:$0x4], $0x40, s8, s18, $0xb8;
	[tilespmem:$0x1D800] =	vst v63  }
0x105: {  	_ = 	snop  }
0x106: {  	[spmem:s4] =	stream.indirect.scatter.add.f32 [tilespmem:s16], [sflag:$0x4], $0x10, s8, s18, $0xb8;
	[tilespmem:$0x1D800] =	vst v63  }
0x107: {  	_ = 	snop  }
0x108: {  	[spmem:s3] =	stream.indirect.scatter.add.f32 [tilespmem:s2], [sflag:$0x4], $0x40, s10, s18, $0xb8;
	[tilespmem:$0x1D800] =	vst v63  }
0x109: {  	_ = 	snop  }
0x10a: {  	[spmem:s4] =	stream.indirect.scatter.add.f32 [tilespmem:s16], [sflag:$0x4], $0x10, s10, s18, $0xb8;
	[tilespmem:$0x1D800] =	vst v63  }
0x10b: {  	_ = 	snop  }
0x10c: {  	[spmem:s3] =	stream.indirect.scatter.add.f32 [tilespmem:s1], [sflag:$0x4], $0x40, s11, s18, $0xb8;
	[tilespmem:$0x1D800] =	vst v63  }
0x10d: {  	_ = 	snop  }
0x10e: {  	[spmem:s4] =	stream.indirect.scatter.add.f32 [tilespmem:s16], [sflag:$0x4], $0x10, s11, s18, $0xb8;
	[tilespmem:$0x1D800] =	vst v63  }
0x10f: {  	_ =	swait.ge [sflag:s12], $0x2000  }
0x110: {  	[sflag:s12] =	ssyncset.done $0x0  }
0x111: {  	[sflag:s12] =	ssyncadd.s32 $0xFFFFE000  }
0x112: {  	_ =	swait.ge [sflag:s12], $0x800  }
0x113: {  	[sflag:s12] =	ssyncset.done $0x0  }
0x114: {  	[sflag:s12] =	ssyncadd.s32 $0xFFFFF800  }
0x115: {  	_ =	swait.ge [sflag:s12], $0x2000  }
0x116: {  	[sflag:s12] =	ssyncset.done $0x0  }
0x117: {  	[sflag:s12] =	ssyncadd.s32 $0xFFFFE000  }
0x118: {  	_ =	swait.ge [sflag:s12], $0x800  }
0x119: {  	[sflag:s12] =	ssyncset.done $0x0  }
0x11a: {  	[sflag:s12] =	ssyncadd.s32 $0xFFFFF800  }
0x11b: {  	_ =	swait.ge [sflag:s12], $0x2000  }
0x11c: {  	[sflag:s12] =	ssyncset.done $0x0  }
0x11d: {  	[sflag:s12] =	ssyncadd.s32 $0xFFFFE000  }
0x11e: {  	_ =	swait.ge [sflag:s12], $0x800  }
0x11f: {  	[sflag:s12] =	ssyncset.done $0x0  }
0x120: {  	[sflag:s12] =	ssyncadd.s32 $0xFFFFF800  }
0x121: {  	_ =	swait.ge [sflag:s12], $0x2000  }
0x122: {  	[sflag:s12] =	ssyncset.done $0x0  }
0x123: {  	[sflag:s12] =	ssyncadd.s32 $0xFFFFE000  }
0x124: {  	_ =	swait.ge [sflag:s12], $0x800  }
0x125: {  	[sflag:s12] =	ssyncset.done $0x0  }
0x126: {  	[sflag:s12] =	ssyncadd.s32 $0xFFFFF800  }
0x127: {  	_ =	swait.ge [sflag:s13], $0x2000  }
0x128: {  	[sflag:s13] =	ssyncset.done $0x0  }
0x129: {  	[sflag:s13] =	ssyncadd.s32 $0xFFFFE000  }
0x12a: {  	_ =	swait.ge [sflag:s13], $0x800  }
0x12b: {  	[sflag:s13] =	ssyncset.done $0x0  }
0x12c: {  	[sflag:s13] =	ssyncadd.s32 $0xFFFFF800  }
0x12d: {  	_ =	swait.ge [sflag:s13], $0x2000  }
0x12e: {  	[sflag:s13] =	ssyncset.done $0x0  }
0x12f: {  	[sflag:s13] =	ssyncadd.s32 $0xFFFFE000  }
0x130: {  	_ =	swait.ge [sflag:s13], $0x800  }
0x131: {  	[sflag:s13] =	ssyncset.done $0x0  }
0x132: {  	[sflag:s13] =	ssyncadd.s32 $0xFFFFF800  }
0x133: {  	_ =	swait.ge [sflag:s13], $0x2000  }
0x134: {  	[sflag:s13] =	ssyncset.done $0x0  }
0x135: {  	[sflag:s13] =	ssyncadd.s32 $0xFFFFE000  }
0x136: {  	_ =	swait.ge [sflag:s13], $0x800  }
0x137: {  	[sflag:s13] =	ssyncset.done $0x0  }
0x138: {  	p0 =	sne.s32 s14, $0x480;
	[sflag:s13] =	ssyncadd.s32 $0xFFFFF800  }
.Ltmp0:
0x139: {  	_ =	swait.ge [sflag:s13], $0x2000;
	(pc) =	sbr.rel @p0 .LBB2_2-.Ltmp0, $4  }
0x13a: {  	[sflag:s13] =	ssyncset.done $0x0  }
0x13b: {  	[sflag:s13] =	ssyncadd.s32 $0xFFFFE000  }
0x13c: {  	_ =	swait.ge [sflag:s13], $0x800  }
0x13d: {  	s14 =	sadd.s32 $0x80, s14;
	s19 =	rddreg [dreg:$0x8];
	[sflag:s13] =	ssyncset.done $0x0  }
0x13e: {  	[sflag:s13] =	ssyncadd.s32 $0xFFFFF800;
	s14 =	sadd.s32 s9, s19  }
0x13f: {  	[tilespmem:s5], [sflag:$0x6] =	stream.linear.gather [hbm4b:s14+s5], $0x200, $0x38;
	[tilespmem:$0x1D800] =	vst v63  }
0x140: {  	_ =	swait.ge [sflag:s15], $0x200  }
0x141: {  	s22 =	rddreg [dreg:$0x7];
	[sflag:s15] =	ssyncset.done $0x0  }
0x142: {  	[sflag:s15] =	ssyncadd.s32 $0xFFFFFE00;
	s14 =	sadd.s32 s9, s22  }
0x143: {  	[tilespmem:s17], [sflag:$0x6] =	stream.linear.gather [hbm4b:s14+s5], $0x200, $0x38;
	[tilespmem:$0x1D800] =	vst v63  }
0x144: {  	_ =	swait.ge [sflag:s15], $0x200  }
0x145: {  	[sflag:s15] =	ssyncset.done $0x0  }
0x146: {  	s20 =	simm.s32 $0x800;
	[sflag:s15] =	ssyncadd.s32 $0xFFFFFE00  }
0x147: {  	[tilespmem:s20], [sflag:$0x1] =	stream.indirect.gather [hbm4b:s6+s18], $0x40, s5, s18, $0xb8;
	[tilespmem:$0x1D800] =	vst v63  }
0x148: {  	s21 =	simm.s32 $0x2800;
	s23 =	rddreg [dreg:$0x9]  }
0x149: {  	[tilespmem:s21], [sflag:$0x1] =	stream.indirect.gather [hbm4b:s6+s18], $0x40, s18, s18, $0xb8;
	[tilespmem:$0x1D800] =	vst v63  }
0x14a: {  	s22 =	simm.s32 $0x4800;
	s19 =	rddreg [dreg:$0xa]  }
0x14b: {  	[tilespmem:s22], [sflag:$0x1] =	stream.indirect.gather [hbm4b:s6+s18], $0x40, s23, s18, $0xb8;
	[tilespmem:$0x1D800] =	vst v63  }
0x14c: {  	s26 =	rddreg [dreg:$0x6];
	s23 =	simm.s32 $0x6800  }
0x14d: {  	[tilespmem:s23], [sflag:$0x1] =	stream.indirect.gather [hbm4b:s6+s18], $0x40, s19, s18, $0xb8;
	[tilespmem:$0x1D800] =	vst v63  }
0x14e: {  	s14 =	sadd.s32 s9, s26;
	s26 =	simm.s32 $0x200;
	s19 =	rddreg [dreg:$0x5]  }
0x14f: {  	[tilespmem:s26], [sflag:$0x5] =	stream.linear.gather [hbm4b:s14+s5], $0x200, $0x38;
	[tilespmem:$0x1D800] =	vst v63  }
0x150: {  	s19 =	sadd.s32 s9, s19  }
0x151: {  	[tilespmem:s24], [sflag:$0x5] =	stream.linear.gather [hbm4b:s19+s5], $0x200, $0x38;
	[tilespmem:$0x1D800] =	vst v63  }
0x152: {  	_ =	swait.ge [sflag:s25], $0x2000  }
0x153: {  	[sflag:s25] =	ssyncset.done $0x0  }
0x154: {  	[sflag:s25] =	ssyncadd.s32 $0xFFFFE000  }
0x155: {  	_ =	swait.ge [sflag:s25], $0x2000  }
0x156: {  	[sflag:s25] =	ssyncset.done $0x0  }
0x157: {  	[sflag:s25] =	ssyncadd.s32 $0xFFFFE000  }
0x158: {  	_ =	swait.ge [sflag:s25], $0x2000  }
0x159: {  	[sflag:s25] =	ssyncset.done $0x0  }
0x15a: {  	[sflag:s25] =	ssyncadd.s32 $0xFFFFE000  }
0x15b: {  	_ =	swait.ge [sflag:s25], $0x2000  }
0x15c: {  	[sflag:s25] =	ssyncset.done $0x0  }
0x15d: {  	[sflag:s25] =	ssyncadd.s32 $0xFFFFE000  }
0x15e: {  	[spmem:s3] =	stream.indirect.scatter.add.f32 [tilespmem:s20], [sflag:$0x3], $0x40, s17, s18, $0xb8;
	[tilespmem:$0x1D800] =	vst v63  }
0x15f: {  	_ = 	snop  }
0x160: {  	[spmem:s4] =	stream.indirect.scatter.add.f32 [tilespmem:s16], [sflag:$0x3], $0x10, s17, s18, $0xb8;
	[tilespmem:$0x1D800] =	vst v63  }
0x161: {  	s20 =	simm.s32 $0x480  }
0x162: {  	[spmem:s3] =	stream.indirect.scatter.add.f32 [tilespmem:s21], [sflag:$0x3], $0x40, s20, s18, $0xb8;
	[tilespmem:$0x1D800] =	vst v63  }
0x163: {  	_ = 	snop  }
0x164: {  	[spmem:s4] =	stream.indirect.scatter.add.f32 [tilespmem:s16], [sflag:$0x3], $0x10, s20, s18, $0xb8;
	[tilespmem:$0x1D800] =	vst v63  }
0x165: {  	s21 =	simm.s32 $0x500  }
0x166: {  	[spmem:s3] =	stream.indirect.scatter.add.f32 [tilespmem:s22], [sflag:$0x3], $0x40, s21, s18, $0xb8;
	[tilespmem:$0x1D800] =	vst v63  }
0x167: {  	_ = 	snop  }
0x168: {  	[spmem:s4] =	stream.indirect.scatter.add.f32 [tilespmem:s16], [sflag:$0x3], $0x10, s21, s18, $0xb8;
	[tilespmem:$0x1D800] =	vst v63  }
0x169: {  	s22 =	simm.s32 $0x580  }
0x16a: {  	[spmem:s3] =	stream.indirect.scatter.add.f32 [tilespmem:s23], [sflag:$0x3], $0x40, s22, s18, $0xb8;
	[tilespmem:$0x1D800] =	vst v63  }
0x16b: {  	_ = 	snop  }
0x16c: {  	[spmem:s4] =	stream.indirect.scatter.add.f32 [tilespmem:s16], [sflag:$0x3], $0x10, s22, s18, $0xb8;
	[tilespmem:$0x1D800] =	vst v63  }
0x16d: {  	_ =	swait.ge [sflag:s30], $0x200  }
0x16e: {  	[sflag:s30] =	ssyncset.done $0x0  }
0x16f: {  	[sflag:s30] =	ssyncadd.s32 $0xFFFFFE00  }
0x170: {  	_ =	swait.ge [sflag:s30], $0x200  }
0x171: {  	[sflag:s30] =	ssyncset.done $0x0  }
0x172: {  	[sflag:s30] =	ssyncadd.s32 $0xFFFFFE00  }
0x173: {  	[tilespmem:s31], [sflag:$0x2] =	stream.indirect.gather [hbm4b:s6+s18], $0x40, s26, s18, $0xb8;
	[tilespmem:$0x1D800] =	vst v63  }
0x174: {  	s23 =	rddreg [dreg:$0xb]  }
0x175: {  	[tilespmem:s0], [sflag:$0x2] =	stream.indirect.gather [hbm4b:s6+s18], $0x40, s23, s18, $0xb8;
	[tilespmem:$0x1D800] =	vst v63  }
0x176: {  	s26 =	rddreg [dreg:$0xc]  }
0x177: {  	[tilespmem:s2], [sflag:$0x2] =	stream.indirect.gather [hbm4b:s6+s18], $0x40, s26, s18, $0xb8;
	[tilespmem:$0x1D800] =	vst v63  }
0x178: {  	s19 =	rddreg [dreg:$0xd]  }
0x179: {  	[tilespmem:s1], [sflag:$0x2] =	stream.indirect.gather [hbm4b:s6+s18], $0x40, s19, s18, $0xb8;
	[tilespmem:$0x1D800] =	vst v63  }
0x17a: {  	_ =	swait.ge [sflag:s7], $0x2000  }
0x17b: {  	[sflag:s7] =	ssyncset.done $0x0  }
0x17c: {  	[sflag:s7] =	ssyncadd.s32 $0xFFFFE000  }
0x17d: {  	_ =	swait.ge [sflag:s7], $0x2000  }
0x17e: {  	[sflag:s7] =	ssyncset.done $0x0  }
0x17f: {  	[sflag:s7] =	ssyncadd.s32 $0xFFFFE000  }
0x180: {  	_ =	swait.ge [sflag:s7], $0x2000  }
0x181: {  	[sflag:s7] =	ssyncset.done $0x0  }
0x182: {  	[sflag:s7] =	ssyncadd.s32 $0xFFFFE000  }
0x183: {  	_ =	swait.ge [sflag:s7], $0x2000  }
0x184: {  	[sflag:s7] =	ssyncset.done $0x0  }
0x185: {  	[sflag:s7] =	ssyncadd.s32 $0xFFFFE000  }
0x186: {  	[spmem:s3] =	stream.indirect.scatter.add.f32 [tilespmem:s31], [sflag:$0x4], $0x40, s24, s18, $0xb8;
	[tilespmem:$0x1D800] =	vst v63  }
0x187: {  	_ = 	snop  }
0x188: {  	[spmem:s4] =	stream.indirect.scatter.add.f32 [tilespmem:s16], [sflag:$0x4], $0x10, s24, s18, $0xb8;
	[tilespmem:$0x1D800] =	vst v63  }
0x189: {  	_ = 	snop  }
0x18a: {  	[spmem:s3] =	stream.indirect.scatter.add.f32 [tilespmem:s0], [sflag:$0x4], $0x40, s8, s18, $0xb8;
	[tilespmem:$0x1D800] =	vst v63  }
0x18b: {  	_ = 	snop  }
0x18c: {  	[spmem:s4] =	stream.indirect.scatter.add.f32 [tilespmem:s16], [sflag:$0x4], $0x10, s8, s18, $0xb8;
	[tilespmem:$0x1D800] =	vst v63  }
0x18d: {  	_ = 	snop  }
0x18e: {  	[spmem:s3] =	stream.indirect.scatter.add.f32 [tilespmem:s2], [sflag:$0x4], $0x40, s10, s18, $0xb8;
	[tilespmem:$0x1D800] =	vst v63  }
0x18f: {  	_ = 	snop  }
0x190: {  	[spmem:s4] =	stream.indirect.scatter.add.f32 [tilespmem:s16], [sflag:$0x4], $0x10, s10, s18, $0xb8;
	[tilespmem:$0x1D800] =	vst v63  }
0x191: {  	_ = 	snop  }
0x192: {  	[spmem:s3] =	stream.indirect.scatter.add.f32 [tilespmem:s1], [sflag:$0x4], $0x40, s11, s18, $0xb8;
	[tilespmem:$0x1D800] =	vst v63  }
0x193: {  	_ = 	snop  }
0x194: {  	[spmem:s4] =	stream.indirect.scatter.add.f32 [tilespmem:s16], [sflag:$0x4], $0x10, s11, s18, $0xb8;
	[tilespmem:$0x1D800] =	vst v63  }
0x195: {  	_ =	swait.ge [sflag:s12], $0x2000  }
0x196: {  	[sflag:s12] =	ssyncset.done $0x0  }
0x197: {  	[sflag:s12] =	ssyncadd.s32 $0xFFFFE000  }
0x198: {  	_ =	swait.ge [sflag:s12], $0x800  }
0x199: {  	[sflag:s12] =	ssyncset.done $0x0  }
0x19a: {  	[sflag:s12] =	ssyncadd.s32 $0xFFFFF800  }
0x19b: {  	_ =	swait.ge [sflag:s12], $0x2000  }
0x19c: {  	[sflag:s12] =	ssyncset.done $0x0  }
0x19d: {  	[sflag:s12] =	ssyncadd.s32 $0xFFFFE000  }
0x19e: {  	_ =	swait.ge [sflag:s12], $0x800  }
0x19f: {  	[sflag:s12] =	ssyncset.done $0x0  }
0x1a0: {  	[sflag:s12] =	ssyncadd.s32 $0xFFFFF800  }
0x1a1: {  	_ =	swait.ge [sflag:s12], $0x2000  }
0x1a2: {  	[sflag:s12] =	ssyncset.done $0x0  }
0x1a3: {  	[sflag:s12] =	ssyncadd.s32 $0xFFFFE000  }
0x1a4: {  	_ =	swait.ge [sflag:s12], $0x800  }
0x1a5: {  	[sflag:s12] =	ssyncset.done $0x0  }
0x1a6: {  	[sflag:s12] =	ssyncadd.s32 $0xFFFFF800  }
0x1a7: {  	_ =	swait.ge [sflag:s12], $0x2000  }
0x1a8: {  	[sflag:s12] =	ssyncset.done $0x0  }
0x1a9: {  	[sflag:s12] =	ssyncadd.s32 $0xFFFFE000  }
0x1aa: {  	_ =	swait.ge [sflag:s12], $0x800  }
0x1ab: {  	[sflag:s12] =	ssyncset.done $0x0  }
0x1ac: {  	[sflag:s12] =	ssyncadd.s32 $0xFFFFF800  }
0x1ad: {  	_ =	swait.ge [sflag:s13], $0x2000  }
0x1ae: {  	[sflag:s13] =	ssyncset.done $0x0  }
0x1af: {  	[sflag:s13] =	ssyncadd.s32 $0xFFFFE000  }
0x1b0: {  	_ =	swait.ge [sflag:s13], $0x800  }
0x1b1: {  	[sflag:s13] =	ssyncset.done $0x0  }
0x1b2: {  	[sflag:s13] =	ssyncadd.s32 $0xFFFFF800  }
0x1b3: {  	_ =	swait.ge [sflag:s13], $0x2000  }
0x1b4: {  	[sflag:s13] =	ssyncset.done $0x0  }
0x1b5: {  	[sflag:s13] =	ssyncadd.s32 $0xFFFFE000  }
0x1b6: {  	_ =	swait.ge [sflag:s13], $0x800  }
0x1b7: {  	[sflag:s13] =	ssyncset.done $0x0  }
0x1b8: {  	[sflag:s13] =	ssyncadd.s32 $0xFFFFF800  }
0x1b9: {  	_ =	swait.ge [sflag:s13], $0x2000  }
0x1ba: {  	[sflag:s13] =	ssyncset.done $0x0  }
0x1bb: {  	[sflag:s13] =	ssyncadd.s32 $0xFFFFE000  }
0x1bc: {  	_ =	swait.ge [sflag:s13], $0x800  }
0x1bd: {  	[sflag:s13] =	ssyncset.done $0x0  }
0x1be: {  	[sflag:s13] =	ssyncadd.s32 $0xFFFFF800  }
0x1bf: {  	_ =	swait.ge [sflag:s13], $0x2000  }
0x1c0: {  	[sflag:s13] =	ssyncset.done $0x0  }
0x1c1: {  	[sflag:s13] =	ssyncadd.s32 $0xFFFFE000  }
0x1c2: {  	_ =	swait.ge [sflag:s13], $0x800  }
0x1c3: {  	[sflag:s13] =	ssyncset.done $0x0  }
0x1c4: {  	[sflag:s13] =	ssyncadd.s32 $0xFFFFF800  }
0x1c5: {  	[bflag:$0x0] =	sbarrier.arrive $0xFFFF  }
0x1c6: {  	s14 =	rddreg [dreg:$0x10]  }
0x1c7: {  	s20 =	rddreg [dreg:$0x12]  }
0x1c8: {  	s19 =	rddreg [dreg:$0x15]  }
0x1c9: {  	[hbm:s20], [sflag:s14] =	dma.local [spmem:s19], $0x1400  }
0x1ca: {  	_ =	swait.ge [sflag:s15], $0x1400  }
0x1cb: {  	[sflag:s15] =	ssyncset.done $0x0;
	s21 =	rddreg [dreg:$0x13]  }
0x1cc: {  	s22 =	rddreg [dreg:$0x17];
	[sflag:s15] =	ssyncadd.s32 $0xFFFFEC00  }
0x1cd: {  	[hbm:s21], [sflag:s14] =	dma.local [spmem:s22], $0x500  }
0x1ce: {  	_ =	swait.ge [sflag:s15], $0x500  }
0x1cf: {  	s23 =	rddreg [dreg:$0x16]  }
0x1d0: {  	s26 =	rddreg [dreg:$0x14];
	s20 =	sadd.s32 $0x1, s23  }
0x1d1: {  	p0 =	sne.s32 s20, s26  }
.Ltmp1:
0x1d2: {  	_ = 	snop;
	(pc) =	sbr.rel @p0 .LBB2_1-.Ltmp1, $3  }
0x1d3: {  	_ =	sdelay $0x1  }
0x1d4: {  	[sflag:s15] =	ssyncset.done $0x0  }
0x1d5: {  	[sflag:s15] =	ssyncadd.s32 $0xFFFFFB00  }
0x1d6: {  	_ =	sfence.sel $0x180000  }
0x1d7: {  	[bflag:$0x0] =	sbarrier.arrive $0xFFFF  }
0x1d8: {  	_ =	strace $0x90000047  }
0x1d9: {  	s0 =	stileid.u32;
	[bflag:$0x2] =	sbarrier.arrive $0xFFFF  }
0x1da: {  	p0 =	sne.s32 s0, $0x0;
	s0 =	rddreg [dreg:$0x4]  }
0x1db: {  	s0 =	sadd.s32 @!p0 $0x100000, s0  }
0x1dc: {  	[sflag:s0] =	ssyncadd.tile.s32 @!p0 $0x1;
	_ =	shalt  }
.Lfunc_end2:
_tile_overlayer_lowered:
.L_overlay_start_2:
0x1dd: {  	(tag) =	ssettag $0x2  }
0x1de: {  	s0 =	rddreg [dreg:$0x0];
	s2 =	stileid.u32  }
0x1df: {  	s1 =	rddreg [dreg:$0x1];
	p0 =	sne.s32 s2, $0x0  }
0x1e0: {  	s3 =	rddreg [dreg:$0x2];
	[bflag:$0x3] =	sbarrier.arrive $0xFFFF;
	s2 =	simm.s32 @!p0 $0x1C06  }
0x1e1: {  	[timem:s3], [sflag:s2] =	dma.local @!p0 [hbm:s0], s1  }
0x1e2: {  	s0 =	simm.s32 @!p0 $0x6  }
0x1e3: {  	_ =	swait.ge @!p0 [sflag:s0], s1  }
0x1e4: {  	s1 =	ssub.s32 @!p0 $0x0, s1;
	[sflag:s0] =	ssyncset.done @!p0 $0x0  }
0x1e5: {  	[sflag:s0] =	ssyncadd.s32 @!p0 s1  }
0x1e6: {  	[bflag:$0x3] =	sbarrier.arrive $0xFFFF  }
0x1e7: {  	_ =	shalt  }

</sc_bundles>
